<compile_context>
chip_gen: v7x
topology: tpu7x:2x2x1
jax: 0.10.2.dev20260603
libtpu: 0.0.44.dev20260713+nightly
codegen_flags: <defaults>
</compile_context>

<pallas_src>
import functools

import jax
import jax.numpy as jnp
from jax import lax
from jax.experimental import pallas as pl
from jax.experimental.pallas import tpu as pltpu
from jax.experimental.pallas import tpu_sc as plsc

_N = 10000
_E = 320000
_D = 128
_H = 128
_NE = 8
_NG = 64

_NW = 32
_NSUB = 16
_CH = 128
_NCH = 79
_E_PAD = _NW * _NCH * _CH
_N_PAD = 10240
_RPW = _N_PAD // _NSUB
_BLK = 1024
_GRID = _N_PAD // _BLK
_EB = 6400
_EGRID = _E // _EB
_NHI = _N_PAD // 128


@functools.cache
def _mesh():
    return plsc.VectorSubcoreMesh(core_axis_name="c", subcore_axis_name="s",
                                  num_cores=2, num_subcores=_NSUB)


def _edge_body(h_hbm, src_hbm, dst_hbm, acc_out, idx_v, src_v, dst_v, rows_v,
               acc_sh, sem):
    c = lax.axis_index("c")
    s = lax.axis_index("s")
    wid = s * 2 + c
    ar = jnp.arange(16, dtype=jnp.int32)

    for k in range(_RPW // _CH):
        base = s * _RPW + k * _CH
        for q in range(_CH // 16):
            idx_v[pl.ds(q * 16, 16)] = ar + (base + q * 16)
        pltpu.sync_copy(h_hbm.at[pl.ds(base, _CH)], rows_v)
        pltpu.sync_copy(rows_v, acc_sh.at[idx_v])
    pltpu.sync_copy(src_hbm.at[wid], src_v)
    pltpu.sync_copy(dst_hbm.at[wid], dst_v)
    plsc.subcore_barrier()

    def _chunk(j, _):
        pltpu.async_copy(h_hbm.at[src_v.at[j]], rows_v, sem).wait()
        pltpu.sync_copy(rows_v, acc_sh.at[dst_v.at[j]], add=True)
        return 0

    lax.fori_loop(0, _NCH, _chunk, 0)
    plsc.subcore_barrier()

    for k in range(_RPW // _CH):
        base = s * _RPW + k * _CH
        for q in range(_CH // 16):
            idx_v[pl.ds(q * 16, 16)] = ar + (base + q * 16)
        pltpu.async_copy(acc_sh.at[idx_v], rows_v, sem).wait()
        pltpu.sync_copy(rows_v, acc_out.at[pl.ds(c * _N_PAD + base, _CH)])


@functools.cache
def _build_edge_kernel():
    return pl.kernel(
        _edge_body,
        out_type=jax.ShapeDtypeStruct((2 * _N_PAD, _H), jnp.float32),
        scratch_types=[
            pltpu.VMEM((_CH,), jnp.int32),
            pltpu.VMEM((_NCH, _CH), jnp.int32),
            pltpu.VMEM((_NCH, _CH), jnp.int32),
            pltpu.VMEM((_CH, _H), jnp.float32),
            pltpu.VMEM_SHARED((_N_PAD, _H), jnp.float32),
            pltpu.SemaphoreType.DMA,
        ],
        mesh=_mesh(),
    )


def _edge_kernel(hp, srcp, dstp):
    return _build_edge_kernel()(hp, srcp, dstp)


def _hist_body(dst_ref, out_ref):
    i = pl.program_id(0)

    @pl.when(i == 0)
    def _init():
        out_ref[...] = jnp.zeros_like(out_ref)

    d = dst_ref[...]
    hi = d // 128
    lo = d - hi * 128
    oh_hi = (hi == lax.broadcasted_iota(jnp.int32, (1, _NHI), 1)
             ).astype(jnp.bfloat16)
    oh_lo = (lo == lax.broadcasted_iota(jnp.int32, (1, 128), 1)
             ).astype(jnp.bfloat16)
    out_ref[...] += lax.dot_general(oh_hi, oh_lo, (((0,), (0,)), ((), ())),
                                    preferred_element_type=jnp.float32)


def _hist(dst_col):
    return pl.pallas_call(
        _hist_body,
        grid=(_EGRID,),
        in_specs=[pl.BlockSpec((_EB, 1), lambda i: (i, 0))],
        out_specs=pl.BlockSpec((_NHI, 128), lambda i: (0, 0)),
        out_shape=jax.ShapeDtypeStruct((_NHI, 128), jnp.float32),
        compiler_params=pltpu.CompilerParams(
            dimension_semantics=("arbitrary",)),
    )(dst_col)


def _k2_body(x_ref, w_ref, deg_ref, h1p_ref, dinv_ref):
    h = jnp.dot(x_ref[...], w_ref[...], preferred_element_type=jnp.float32)
    dinv = lax.rsqrt(deg_ref[...] + 1.0)
    h1p_ref[...] = h * dinv
    dinv_ref[...] = dinv


def _k2(xp, W1, deg_col):
    return pl.pallas_call(
        _k2_body,
        grid=(_GRID,),
        in_specs=[
            pl.BlockSpec((_BLK, _D), lambda i: (i, 0)),
            pl.BlockSpec((_D, _H), lambda i: (0, 0)),
            pl.BlockSpec((_BLK, 1), lambda i: (i, 0)),
        ],
        out_specs=[
            pl.BlockSpec((_BLK, _H), lambda i: (i, 0)),
            pl.BlockSpec((_BLK, 1), lambda i: (i, 0)),
        ],
        out_shape=[
            jax.ShapeDtypeStruct((_N_PAD, _H), jnp.float32),
            jax.ShapeDtypeStruct((_N_PAD, 1), jnp.float32),
        ],
    )(xp, W1, deg_col)


def _k4_body(a_ref, hp_ref, dinv_ref, b_ref, w_ref, out_ref):
    a = a_ref[0] + a_ref[1]
    dinv = dinv_ref[...]
    g = jnp.maximum(dinv * (a - hp_ref[...]) + b_ref[...], 0.0)
    h = jnp.dot(g, w_ref[...], preferred_element_type=jnp.float32)
    out_ref[...] = h * dinv


def _k4(acc, h1p, dinv, b1, W2):
    return pl.pallas_call(
        _k4_body,
        grid=(_GRID,),
        in_specs=[
            pl.BlockSpec((2, _BLK, _H), lambda i: (0, i, 0)),
            pl.BlockSpec((_BLK, _H), lambda i: (i, 0)),
            pl.BlockSpec((_BLK, 1), lambda i: (i, 0)),
            pl.BlockSpec((1, _H), lambda i: (0, 0)),
            pl.BlockSpec((_H, _H), lambda i: (0, 0)),
        ],
        out_specs=pl.BlockSpec((_BLK, _H), lambda i: (i, 0)),
        out_shape=jax.ShapeDtypeStruct((_N_PAD, _H), jnp.float32),
    )(acc, h1p, dinv, b1, W2)


def _k6_body(a_ref, hp_ref, dinv_ref, b_ref, wlin_ref, blin_ref, batch_ref,
             out_ref, seg_acc, cnt_acc):
    i = pl.program_id(0)

    @pl.when(i == 0)
    def _init():
        seg_acc[...] = jnp.zeros_like(seg_acc)
        cnt_acc[...] = jnp.zeros_like(cnt_acc)

    a = a_ref[0] + a_ref[1]
    h = dinv_ref[...] * (a - hp_ref[...]) + b_ref[...]
    logits = jnp.dot(h, wlin_ref[...],
                     preferred_element_type=jnp.float32) + blin_ref[...]
    gids = lax.broadcasted_iota(jnp.int32, (1, _NG), 1)
    oh = (batch_ref[...] == gids).astype(jnp.float32)
    seg_acc[...] += lax.dot_general(oh, logits, (((0,), (0,)), ((), ())),
                                    preferred_element_type=jnp.float32)
    cnt_acc[...] += jnp.sum(oh, axis=0)[:, None]

    @pl.when(i == pl.num_programs(0) - 1)
    def _fin():
        pooled = seg_acc[...] / jnp.maximum(cnt_acc[...], 1.0)
        m = jnp.max(pooled, axis=1, keepdims=True)
        lse = jnp.log(jnp.sum(jnp.exp(pooled - m), axis=1, keepdims=True)) + m
        out_ref[...] = pooled - lse


def _k6(acc, h2p, dinv, b2, Wlin, blin, batchp):
    return pl.pallas_call(
        _k6_body,
        grid=(_GRID,),
        in_specs=[
            pl.BlockSpec((2, _BLK, _H), lambda i: (0, i, 0)),
            pl.BlockSpec((_BLK, _H), lambda i: (i, 0)),
            pl.BlockSpec((_BLK, 1), lambda i: (i, 0)),
            pl.BlockSpec((1, _H), lambda i: (0, 0)),
            pl.BlockSpec((_H, _NE), lambda i: (0, 0)),
            pl.BlockSpec((1, _NE), lambda i: (0, 0)),
            pl.BlockSpec((_BLK, 1), lambda i: (i, 0)),
        ],
        out_specs=pl.BlockSpec((_NG, _NE), lambda i: (0, 0)),
        out_shape=jax.ShapeDtypeStruct((_NG, _NE), jnp.float32),
        scratch_shapes=[
            pltpu.VMEM((_NG, _NE), jnp.float32),
            pltpu.VMEM((_NG, 1), jnp.float32),
        ],
        compiler_params=pltpu.CompilerParams(
            dimension_semantics=("arbitrary",)),
    )(acc, h2p, dinv, b2, Wlin, blin, batchp)


def kernel(x, edge_index, batch, W1, b1, W2, b2, Wlin, blin):
    pad_e = _E_PAD - _E
    fill = _N + (jnp.arange(pad_e, dtype=jnp.int32) % (_N_PAD - _N))
    srcp = jnp.concatenate([edge_index[0], fill]).reshape(_NW, _NCH, _CH)
    dstp = jnp.concatenate([edge_index[1], fill]).reshape(_NW, _NCH, _CH)
    xp = jnp.zeros((_N_PAD, _D), jnp.float32).at[:_N].set(x)
    batchp = jnp.full((_N_PAD, 1), _NG, jnp.int32).at[:_N, 0].set(batch)

    deg_col = _hist(edge_index[1].reshape(_E, 1)).reshape(_N_PAD, 1)
    h1p, dinv = _k2(xp, W1, deg_col)
    acc1 = _edge_kernel(h1p, srcp, dstp).reshape(2, _N_PAD, _H)
    h2p = _k4(acc1, h1p, dinv, b1.reshape(1, _H), W2)
    acc2 = _edge_kernel(h2p, srcp, dstp).reshape(2, _N_PAD, _H)
    return _k6(acc2, h2p, dinv, b2.reshape(1, _H), Wlin, blin.reshape(1, _NE),
               batchp)

# --- scband reference (transcript-rebuilt; emitter-appended) ---
"""Pipeline reference for scband-gating-gcn-18743237280393 (READ-ONLY COPY).

The authoritative reference and input builder live on the scoring server;
editing this copy changes nothing except your own understanding.
"""

import jax, jax.numpy as jnp
import numpy as np

N = 10000
E = 320000
D = 128
H = 128
NE = 8
NG = 64


def setup_inputs(seed: int = 0) -> dict:
    key = jax.random.key(seed)
    ks = jax.random.split(key, 10)
    x = jax.random.normal(ks[0], (N, D), dtype=jnp.float32)
    edge_index = jax.random.randint(ks[1], (2, E), 0, N, dtype=jnp.int32)
    batch = jnp.sort(jax.random.randint(ks[2], (N,), 0, NG, dtype=jnp.int32))
    W1 = jax.random.normal(ks[3], (D, H), dtype=jnp.float32) * (1.0 / np.sqrt(D))
    b1 = jnp.zeros((H,), dtype=jnp.float32)
    W2 = jax.random.normal(ks[4], (H, H), dtype=jnp.float32) * (1.0 / np.sqrt(H))
    b2 = jnp.zeros((H,), dtype=jnp.float32)
    Wlin = jax.random.normal(ks[5], (H, NE), dtype=jnp.float32) * (1.0 / np.sqrt(H))
    blin = jnp.zeros((NE,), dtype=jnp.float32)
    return {"x": x, "edge_index": edge_index, "batch": batch,
            "W1": W1, "b1": b1, "W2": W2, "b2": b2, "Wlin": Wlin, "blin": blin}


def _gcn_conv(x, edge_index, W, b):
    n = x.shape[0]
    loop = jnp.arange(n, dtype=edge_index.dtype)
    src = jnp.concatenate([edge_index[0], loop])
    dst = jnp.concatenate([edge_index[1], loop])
    ones = jnp.ones(src.shape[0], dtype=x.dtype)
    deg = jnp.zeros((n,), dtype=x.dtype).at[dst].add(ones)
    dinv = jnp.where(deg > 0, jax.lax.rsqrt(deg), 0.0)
    norm = dinv[src] * dinv[dst]
    h = x @ W
    msg = h[src] * norm[:, None]
    out = jnp.zeros_like(h).at[dst].add(msg)
    return out + b


def reference(x, edge_index, batch, W1, b1, W2, b2, Wlin, blin):
    # conv1 + relu (dropout is identity in eval mode)
    h = _gcn_conv(x, edge_index, W1, b1)
    h = jax.nn.relu(h)
    # conv2
    h = _gcn_conv(h, edge_index, W2, b2)
    # linear gating head
    logits = h @ Wlin + blin
    # global mean pool over graphs
    seg_sum = jax.ops.segment_sum(logits, batch, num_segments=NG)
    counts = jax.ops.segment_sum(jnp.ones((N,), dtype=logits.dtype), batch, num_segments=NG)
    pooled = seg_sum / jnp.maximum(counts, 1.0)[:, None]
    return jax.nn.log_softmax(pooled, axis=1)

if __name__ == "__main__":
    import jax
    _d = setup_inputs()
    print(jax.jit(kernel)(*tuple(_d.values())))

</pallas_src>

<mosaic_0001>
#map = affine_map<(d0, d1) -> (0, 0)>
#map1 = affine_map<(d0, d1) -> (0, 0, 0)>
module attributes {stable_mosaic.version = 14 : i64} {
  func.func @_edge_body(%arg0: i32, %arg1: i32, %arg2: memref<10240x128xf32, #tpu.memory_space<hbm>>, %arg3: memref<32x79x128xi32, #tpu.memory_space<hbm>>, %arg4: memref<32x79x128xi32, #tpu.memory_space<hbm>>, %arg5: memref<20480x128xf32, #tpu.memory_space<hbm>>, %arg6: memref<128xi32, #tpu.memory_space<vmem>>, %arg7: memref<79x128xi32, #tpu.memory_space<vmem>>, %arg8: memref<79x128xi32, #tpu.memory_space<vmem>>, %arg9: memref<128x128xf32, #tpu.memory_space<vmem>>, %arg10: memref<10240x128xf32, #tpu.memory_space<vmem_shared>>, %arg11: memref<!tpu.dma_semaphore, #tpu.memory_space<semaphore_mem>>) attributes {dimension_semantics = [#tpu.dimension_semantics<core_parallel>, #tpu.dimension_semantics<subcore_parallel>], iteration_bounds = array<i64: 2, 16>, scalar_prefetch = 0 : i64, scratch_operands = 6 : i64, tpu.core_type = #tpu.core_type<sc_vector_subcore>, window_params = [{transform_indices = #map}, {transform_indices = #map1}, {transform_indices = #map1}, {transform_indices = #map}]} {
    %mul3A = arith.constant 2 : i32
    %mul3A_0 = arith.muli %arg1, %mul3A : i32
    %add3A = arith.addi %mul3A_0, %arg0 : i32
    %iota3A = tpu.iota {dimensions = array<i32: 0>} : vector<16xi32>
    %mul3A_1 = arith.constant 640 : i32
    %mul3A_2 = arith.muli %arg1, %mul3A_1 : i32
    %add3A_3 = arith.constant 0 : i32
    %add3A_4 = arith.addi %mul3A_2, %add3A_3 : i32
    %add3A_5 = arith.constant 0 : i32
    %add3A_6 = arith.addi %add3A_4, %add3A_5 : i32
    %add3A_7 = vector.broadcast %add3A_6 : i32 to vector<16xi32>
    %add3A_8 = arith.addi %iota3A, %add3A_7 : vector<16xi32>
    %swap3A = arith.constant 0 : index
    %swap3A_9 = tpu.vector_load %arg6[%swap3A] {strides = array<i32>} : memref<128xi32, #tpu.memory_space<vmem>>, vector<16xi32>,
    %swap3A_10 = vector.shape_cast %swap3A_9 : vector<16xi32> to vector<16xi32>
    %swap3A_11 = vector.shape_cast %add3A_8 : vector<16xi32> to vector<16xi32>
    tpu.vector_store %arg6[%swap3A], %swap3A_11 {strides = array<i32>} : memref<128xi32, #tpu.memory_space<vmem>>, vector<16xi32>,
    %add3A_12 = arith.constant 16 : i32
    %add3A_13 = arith.addi %add3A_4, %add3A_12 : i32
    %add3A_14 = vector.broadcast %add3A_13 : i32 to vector<16xi32>
    %add3A_15 = arith.addi %iota3A, %add3A_14 : vector<16xi32>
    %swap3A_16 = arith.constant 16 : index
    %swap3A_17 = tpu.vector_load %arg6[%swap3A_16] {strides = array<i32>} : memref<128xi32, #tpu.memory_space<vmem>>, vector<16xi32>,
    %swap3A_18 = vector.shape_cast %swap3A_17 : vector<16xi32> to vector<16xi32>
    %swap3A_19 = vector.shape_cast %add3A_15 : vector<16xi32> to vector<16xi32>
    tpu.vector_store %arg6[%swap3A_16], %swap3A_19 {strides = array<i32>} : memref<128xi32, #tpu.memory_space<vmem>>, vector<16xi32>,
    %add3A_20 = arith.constant 32 : i32
    %add3A_21 = arith.addi %add3A_4, %add3A_20 : i32
    %add3A_22 = vector.broadcast %add3A_21 : i32 to vector<16xi32>
    %add3A_23 = arith.addi %iota3A, %add3A_22 : vector<16xi32>
    %swap3A_24 = arith.constant 32 : index
    %swap3A_25 = tpu.vector_load %arg6[%swap3A_24] {strides = array<i32>} : memref<128xi32, #tpu.memory_space<vmem>>, vector<16xi32>,
    %swap3A_26 = vector.shape_cast %swap3A_25 : vector<16xi32> to vector<16xi32>
    %swap3A_27 = vector.shape_cast %add3A_23 : vector<16xi32> to vector<16xi32>
    tpu.vector_store %arg6[%swap3A_24], %swap3A_27 {strides = array<i32>} : memref<128xi32, #tpu.memory_space<vmem>>, vector<16xi32>,
    %add3A_28 = arith.constant 48 : i32
    %add3A_29 = arith.addi %add3A_4, %add3A_28 : i32
    %add3A_30 = vector.broadcast %add3A_29 : i32 to vector<16xi32>
    %add3A_31 = arith.addi %iota3A, %add3A_30 : vector<16xi32>
    %swap3A_32 = arith.constant 48 : index
    %swap3A_33 = tpu.vector_load %arg6[%swap3A_32] {strides = array<i32>} : memref<128xi32, #tpu.memory_space<vmem>>, vector<16xi32>,
    %swap3A_34 = vector.shape_cast %swap3A_33 : vector<16xi32> to vector<16xi32>
    %swap3A_35 = vector.shape_cast %add3A_31 : vector<16xi32> to vector<16xi32>
    tpu.vector_store %arg6[%swap3A_32], %swap3A_35 {strides = array<i32>} : memref<128xi32, #tpu.memory_space<vmem>>, vector<16xi32>,
    %add3A_36 = arith.constant 64 : i32
    %add3A_37 = arith.addi %add3A_4, %add3A_36 : i32
    %add3A_38 = vector.broadcast %add3A_37 : i32 to vector<16xi32>
    %add3A_39 = arith.addi %iota3A, %add3A_38 : vector<16xi32>
    %swap3A_40 = arith.constant 64 : index
    %swap3A_41 = tpu.vector_load %arg6[%swap3A_40] {strides = array<i32>} : memref<128xi32, #tpu.memory_space<vmem>>, vector<16xi32>,
    %swap3A_42 = vector.shape_cast %swap3A_41 : vector<16xi32> to vector<16xi32>
    %swap3A_43 = vector.shape_cast %add3A_39 : vector<16xi32> to vector<16xi32>
    tpu.vector_store %arg6[%swap3A_40], %swap3A_43 {strides = array<i32>} : memref<128xi32, #tpu.memory_space<vmem>>, vector<16xi32>,
    %add3A_44 = arith.constant 80 : i32
    %add3A_45 = arith.addi %add3A_4, %add3A_44 : i32
    %add3A_46 = vector.broadcast %add3A_45 : i32 to vector<16xi32>
    %add3A_47 = arith.addi %iota3A, %add3A_46 : vector<16xi32>
    %swap3A_48 = arith.constant 80 : index
    %swap3A_49 = tpu.vector_load %arg6[%swap3A_48] {strides = array<i32>} : memref<128xi32, #tpu.memory_space<vmem>>, vector<16xi32>,
    %swap3A_50 = vector.shape_cast %swap3A_49 : vector<16xi32> to vector<16xi32>
    %swap3A_51 = vector.shape_cast %add3A_47 : vector<16xi32> to vector<16xi32>
    tpu.vector_store %arg6[%swap3A_48], %swap3A_51 {strides = array<i32>} : memref<128xi32, #tpu.memory_space<vmem>>, vector<16xi32>,
    %add3A_52 = arith.constant 96 : i32
    %add3A_53 = arith.addi %add3A_4, %add3A_52 : i32
    %add3A_54 = vector.broadcast %add3A_53 : i32 to vector<16xi32>
    %add3A_55 = arith.addi %iota3A, %add3A_54 : vector<16xi32>
    %swap3A_56 = arith.constant 96 : index
    %swap3A_57 = tpu.vector_load %arg6[%swap3A_56] {strides = array<i32>} : memref<128xi32, #tpu.memory_space<vmem>>, vector<16xi32>,
    %swap3A_58 = vector.shape_cast %swap3A_57 : vector<16xi32> to vector<16xi32>
    %swap3A_59 = vector.shape_cast %add3A_55 : vector<16xi32> to vector<16xi32>
    tpu.vector_store %arg6[%swap3A_56], %swap3A_59 {strides = array<i32>} : memref<128xi32, #tpu.memory_space<vmem>>, vector<16xi32>,
    %add3A_60 = arith.constant 112 : i32
    %add3A_61 = arith.addi %add3A_4, %add3A_60 : i32
    %add3A_62 = vector.broadcast %add3A_61 : i32 to vector<16xi32>
    %add3A_63 = arith.addi %iota3A, %add3A_62 : vector<16xi32>
    %swap3A_64 = arith.constant 112 : index
    %swap3A_65 = tpu.vector_load %arg6[%swap3A_64] {strides = array<i32>} : memref<128xi32, #tpu.memory_space<vmem>>, vector<16xi32>,
    %swap3A_66 = vector.shape_cast %swap3A_65 : vector<16xi32> to vector<16xi32>
    %swap3A_67 = vector.shape_cast %add3A_63 : vector<16xi32> to vector<16xi32>
    tpu.vector_store %arg6[%swap3A_64], %swap3A_67 {strides = array<i32>} : memref<128xi32, #tpu.memory_space<vmem>>, vector<16xi32>,
    "tpu.region"() ({
      %run_scoped3A = tpu.sem_alloc : memref<!tpu.dma_semaphore, #tpu.memory_space<semaphore_mem>>
      %dma_start3A_730 = arith.constant 0 : i32
      %dma_start3A_731 = tpu.memref_slice %arg2[%add3A_4, %dma_start3A_730] : memref<10240x128xf32, #tpu.memory_space<hbm>> -> memref<128x128xf32, #tpu.memory_space<hbm>>
      %dma_start3A_732 = arith.constant 0 : i32
      %dma_start3A_733 = tpu.memref_slice %arg2[%add3A_4, %dma_start3A_732] : memref<10240x128xf32, #tpu.memory_space<hbm>> -> memref<128x128xf32, #tpu.memory_space<hbm>>
      tpu.enqueue_dma source(%dma_start3A_733 : memref<128x128xf32, #tpu.memory_space<hbm>>) target(%arg9 : memref<128x128xf32, #tpu.memory_space<vmem>>) target_semaphore(%run_scoped3A : memref<!tpu.dma_semaphore, #tpu.memory_space<semaphore_mem>>)
      %dma_wait3A_734 = arith.constant 0 : i32
      %dma_wait3A_735 = tpu.memref_slice %arg2[%add3A_4, %dma_wait3A_734] : memref<10240x128xf32, #tpu.memory_space<hbm>> -> memref<128x128xf32, #tpu.memory_space<hbm>>
      %dma_wait3A_736 = arith.constant 0 : i32
      %dma_wait3A_737 = tpu.memref_slice %arg2[%add3A_4, %dma_wait3A_736] : memref<10240x128xf32, #tpu.memory_space<hbm>> -> memref<128x128xf32, #tpu.memory_space<hbm>>
      tpu.wait_dma2 semaphore(%run_scoped3A : memref<!tpu.dma_semaphore, #tpu.memory_space<semaphore_mem>>) src(%dma_wait3A_737 : memref<128x128xf32, #tpu.memory_space<hbm>>) dst(%arg9 : memref<128x128xf32, #tpu.memory_space<vmem>>)
      tpu.yield
    }) : () -> ()
    "tpu.region"() ({
      %run_scoped3A = tpu.sem_alloc : memref<!tpu.dma_semaphore, #tpu.memory_space<semaphore_mem>>
      %dma_start3A_730 = arith.constant 0 : i32
      %dma_start3A_731 = arith.constant 0 : i32
      %dma_start3A_732 = tpu.memref_slice %arg10[%dma_start3A_730, %dma_start3A_731] : memref<10240x128xf32, #tpu.memory_space<vmem_shared>> -> memref<10240x128xf32, #tpu.memory_space<vmem_shared>>
      tpu.enqueue_indirect_dma source(%arg9 : memref<128x128xf32, #tpu.memory_space<vmem>>) target(%dma_start3A_732 : memref<10240x128xf32, #tpu.memory_space<vmem_shared>>) offsets(%arg6 : memref<128xi32, #tpu.memory_space<vmem>>) semaphore(%run_scoped3A : memref<!tpu.dma_semaphore, #tpu.memory_space<semaphore_mem>>)
      %dma_wait3A_733 = arith.constant 0 : i32
      %dma_wait3A_734 = arith.constant 0 : i32
      %dma_wait3A_735 = tpu.memref_slice %arg10[%dma_wait3A_733, %dma_wait3A_734] : memref<10240x128xf32, #tpu.memory_space<vmem_shared>> -> memref<10240x128xf32, #tpu.memory_space<vmem_shared>>
      tpu.wait_indirect_dma semaphore(%run_scoped3A : memref<!tpu.dma_semaphore, #tpu.memory_space<semaphore_mem>>) src(%arg9 : memref<128x128xf32, #tpu.memory_space<vmem>>) dst(%dma_wait3A_735 : memref<10240x128xf32, #tpu.memory_space<vmem_shared>>)
      tpu.yield
    }) : () -> ()
    %mul3A_68 = arith.constant 640 : i32
    %mul3A_69 = arith.muli %arg1, %mul3A_68 : i32
    %add3A_70 = arith.constant 128 : i32
    %add3A_71 = arith.addi %mul3A_69, %add3A_70 : i32
    %add3A_72 = arith.constant 0 : i32
    %add3A_73 = arith.addi %add3A_71, %add3A_72 : i32
    %add3A_74 = vector.broadcast %add3A_73 : i32 to vector<16xi32>
    %add3A_75 = arith.addi %iota3A, %add3A_74 : vector<16xi32>
    %swap3A_76 = arith.constant 0 : index
    %swap3A_77 = tpu.vector_load %arg6[%swap3A_76] {strides = array<i32>} : memref<128xi32, #tpu.memory_space<vmem>>, vector<16xi32>,
    %swap3A_78 = vector.shape_cast %swap3A_77 : vector<16xi32> to vector<16xi32>
    %swap3A_79 = vector.shape_cast %add3A_75 : vector<16xi32> to vector<16xi32>
    tpu.vector_store %arg6[%swap3A_76], %swap3A_79 {strides = array<i32>} : memref<128xi32, #tpu.memory_space<vmem>>, vector<16xi32>,
    %add3A_80 = arith.constant 16 : i32
    %add3A_81 = arith.addi %add3A_71, %add3A_80 : i32
    %add3A_82 = vector.broadcast %add3A_81 : i32 to vector<16xi32>
    %add3A_83 = arith.addi %iota3A, %add3A_82 : vector<16xi32>
    %swap3A_84 = arith.constant 16 : index
    %swap3A_85 = tpu.vector_load %arg6[%swap3A_84] {strides = array<i32>} : memref<128xi32, #tpu.memory_space<vmem>>, vector<16xi32>,
    %swap3A_86 = vector.shape_cast %swap3A_85 : vector<16xi32> to vector<16xi32>
    %swap3A_87 = vector.shape_cast %add3A_83 : vector<16xi32> to vector<16xi32>
    tpu.vector_store %arg6[%swap3A_84], %swap3A_87 {strides = array<i32>} : memref<128xi32, #tpu.memory_space<vmem>>, vector<16xi32>,
    %add3A_88 = arith.constant 32 : i32
    %add3A_89 = arith.addi %add3A_71, %add3A_88 : i32
    %add3A_90 = vector.broadcast %add3A_89 : i32 to vector<16xi32>
    %add3A_91 = arith.addi %iota3A, %add3A_90 : vector<16xi32>
    %swap3A_92 = arith.constant 32 : index
    %swap3A_93 = tpu.vector_load %arg6[%swap3A_92] {strides = array<i32>} : memref<128xi32, #tpu.memory_space<vmem>>, vector<16xi32>,
    %swap3A_94 = vector.shape_cast %swap3A_93 : vector<16xi32> to vector<16xi32>
    %swap3A_95 = vector.shape_cast %add3A_91 : vector<16xi32> to vector<16xi32>
    tpu.vector_store %arg6[%swap3A_92], %swap3A_95 {strides = array<i32>} : memref<128xi32, #tpu.memory_space<vmem>>, vector<16xi32>,
    %add3A_96 = arith.constant 48 : i32
    %add3A_97 = arith.addi %add3A_71, %add3A_96 : i32
    %add3A_98 = vector.broadcast %add3A_97 : i32 to vector<16xi32>
    %add3A_99 = arith.addi %iota3A, %add3A_98 : vector<16xi32>
    %swap3A_100 = arith.constant 48 : index
    %swap3A_101 = tpu.vector_load %arg6[%swap3A_100] {strides = array<i32>} : memref<128xi32, #tpu.memory_space<vmem>>, vector<16xi32>,
    %swap3A_102 = vector.shape_cast %swap3A_101 : vector<16xi32> to vector<16xi32>
    %swap3A_103 = vector.shape_cast %add3A_99 : vector<16xi32> to vector<16xi32>
    tpu.vector_store %arg6[%swap3A_100], %swap3A_103 {strides = array<i32>} : memref<128xi32, #tpu.memory_space<vmem>>, vector<16xi32>,
    %add3A_104 = arith.constant 64 : i32
    %add3A_105 = arith.addi %add3A_71, %add3A_104 : i32
    %add3A_106 = vector.broadcast %add3A_105 : i32 to vector<16xi32>
    %add3A_107 = arith.addi %iota3A, %add3A_106 : vector<16xi32>
    %swap3A_108 = arith.constant 64 : index
    %swap3A_109 = tpu.vector_load %arg6[%swap3A_108] {strides = array<i32>} : memref<128xi32, #tpu.memory_space<vmem>>, vector<16xi32>,
    %swap3A_110 = vector.shape_cast %swap3A_109 : vector<16xi32> to vector<16xi32>
    %swap3A_111 = vector.shape_cast %add3A_107 : vector<16xi32> to vector<16xi32>
    tpu.vector_store %arg6[%swap3A_108], %swap3A_111 {strides = array<i32>} : memref<128xi32, #tpu.memory_space<vmem>>, vector<16xi32>,
    %add3A_112 = arith.constant 80 : i32
    %add3A_113 = arith.addi %add3A_71, %add3A_112 : i32
    %add3A_114 = vector.broadcast %add3A_113 : i32 to vector<16xi32>
    %add3A_115 = arith.addi %iota3A, %add3A_114 : vector<16xi32>
    %swap3A_116 = arith.constant 80 : index
    %swap3A_117 = tpu.vector_load %arg6[%swap3A_116] {strides = array<i32>} : memref<128xi32, #tpu.memory_space<vmem>>, vector<16xi32>,
    %swap3A_118 = vector.shape_cast %swap3A_117 : vector<16xi32> to vector<16xi32>
    %swap3A_119 = vector.shape_cast %add3A_115 : vector<16xi32> to vector<16xi32>
    tpu.vector_store %arg6[%swap3A_116], %swap3A_119 {strides = array<i32>} : memref<128xi32, #tpu.memory_space<vmem>>, vector<16xi32>,
    %add3A_120 = arith.constant 96 : i32
    %add3A_121 = arith.addi %add3A_71, %add3A_120 : i32
    %add3A_122 = vector.broadcast %add3A_121 : i32 to vector<16xi32>
    %add3A_123 = arith.addi %iota3A, %add3A_122 : vector<16xi32>
    %swap3A_124 = arith.constant 96 : index
    %swap3A_125 = tpu.vector_load %arg6[%swap3A_124] {strides = array<i32>} : memref<128xi32, #tpu.memory_space<vmem>>, vector<16xi32>,
    %swap3A_126 = vector.shape_cast %swap3A_125 : vector<16xi32> to vector<16xi32>
    %swap3A_127 = vector.shape_cast %add3A_123 : vector<16xi32> to vector<16xi32>
    tpu.vector_store %arg6[%swap3A_124], %swap3A_127 {strides = array<i32>} : memref<128xi32, #tpu.memory_space<vmem>>, vector<16xi32>,
    %add3A_128 = arith.constant 112 : i32
    %add3A_129 = arith.addi %add3A_71, %add3A_128 : i32
    %add3A_130 = vector.broadcast %add3A_129 : i32 to vector<16xi32>
    %add3A_131 = arith.addi %iota3A, %add3A_130 : vector<16xi32>
    %swap3A_132 = arith.constant 112 : index
    %swap3A_133 = tpu.vector_load %arg6[%swap3A_132] {strides = array<i32>} : memref<128xi32, #tpu.memory_space<vmem>>, vector<16xi32>,
    %swap3A_134 = vector.shape_cast %swap3A_133 : vector<16xi32> to vector<16xi32>
    %swap3A_135 = vector.shape_cast %add3A_131 : vector<16xi32> to vector<16xi32>
    tpu.vector_store %arg6[%swap3A_132], %swap3A_135 {strides = array<i32>} : memref<128xi32, #tpu.memory_space<vmem>>, vector<16xi32>,
    "tpu.region"() ({
      %run_scoped3A = tpu.sem_alloc : memref<!tpu.dma_semaphore, #tpu.memory_space<semaphore_mem>>
      %dma_start3A_730 = arith.constant 0 : i32
      %dma_start3A_731 = tpu.memref_slice %arg2[%add3A_71, %dma_start3A_730] : memref<10240x128xf32, #tpu.memory_space<hbm>> -> memref<128x128xf32, #tpu.memory_space<hbm>>
      %dma_start3A_732 = arith.constant 0 : i32
      %dma_start3A_733 = tpu.memref_slice %arg2[%add3A_71, %dma_start3A_732] : memref<10240x128xf32, #tpu.memory_space<hbm>> -> memref<128x128xf32, #tpu.memory_space<hbm>>
      tpu.enqueue_dma source(%dma_start3A_733 : memref<128x128xf32, #tpu.memory_space<hbm>>) target(%arg9 : memref<128x128xf32, #tpu.memory_space<vmem>>) target_semaphore(%run_scoped3A : memref<!tpu.dma_semaphore, #tpu.memory_space<semaphore_mem>>)
      %dma_wait3A_734 = arith.constant 0 : i32
      %dma_wait3A_735 = tpu.memref_slice %arg2[%add3A_71, %dma_wait3A_734] : memref<10240x128xf32, #tpu.memory_space<hbm>> -> memref<128x128xf32, #tpu.memory_space<hbm>>
      %dma_wait3A_736 = arith.constant 0 : i32
      %dma_wait3A_737 = tpu.memref_slice %arg2[%add3A_71, %dma_wait3A_736] : memref<10240x128xf32, #tpu.memory_space<hbm>> -> memref<128x128xf32, #tpu.memory_space<hbm>>
      tpu.wait_dma2 semaphore(%run_scoped3A : memref<!tpu.dma_semaphore, #tpu.memory_space<semaphore_mem>>) src(%dma_wait3A_737 : memref<128x128xf32, #tpu.memory_space<hbm>>) dst(%arg9 : memref<128x128xf32, #tpu.memory_space<vmem>>)
      tpu.yield
    }) : () -> ()
    "tpu.region"() ({
      %run_scoped3A = tpu.sem_alloc : memref<!tpu.dma_semaphore, #tpu.memory_space<semaphore_mem>>
      %dma_start3A_730 = arith.constant 0 : i32
      %dma_start3A_731 = arith.constant 0 : i32
      %dma_start3A_732 = tpu.memref_slice %arg10[%dma_start3A_730, %dma_start3A_731] : memref<10240x128xf32, #tpu.memory_space<vmem_shared>> -> memref<10240x128xf32, #tpu.memory_space<vmem_shared>>
      tpu.enqueue_indirect_dma source(%arg9 : memref<128x128xf32, #tpu.memory_space<vmem>>) target(%dma_start3A_732 : memref<10240x128xf32, #tpu.memory_space<vmem_shared>>) offsets(%arg6 : memref<128xi32, #tpu.memory_space<vmem>>) semaphore(%run_scoped3A : memref<!tpu.dma_semaphore, #tpu.memory_space<semaphore_mem>>)
      %dma_wait3A_733 = arith.constant 0 : i32
      %dma_wait3A_734 = arith.constant 0 : i32
      %dma_wait3A_735 = tpu.memref_slice %arg10[%dma_wait3A_733, %dma_wait3A_734] : memref<10240x128xf32, #tpu.memory_space<vmem_shared>> -> memref<10240x128xf32, #tpu.memory_space<vmem_shared>>
      tpu.wait_indirect_dma semaphore(%run_scoped3A : memref<!tpu.dma_semaphore, #tpu.memory_space<semaphore_mem>>) src(%arg9 : memref<128x128xf32, #tpu.memory_space<vmem>>) dst(%dma_wait3A_735 : memref<10240x128xf32, #tpu.memory_space<vmem_shared>>)
      tpu.yield
    }) : () -> ()
    %mul3A_136 = arith.constant 640 : i32
    %mul3A_137 = arith.muli %arg1, %mul3A_136 : i32
    %add3A_138 = arith.constant 256 : i32
    %add3A_139 = arith.addi %mul3A_137, %add3A_138 : i32
    %add3A_140 = arith.constant 0 : i32
    %add3A_141 = arith.addi %add3A_139, %add3A_140 : i32
    %add3A_142 = vector.broadcast %add3A_141 : i32 to vector<16xi32>
    %add3A_143 = arith.addi %iota3A, %add3A_142 : vector<16xi32>
    %swap3A_144 = arith.constant 0 : index
    %swap3A_145 = tpu.vector_load %arg6[%swap3A_144] {strides = array<i32>} : memref<128xi32, #tpu.memory_space<vmem>>, vector<16xi32>,
    %swap3A_146 = vector.shape_cast %swap3A_145 : vector<16xi32> to vector<16xi32>
    %swap3A_147 = vector.shape_cast %add3A_143 : vector<16xi32> to vector<16xi32>
    tpu.vector_store %arg6[%swap3A_144], %swap3A_147 {strides = array<i32>} : memref<128xi32, #tpu.memory_space<vmem>>, vector<16xi32>,
    %add3A_148 = arith.constant 16 : i32
    %add3A_149 = arith.addi %add3A_139, %add3A_148 : i32
    %add3A_150 = vector.broadcast %add3A_149 : i32 to vector<16xi32>
    %add3A_151 = arith.addi %iota3A, %add3A_150 : vector<16xi32>
    %swap3A_152 = arith.constant 16 : index
    %swap3A_153 = tpu.vector_load %arg6[%swap3A_152] {strides = array<i32>} : memref<128xi32, #tpu.memory_space<vmem>>, vector<16xi32>,
    %swap3A_154 = vector.shape_cast %swap3A_153 : vector<16xi32> to vector<16xi32>
    %swap3A_155 = vector.shape_cast %add3A_151 : vector<16xi32> to vector<16xi32>
    tpu.vector_store %arg6[%swap3A_152], %swap3A_155 {strides = array<i32>} : memref<128xi32, #tpu.memory_space<vmem>>, vector<16xi32>,
    %add3A_156 = arith.constant 32 : i32
    %add3A_157 = arith.addi %add3A_139, %add3A_156 : i32
    %add3A_158 = vector.broadcast %add3A_157 : i32 to vector<16xi32>
    %add3A_159 = arith.addi %iota3A, %add3A_158 : vector<16xi32>
    %swap3A_160 = arith.constant 32 : index
    %swap3A_161 = tpu.vector_load %arg6[%swap3A_160] {strides = array<i32>} : memref<128xi32, #tpu.memory_space<vmem>>, vector<16xi32>,
    %swap3A_162 = vector.shape_cast %swap3A_161 : vector<16xi32> to vector<16xi32>
    %swap3A_163 = vector.shape_cast %add3A_159 : vector<16xi32> to vector<16xi32>
    tpu.vector_store %arg6[%swap3A_160], %swap3A_163 {strides = array<i32>} : memref<128xi32, #tpu.memory_space<vmem>>, vector<16xi32>,
    %add3A_164 = arith.constant 48 : i32
    %add3A_165 = arith.addi %add3A_139, %add3A_164 : i32
    %add3A_166 = vector.broadcast %add3A_165 : i32 to vector<16xi32>
    %add3A_167 = arith.addi %iota3A, %add3A_166 : vector<16xi32>
    %swap3A_168 = arith.constant 48 : index
    %swap3A_169 = tpu.vector_load %arg6[%swap3A_168] {strides = array<i32>} : memref<128xi32, #tpu.memory_space<vmem>>, vector<16xi32>,
    %swap3A_170 = vector.shape_cast %swap3A_169 : vector<16xi32> to vector<16xi32>
    %swap3A_171 = vector.shape_cast %add3A_167 : vector<16xi32> to vector<16xi32>
    tpu.vector_store %arg6[%swap3A_168], %swap3A_171 {strides = array<i32>} : memref<128xi32, #tpu.memory_space<vmem>>, vector<16xi32>,
    %add3A_172 = arith.constant 64 : i32
    %add3A_173 = arith.addi %add3A_139, %add3A_172 : i32
    %add3A_174 = vector.broadcast %add3A_173 : i32 to vector<16xi32>
    %add3A_175 = arith.addi %iota3A, %add3A_174 : vector<16xi32>
    %swap3A_176 = arith.constant 64 : index
    %swap3A_177 = tpu.vector_load %arg6[%swap3A_176] {strides = array<i32>} : memref<128xi32, #tpu.memory_space<vmem>>, vector<16xi32>,
    %swap3A_178 = vector.shape_cast %swap3A_177 : vector<16xi32> to vector<16xi32>
    %swap3A_179 = vector.shape_cast %add3A_175 : vector<16xi32> to vector<16xi32>
    tpu.vector_store %arg6[%swap3A_176], %swap3A_179 {strides = array<i32>} : memref<128xi32, #tpu.memory_space<vmem>>, vector<16xi32>,
    %add3A_180 = arith.constant 80 : i32
    %add3A_181 = arith.addi %add3A_139, %add3A_180 : i32
    %add3A_182 = vector.broadcast %add3A_181 : i32 to vector<16xi32>
    %add3A_183 = arith.addi %iota3A, %add3A_182 : vector<16xi32>
    %swap3A_184 = arith.constant 80 : index
    %swap3A_185 = tpu.vector_load %arg6[%swap3A_184] {strides = array<i32>} : memref<128xi32, #tpu.memory_space<vmem>>, vector<16xi32>,
    %swap3A_186 = vector.shape_cast %swap3A_185 : vector<16xi32> to vector<16xi32>
    %swap3A_187 = vector.shape_cast %add3A_183 : vector<16xi32> to vector<16xi32>
    tpu.vector_store %arg6[%swap3A_184], %swap3A_187 {strides = array<i32>} : memref<128xi32, #tpu.memory_space<vmem>>, vector<16xi32>,
    %add3A_188 = arith.constant 96 : i32
    %add3A_189 = arith.addi %add3A_139, %add3A_188 : i32
    %add3A_190 = vector.broadcast %add3A_189 : i32 to vector<16xi32>
    %add3A_191 = arith.addi %iota3A, %add3A_190 : vector<16xi32>
    %swap3A_192 = arith.constant 96 : index
    %swap3A_193 = tpu.vector_load %arg6[%swap3A_192] {strides = array<i32>} : memref<128xi32, #tpu.memory_space<vmem>>, vector<16xi32>,
    %swap3A_194 = vector.shape_cast %swap3A_193 : vector<16xi32> to vector<16xi32>
    %swap3A_195 = vector.shape_cast %add3A_191 : vector<16xi32> to vector<16xi32>
    tpu.vector_store %arg6[%swap3A_192], %swap3A_195 {strides = array<i32>} : memref<128xi32, #tpu.memory_space<vmem>>, vector<16xi32>,
    %add3A_196 = arith.constant 112 : i32
    %add3A_197 = arith.addi %add3A_139, %add3A_196 : i32
    %add3A_198 = vector.broadcast %add3A_197 : i32 to vector<16xi32>
    %add3A_199 = arith.addi %iota3A, %add3A_198 : vector<16xi32>
    %swap3A_200 = arith.constant 112 : index
    %swap3A_201 = tpu.vector_load %arg6[%swap3A_200] {strides = array<i32>} : memref<128xi32, #tpu.memory_space<vmem>>, vector<16xi32>,
    %swap3A_202 = vector.shape_cast %swap3A_201 : vector<16xi32> to vector<16xi32>
    %swap3A_203 = vector.shape_cast %add3A_199 : vector<16xi32> to vector<16xi32>
    tpu.vector_store %arg6[%swap3A_200], %swap3A_203 {strides = array<i32>} : memref<128xi32, #tpu.memory_space<vmem>>, vector<16xi32>,
    "tpu.region"() ({
      %run_scoped3A = tpu.sem_alloc : memref<!tpu.dma_semaphore, #tpu.memory_space<semaphore_mem>>
      %dma_start3A_730 = arith.constant 0 : i32
      %dma_start3A_731 = tpu.memref_slice %arg2[%add3A_139, %dma_start3A_730] : memref<10240x128xf32, #tpu.memory_space<hbm>> -> memref<128x128xf32, #tpu.memory_space<hbm>>
      %dma_start3A_732 = arith.constant 0 : i32
      %dma_start3A_733 = tpu.memref_slice %arg2[%add3A_139, %dma_start3A_732] : memref<10240x128xf32, #tpu.memory_space<hbm>> -> memref<128x128xf32, #tpu.memory_space<hbm>>
      tpu.enqueue_dma source(%dma_start3A_733 : memref<128x128xf32, #tpu.memory_space<hbm>>) target(%arg9 : memref<128x128xf32, #tpu.memory_space<vmem>>) target_semaphore(%run_scoped3A : memref<!tpu.dma_semaphore, #tpu.memory_space<semaphore_mem>>)
      %dma_wait3A_734 = arith.constant 0 : i32
      %dma_wait3A_735 = tpu.memref_slice %arg2[%add3A_139, %dma_wait3A_734] : memref<10240x128xf32, #tpu.memory_space<hbm>> -> memref<128x128xf32, #tpu.memory_space<hbm>>
      %dma_wait3A_736 = arith.constant 0 : i32
      %dma_wait3A_737 = tpu.memref_slice %arg2[%add3A_139, %dma_wait3A_736] : memref<10240x128xf32, #tpu.memory_space<hbm>> -> memref<128x128xf32, #tpu.memory_space<hbm>>
      tpu.wait_dma2 semaphore(%run_scoped3A : memref<!tpu.dma_semaphore, #tpu.memory_space<semaphore_mem>>) src(%dma_wait3A_737 : memref<128x128xf32, #tpu.memory_space<hbm>>) dst(%arg9 : memref<128x128xf32, #tpu.memory_space<vmem>>)
      tpu.yield
    }) : () -> ()
    "tpu.region"() ({
      %run_scoped3A = tpu.sem_alloc : memref<!tpu.dma_semaphore, #tpu.memory_space<semaphore_mem>>
      %dma_start3A_730 = arith.constant 0 : i32
      %dma_start3A_731 = arith.constant 0 : i32
      %dma_start3A_732 = tpu.memref_slice %arg10[%dma_start3A_730, %dma_start3A_731] : memref<10240x128xf32, #tpu.memory_space<vmem_shared>> -> memref<10240x128xf32, #tpu.memory_space<vmem_shared>>
      tpu.enqueue_indirect_dma source(%arg9 : memref<128x128xf32, #tpu.memory_space<vmem>>) target(%dma_start3A_732 : memref<10240x128xf32, #tpu.memory_space<vmem_shared>>) offsets(%arg6 : memref<128xi32, #tpu.memory_space<vmem>>) semaphore(%run_scoped3A : memref<!tpu.dma_semaphore, #tpu.memory_space<semaphore_mem>>)
      %dma_wait3A_733 = arith.constant 0 : i32
      %dma_wait3A_734 = arith.constant 0 : i32
      %dma_wait3A_735 = tpu.memref_slice %arg10[%dma_wait3A_733, %dma_wait3A_734] : memref<10240x128xf32, #tpu.memory_space<vmem_shared>> -> memref<10240x128xf32, #tpu.memory_space<vmem_shared>>
      tpu.wait_indirect_dma semaphore(%run_scoped3A : memref<!tpu.dma_semaphore, #tpu.memory_space<semaphore_mem>>) src(%arg9 : memref<128x128xf32, #tpu.memory_space<vmem>>) dst(%dma_wait3A_735 : memref<10240x128xf32, #tpu.memory_space<vmem_shared>>)
      tpu.yield
    }) : () -> ()
    %mul3A_204 = arith.constant 640 : i32
    %mul3A_205 = arith.muli %arg1, %mul3A_204 : i32
    %add3A_206 = arith.constant 384 : i32
    %add3A_207 = arith.addi %mul3A_205, %add3A_206 : i32
    %add3A_208 = arith.constant 0 : i32
    %add3A_209 = arith.addi %add3A_207, %add3A_208 : i32
    %add3A_210 = vector.broadcast %add3A_209 : i32 to vector<16xi32>
    %add3A_211 = arith.addi %iota3A, %add3A_210 : vector<16xi32>
    %swap3A_212 = arith.constant 0 : index
    %swap3A_213 = tpu.vector_load %arg6[%swap3A_212] {strides = array<i32>} : memref<128xi32, #tpu.memory_space<vmem>>, vector<16xi32>,
    %swap3A_214 = vector.shape_cast %swap3A_213 : vector<16xi32> to vector<16xi32>
    %swap3A_215 = vector.shape_cast %add3A_211 : vector<16xi32> to vector<16xi32>
    tpu.vector_store %arg6[%swap3A_212], %swap3A_215 {strides = array<i32>} : memref<128xi32, #tpu.memory_space<vmem>>, vector<16xi32>,
    %add3A_216 = arith.constant 16 : i32
    %add3A_217 = arith.addi %add3A_207, %add3A_216 : i32
    %add3A_218 = vector.broadcast %add3A_217 : i32 to vector<16xi32>
    %add3A_219 = arith.addi %iota3A, %add3A_218 : vector<16xi32>
    %swap3A_220 = arith.constant 16 : index
    %swap3A_221 = tpu.vector_load %arg6[%swap3A_220] {strides = array<i32>} : memref<128xi32, #tpu.memory_space<vmem>>, vector<16xi32>,
    %swap3A_222 = vector.shape_cast %swap3A_221 : vector<16xi32> to vector<16xi32>
    %swap3A_223 = vector.shape_cast %add3A_219 : vector<16xi32> to vector<16xi32>
    tpu.vector_store %arg6[%swap3A_220], %swap3A_223 {strides = array<i32>} : memref<128xi32, #tpu.memory_space<vmem>>, vector<16xi32>,
    %add3A_224 = arith.constant 32 : i32
    %add3A_225 = arith.addi %add3A_207, %add3A_224 : i32
    %add3A_226 = vector.broadcast %add3A_225 : i32 to vector<16xi32>
    %add3A_227 = arith.addi %iota3A, %add3A_226 : vector<16xi32>
    %swap3A_228 = arith.constant 32 : index
    %swap3A_229 = tpu.vector_load %arg6[%swap3A_228] {strides = array<i32>} : memref<128xi32, #tpu.memory_space<vmem>>, vector<16xi32>,
    %swap3A_230 = vector.shape_cast %swap3A_229 : vector<16xi32> to vector<16xi32>
    %swap3A_231 = vector.shape_cast %add3A_227 : vector<16xi32> to vector<16xi32>
    tpu.vector_store %arg6[%swap3A_228], %swap3A_231 {strides = array<i32>} : memref<128xi32, #tpu.memory_space<vmem>>, vector<16xi32>,
    %add3A_232 = arith.constant 48 : i32
    %add3A_233 = arith.addi %add3A_207, %add3A_232 : i32
    %add3A_234 = vector.broadcast %add3A_233 : i32 to vector<16xi32>
    %add3A_235 = arith.addi %iota3A, %add3A_234 : vector<16xi32>
    %swap3A_236 = arith.constant 48 : index
    %swap3A_237 = tpu.vector_load %arg6[%swap3A_236] {strides = array<i32>} : memref<128xi32, #tpu.memory_space<vmem>>, vector<16xi32>,
    %swap3A_238 = vector.shape_cast %swap3A_237 : vector<16xi32> to vector<16xi32>
    %swap3A_239 = vector.shape_cast %add3A_235 : vector<16xi32> to vector<16xi32>
    tpu.vector_store %arg6[%swap3A_236], %swap3A_239 {strides = array<i32>} : memref<128xi32, #tpu.memory_space<vmem>>, vector<16xi32>,
    %add3A_240 = arith.constant 64 : i32
    %add3A_241 = arith.addi %add3A_207, %add3A_240 : i32
    %add3A_242 = vector.broadcast %add3A_241 : i32 to vector<16xi32>
    %add3A_243 = arith.addi %iota3A, %add3A_242 : vector<16xi32>
    %swap3A_244 = arith.constant 64 : index
    %swap3A_245 = tpu.vector_load %arg6[%swap3A_244] {strides = array<i32>} : memref<128xi32, #tpu.memory_space<vmem>>, vector<16xi32>,
    %swap3A_246 = vector.shape_cast %swap3A_245 : vector<16xi32> to vector<16xi32>
    %swap3A_247 = vector.shape_cast %add3A_243 : vector<16xi32> to vector<16xi32>
    tpu.vector_store %arg6[%swap3A_244], %swap3A_247 {strides = array<i32>} : memref<128xi32, #tpu.memory_space<vmem>>, vector<16xi32>,
    %add3A_248 = arith.constant 80 : i32
    %add3A_249 = arith.addi %add3A_207, %add3A_248 : i32
    %add3A_250 = vector.broadcast %add3A_249 : i32 to vector<16xi32>
    %add3A_251 = arith.addi %iota3A, %add3A_250 : vector<16xi32>
    %swap3A_252 = arith.constant 80 : index
    %swap3A_253 = tpu.vector_load %arg6[%swap3A_252] {strides = array<i32>} : memref<128xi32, #tpu.memory_space<vmem>>, vector<16xi32>,
    %swap3A_254 = vector.shape_cast %swap3A_253 : vector<16xi32> to vector<16xi32>
    %swap3A_255 = vector.shape_cast %add3A_251 : vector<16xi32> to vector<16xi32>
    tpu.vector_store %arg6[%swap3A_252], %swap3A_255 {strides = array<i32>} : memref<128xi32, #tpu.memory_space<vmem>>, vector<16xi32>,
    %add3A_256 = arith.constant 96 : i32
    %add3A_257 = arith.addi %add3A_207, %add3A_256 : i32
    %add3A_258 = vector.broadcast %add3A_257 : i32 to vector<16xi32>
    %add3A_259 = arith.addi %iota3A, %add3A_258 : vector<16xi32>
    %swap3A_260 = arith.constant 96 : index
    %swap3A_261 = tpu.vector_load %arg6[%swap3A_260] {strides = array<i32>} : memref<128xi32, #tpu.memory_space<vmem>>, vector<16xi32>,
    %swap3A_262 = vector.shape_cast %swap3A_261 : vector<16xi32> to vector<16xi32>
    %swap3A_263 = vector.shape_cast %add3A_259 : vector<16xi32> to vector<16xi32>
    tpu.vector_store %arg6[%swap3A_260], %swap3A_263 {strides = array<i32>} : memref<128xi32, #tpu.memory_space<vmem>>, vector<16xi32>,
    %add3A_264 = arith.constant 112 : i32
    %add3A_265 = arith.addi %add3A_207, %add3A_264 : i32
    %add3A_266 = vector.broadcast %add3A_265 : i32 to vector<16xi32>
    %add3A_267 = arith.addi %iota3A, %add3A_266 : vector<16xi32>
    %swap3A_268 = arith.constant 112 : index
    %swap3A_269 = tpu.vector_load %arg6[%swap3A_268] {strides = array<i32>} : memref<128xi32, #tpu.memory_space<vmem>>, vector<16xi32>,
    %swap3A_270 = vector.shape_cast %swap3A_269 : vector<16xi32> to vector<16xi32>
    %swap3A_271 = vector.shape_cast %add3A_267 : vector<16xi32> to vector<16xi32>
    tpu.vector_store %arg6[%swap3A_268], %swap3A_271 {strides = array<i32>} : memref<128xi32, #tpu.memory_space<vmem>>, vector<16xi32>,
    "tpu.region"() ({
      %run_scoped3A = tpu.sem_alloc : memref<!tpu.dma_semaphore, #tpu.memory_space<semaphore_mem>>
      %dma_start3A_730 = arith.constant 0 : i32
      %dma_start3A_731 = tpu.memref_slice %arg2[%add3A_207, %dma_start3A_730] : memref<10240x128xf32, #tpu.memory_space<hbm>> -> memref<128x128xf32, #tpu.memory_space<hbm>>
      %dma_start3A_732 = arith.constant 0 : i32
      %dma_start3A_733 = tpu.memref_slice %arg2[%add3A_207, %dma_start3A_732] : memref<10240x128xf32, #tpu.memory_space<hbm>> -> memref<128x128xf32, #tpu.memory_space<hbm>>
      tpu.enqueue_dma source(%dma_start3A_733 : memref<128x128xf32, #tpu.memory_space<hbm>>) target(%arg9 : memref<128x128xf32, #tpu.memory_space<vmem>>) target_semaphore(%run_scoped3A : memref<!tpu.dma_semaphore, #tpu.memory_space<semaphore_mem>>)
      %dma_wait3A_734 = arith.constant 0 : i32
      %dma_wait3A_735 = tpu.memref_slice %arg2[%add3A_207, %dma_wait3A_734] : memref<10240x128xf32, #tpu.memory_space<hbm>> -> memref<128x128xf32, #tpu.memory_space<hbm>>
      %dma_wait3A_736 = arith.constant 0 : i32
      %dma_wait3A_737 = tpu.memref_slice %arg2[%add3A_207, %dma_wait3A_736] : memref<10240x128xf32, #tpu.memory_space<hbm>> -> memref<128x128xf32, #tpu.memory_space<hbm>>
      tpu.wait_dma2 semaphore(%run_scoped3A : memref<!tpu.dma_semaphore, #tpu.memory_space<semaphore_mem>>) src(%dma_wait3A_737 : memref<128x128xf32, #tpu.memory_space<hbm>>) dst(%arg9 : memref<128x128xf32, #tpu.memory_space<vmem>>)
      tpu.yield
    }) : () -> ()
    "tpu.region"() ({
      %run_scoped3A = tpu.sem_alloc : memref<!tpu.dma_semaphore, #tpu.memory_space<semaphore_mem>>
      %dma_start3A_730 = arith.constant 0 : i32
      %dma_start3A_731 = arith.constant 0 : i32
      %dma_start3A_732 = tpu.memref_slice %arg10[%dma_start3A_730, %dma_start3A_731] : memref<10240x128xf32, #tpu.memory_space<vmem_shared>> -> memref<10240x128xf32, #tpu.memory_space<vmem_shared>>
      tpu.enqueue_indirect_dma source(%arg9 : memref<128x128xf32, #tpu.memory_space<vmem>>) target(%dma_start3A_732 : memref<10240x128xf32, #tpu.memory_space<vmem_shared>>) offsets(%arg6 : memref<128xi32, #tpu.memory_space<vmem>>) semaphore(%run_scoped3A : memref<!tpu.dma_semaphore, #tpu.memory_space<semaphore_mem>>)
      %dma_wait3A_733 = arith.constant 0 : i32
      %dma_wait3A_734 = arith.constant 0 : i32
      %dma_wait3A_735 = tpu.memref_slice %arg10[%dma_wait3A_733, %dma_wait3A_734] : memref<10240x128xf32, #tpu.memory_space<vmem_shared>> -> memref<10240x128xf32, #tpu.memory_space<vmem_shared>>
      tpu.wait_indirect_dma semaphore(%run_scoped3A : memref<!tpu.dma_semaphore, #tpu.memory_space<semaphore_mem>>) src(%arg9 : memref<128x128xf32, #tpu.memory_space<vmem>>) dst(%dma_wait3A_735 : memref<10240x128xf32, #tpu.memory_space<vmem_shared>>)
      tpu.yield
    }) : () -> ()
    %mul3A_272 = arith.constant 640 : i32
    %mul3A_273 = arith.muli %arg1, %mul3A_272 : i32
    %add3A_274 = arith.constant 512 : i32
    %add3A_275 = arith.addi %mul3A_273, %add3A_274 : i32
    %add3A_276 = arith.constant 0 : i32
    %add3A_277 = arith.addi %add3A_275, %add3A_276 : i32
    %add3A_278 = vector.broadcast %add3A_277 : i32 to vector<16xi32>
    %add3A_279 = arith.addi %iota3A, %add3A_278 : vector<16xi32>
    %swap3A_280 = arith.constant 0 : index
    %swap3A_281 = tpu.vector_load %arg6[%swap3A_280] {strides = array<i32>} : memref<128xi32, #tpu.memory_space<vmem>>, vector<16xi32>,
    %swap3A_282 = vector.shape_cast %swap3A_281 : vector<16xi32> to vector<16xi32>
    %swap3A_283 = vector.shape_cast %add3A_279 : vector<16xi32> to vector<16xi32>
    tpu.vector_store %arg6[%swap3A_280], %swap3A_283 {strides = array<i32>} : memref<128xi32, #tpu.memory_space<vmem>>, vector<16xi32>,
    %add3A_284 = arith.constant 16 : i32
    %add3A_285 = arith.addi %add3A_275, %add3A_284 : i32
    %add3A_286 = vector.broadcast %add3A_285 : i32 to vector<16xi32>
    %add3A_287 = arith.addi %iota3A, %add3A_286 : vector<16xi32>
    %swap3A_288 = arith.constant 16 : index
    %swap3A_289 = tpu.vector_load %arg6[%swap3A_288] {strides = array<i32>} : memref<128xi32, #tpu.memory_space<vmem>>, vector<16xi32>,
    %swap3A_290 = vector.shape_cast %swap3A_289 : vector<16xi32> to vector<16xi32>
    %swap3A_291 = vector.shape_cast %add3A_287 : vector<16xi32> to vector<16xi32>
    tpu.vector_store %arg6[%swap3A_288], %swap3A_291 {strides = array<i32>} : memref<128xi32, #tpu.memory_space<vmem>>, vector<16xi32>,
    %add3A_292 = arith.constant 32 : i32
    %add3A_293 = arith.addi %add3A_275, %add3A_292 : i32
    %add3A_294 = vector.broadcast %add3A_293 : i32 to vector<16xi32>
    %add3A_295 = arith.addi %iota3A, %add3A_294 : vector<16xi32>
    %swap3A_296 = arith.constant 32 : index
    %swap3A_297 = tpu.vector_load %arg6[%swap3A_296] {strides = array<i32>} : memref<128xi32, #tpu.memory_space<vmem>>, vector<16xi32>,
    %swap3A_298 = vector.shape_cast %swap3A_297 : vector<16xi32> to vector<16xi32>
    %swap3A_299 = vector.shape_cast %add3A_295 : vector<16xi32> to vector<16xi32>
    tpu.vector_store %arg6[%swap3A_296], %swap3A_299 {strides = array<i32>} : memref<128xi32, #tpu.memory_space<vmem>>, vector<16xi32>,
    %add3A_300 = arith.constant 48 : i32
    %add3A_301 = arith.addi %add3A_275, %add3A_300 : i32
    %add3A_302 = vector.broadcast %add3A_301 : i32 to vector<16xi32>
    %add3A_303 = arith.addi %iota3A, %add3A_302 : vector<16xi32>
    %swap3A_304 = arith.constant 48 : index
    %swap3A_305 = tpu.vector_load %arg6[%swap3A_304] {strides = array<i32>} : memref<128xi32, #tpu.memory_space<vmem>>, vector<16xi32>,
    %swap3A_306 = vector.shape_cast %swap3A_305 : vector<16xi32> to vector<16xi32>
    %swap3A_307 = vector.shape_cast %add3A_303 : vector<16xi32> to vector<16xi32>
    tpu.vector_store %arg6[%swap3A_304], %swap3A_307 {strides = array<i32>} : memref<128xi32, #tpu.memory_space<vmem>>, vector<16xi32>,
    %add3A_308 = arith.constant 64 : i32
    %add3A_309 = arith.addi %add3A_275, %add3A_308 : i32
    %add3A_310 = vector.broadcast %add3A_309 : i32 to vector<16xi32>
    %add3A_311 = arith.addi %iota3A, %add3A_310 : vector<16xi32>
    %swap3A_312 = arith.constant 64 : index
    %swap3A_313 = tpu.vector_load %arg6[%swap3A_312] {strides = array<i32>} : memref<128xi32, #tpu.memory_space<vmem>>, vector<16xi32>,
    %swap3A_314 = vector.shape_cast %swap3A_313 : vector<16xi32> to vector<16xi32>
    %swap3A_315 = vector.shape_cast %add3A_311 : vector<16xi32> to vector<16xi32>
    tpu.vector_store %arg6[%swap3A_312], %swap3A_315 {strides = array<i32>} : memref<128xi32, #tpu.memory_space<vmem>>, vector<16xi32>,
    %add3A_316 = arith.constant 80 : i32
    %add3A_317 = arith.addi %add3A_275, %add3A_316 : i32
    %add3A_318 = vector.broadcast %add3A_317 : i32 to vector<16xi32>
    %add3A_319 = arith.addi %iota3A, %add3A_318 : vector<16xi32>
    %swap3A_320 = arith.constant 80 : index
    %swap3A_321 = tpu.vector_load %arg6[%swap3A_320] {strides = array<i32>} : memref<128xi32, #tpu.memory_space<vmem>>, vector<16xi32>,
    %swap3A_322 = vector.shape_cast %swap3A_321 : vector<16xi32> to vector<16xi32>
    %swap3A_323 = vector.shape_cast %add3A_319 : vector<16xi32> to vector<16xi32>
    tpu.vector_store %arg6[%swap3A_320], %swap3A_323 {strides = array<i32>} : memref<128xi32, #tpu.memory_space<vmem>>, vector<16xi32>,
    %add3A_324 = arith.constant 96 : i32
    %add3A_325 = arith.addi %add3A_275, %add3A_324 : i32
    %add3A_326 = vector.broadcast %add3A_325 : i32 to vector<16xi32>
    %add3A_327 = arith.addi %iota3A, %add3A_326 : vector<16xi32>
    %swap3A_328 = arith.constant 96 : index
    %swap3A_329 = tpu.vector_load %arg6[%swap3A_328] {strides = array<i32>} : memref<128xi32, #tpu.memory_space<vmem>>, vector<16xi32>,
    %swap3A_330 = vector.shape_cast %swap3A_329 : vector<16xi32> to vector<16xi32>
    %swap3A_331 = vector.shape_cast %add3A_327 : vector<16xi32> to vector<16xi32>
    tpu.vector_store %arg6[%swap3A_328], %swap3A_331 {strides = array<i32>} : memref<128xi32, #tpu.memory_space<vmem>>, vector<16xi32>,
    %add3A_332 = arith.constant 112 : i32
    %add3A_333 = arith.addi %add3A_275, %add3A_332 : i32
    %add3A_334 = vector.broadcast %add3A_333 : i32 to vector<16xi32>
    %add3A_335 = arith.addi %iota3A, %add3A_334 : vector<16xi32>
    %swap3A_336 = arith.constant 112 : index
    %swap3A_337 = tpu.vector_load %arg6[%swap3A_336] {strides = array<i32>} : memref<128xi32, #tpu.memory_space<vmem>>, vector<16xi32>,
    %swap3A_338 = vector.shape_cast %swap3A_337 : vector<16xi32> to vector<16xi32>
    %swap3A_339 = vector.shape_cast %add3A_335 : vector<16xi32> to vector<16xi32>
    tpu.vector_store %arg6[%swap3A_336], %swap3A_339 {strides = array<i32>} : memref<128xi32, #tpu.memory_space<vmem>>, vector<16xi32>,
    "tpu.region"() ({
      %run_scoped3A = tpu.sem_alloc : memref<!tpu.dma_semaphore, #tpu.memory_space<semaphore_mem>>
      %dma_start3A_730 = arith.constant 0 : i32
      %dma_start3A_731 = tpu.memref_slice %arg2[%add3A_275, %dma_start3A_730] : memref<10240x128xf32, #tpu.memory_space<hbm>> -> memref<128x128xf32, #tpu.memory_space<hbm>>
      %dma_start3A_732 = arith.constant 0 : i32
      %dma_start3A_733 = tpu.memref_slice %arg2[%add3A_275, %dma_start3A_732] : memref<10240x128xf32, #tpu.memory_space<hbm>> -> memref<128x128xf32, #tpu.memory_space<hbm>>
      tpu.enqueue_dma source(%dma_start3A_733 : memref<128x128xf32, #tpu.memory_space<hbm>>) target(%arg9 : memref<128x128xf32, #tpu.memory_space<vmem>>) target_semaphore(%run_scoped3A : memref<!tpu.dma_semaphore, #tpu.memory_space<semaphore_mem>>)
      %dma_wait3A_734 = arith.constant 0 : i32
      %dma_wait3A_735 = tpu.memref_slice %arg2[%add3A_275, %dma_wait3A_734] : memref<10240x128xf32, #tpu.memory_space<hbm>> -> memref<128x128xf32, #tpu.memory_space<hbm>>
      %dma_wait3A_736 = arith.constant 0 : i32
      %dma_wait3A_737 = tpu.memref_slice %arg2[%add3A_275, %dma_wait3A_736] : memref<10240x128xf32, #tpu.memory_space<hbm>> -> memref<128x128xf32, #tpu.memory_space<hbm>>
      tpu.wait_dma2 semaphore(%run_scoped3A : memref<!tpu.dma_semaphore, #tpu.memory_space<semaphore_mem>>) src(%dma_wait3A_737 : memref<128x128xf32, #tpu.memory_space<hbm>>) dst(%arg9 : memref<128x128xf32, #tpu.memory_space<vmem>>)
      tpu.yield
    }) : () -> ()
    "tpu.region"() ({
      %run_scoped3A = tpu.sem_alloc : memref<!tpu.dma_semaphore, #tpu.memory_space<semaphore_mem>>
      %dma_start3A_730 = arith.constant 0 : i32
      %dma_start3A_731 = arith.constant 0 : i32
      %dma_start3A_732 = tpu.memref_slice %arg10[%dma_start3A_730, %dma_start3A_731] : memref<10240x128xf32, #tpu.memory_space<vmem_shared>> -> memref<10240x128xf32, #tpu.memory_space<vmem_shared>>
      tpu.enqueue_indirect_dma source(%arg9 : memref<128x128xf32, #tpu.memory_space<vmem>>) target(%dma_start3A_732 : memref<10240x128xf32, #tpu.memory_space<vmem_shared>>) offsets(%arg6 : memref<128xi32, #tpu.memory_space<vmem>>) semaphore(%run_scoped3A : memref<!tpu.dma_semaphore, #tpu.memory_space<semaphore_mem>>)
      %dma_wait3A_733 = arith.constant 0 : i32
      %dma_wait3A_734 = arith.constant 0 : i32
      %dma_wait3A_735 = tpu.memref_slice %arg10[%dma_wait3A_733, %dma_wait3A_734] : memref<10240x128xf32, #tpu.memory_space<vmem_shared>> -> memref<10240x128xf32, #tpu.memory_space<vmem_shared>>
      tpu.wait_indirect_dma semaphore(%run_scoped3A : memref<!tpu.dma_semaphore, #tpu.memory_space<semaphore_mem>>) src(%arg9 : memref<128x128xf32, #tpu.memory_space<vmem>>) dst(%dma_wait3A_735 : memref<10240x128xf32, #tpu.memory_space<vmem_shared>>)
      tpu.yield
    }) : () -> ()
    "tpu.region"() ({
      %run_scoped3A = tpu.sem_alloc : memref<!tpu.dma_semaphore, #tpu.memory_space<semaphore_mem>>
      %dma_start3A_730 = arith.constant 0 : i32
      %dma_start3A_731 = arith.constant 0 : i32
      %dma_start3A_732 = tpu.memref_slice %arg3[%add3A, %dma_start3A_730, %dma_start3A_731] : memref<32x79x128xi32, #tpu.memory_space<hbm>> -> memref<1x79x128xi32, #tpu.memory_space<hbm>>
      %dma_start3A_733 = tpu.memref_squeeze %dma_start3A_732 : memref<1x79x128xi32, #tpu.memory_space<hbm>> -> memref<79x128xi32, #tpu.memory_space<hbm>>
      %dma_start3A_734 = arith.constant 0 : i32
      %dma_start3A_735 = arith.constant 0 : i32
      %dma_start3A_736 = tpu.memref_slice %arg3[%add3A, %dma_start3A_734, %dma_start3A_735] : memref<32x79x128xi32, #tpu.memory_space<hbm>> -> memref<1x79x128xi32, #tpu.memory_space<hbm>>
      %dma_start3A_737 = tpu.memref_squeeze %dma_start3A_736 : memref<1x79x128xi32, #tpu.memory_space<hbm>> -> memref<79x128xi32, #tpu.memory_space<hbm>>
      tpu.enqueue_dma source(%dma_start3A_737 : memref<79x128xi32, #tpu.memory_space<hbm>>) target(%arg7 : memref<79x128xi32, #tpu.memory_space<vmem>>) target_semaphore(%run_scoped3A : memref<!tpu.dma_semaphore, #tpu.memory_space<semaphore_mem>>)
      %dma_wait3A_738 = arith.constant 0 : i32
      %dma_wait3A_739 = arith.constant 0 : i32
      %dma_wait3A_740 = tpu.memref_slice %arg3[%add3A, %dma_wait3A_738, %dma_wait3A_739] : memref<32x79x128xi32, #tpu.memory_space<hbm>> -> memref<1x79x128xi32, #tpu.memory_space<hbm>>
      %dma_wait3A_741 = tpu.memref_squeeze %dma_wait3A_740 : memref<1x79x128xi32, #tpu.memory_space<hbm>> -> memref<79x128xi32, #tpu.memory_space<hbm>>
      %dma_wait3A_742 = arith.constant 0 : i32
      %dma_wait3A_743 = arith.constant 0 : i32
      %dma_wait3A_744 = tpu.memref_slice %arg3[%add3A, %dma_wait3A_742, %dma_wait3A_743] : memref<32x79x128xi32, #tpu.memory_space<hbm>> -> memref<1x79x128xi32, #tpu.memory_space<hbm>>
      %dma_wait3A_745 = tpu.memref_squeeze %dma_wait3A_744 : memref<1x79x128xi32, #tpu.memory_space<hbm>> -> memref<79x128xi32, #tpu.memory_space<hbm>>
      tpu.wait_dma2 semaphore(%run_scoped3A : memref<!tpu.dma_semaphore, #tpu.memory_space<semaphore_mem>>) src(%dma_wait3A_745 : memref<79x128xi32, #tpu.memory_space<hbm>>) dst(%arg7 : memref<79x128xi32, #tpu.memory_space<vmem>>)
      tpu.yield
    }) : () -> ()
    "tpu.region"() ({
      %run_scoped3A = tpu.sem_alloc : memref<!tpu.dma_semaphore, #tpu.memory_space<semaphore_mem>>
      %dma_start3A_730 = arith.constant 0 : i32
      %dma_start3A_731 = arith.constant 0 : i32
      %dma_start3A_732 = tpu.memref_slice %arg4[%add3A, %dma_start3A_730, %dma_start3A_731] : memref<32x79x128xi32, #tpu.memory_space<hbm>> -> memref<1x79x128xi32, #tpu.memory_space<hbm>>
      %dma_start3A_733 = tpu.memref_squeeze %dma_start3A_732 : memref<1x79x128xi32, #tpu.memory_space<hbm>> -> memref<79x128xi32, #tpu.memory_space<hbm>>
      %dma_start3A_734 = arith.constant 0 : i32
      %dma_start3A_735 = arith.constant 0 : i32
      %dma_start3A_736 = tpu.memref_slice %arg4[%add3A, %dma_start3A_734, %dma_start3A_735] : memref<32x79x128xi32, #tpu.memory_space<hbm>> -> memref<1x79x128xi32, #tpu.memory_space<hbm>>
      %dma_start3A_737 = tpu.memref_squeeze %dma_start3A_736 : memref<1x79x128xi32, #tpu.memory_space<hbm>> -> memref<79x128xi32, #tpu.memory_space<hbm>>
      tpu.enqueue_dma source(%dma_start3A_737 : memref<79x128xi32, #tpu.memory_space<hbm>>) target(%arg8 : memref<79x128xi32, #tpu.memory_space<vmem>>) target_semaphore(%run_scoped3A : memref<!tpu.dma_semaphore, #tpu.memory_space<semaphore_mem>>)
      %dma_wait3A_738 = arith.constant 0 : i32
      %dma_wait3A_739 = arith.constant 0 : i32
      %dma_wait3A_740 = tpu.memref_slice %arg4[%add3A, %dma_wait3A_738, %dma_wait3A_739] : memref<32x79x128xi32, #tpu.memory_space<hbm>> -> memref<1x79x128xi32, #tpu.memory_space<hbm>>
      %dma_wait3A_741 = tpu.memref_squeeze %dma_wait3A_740 : memref<1x79x128xi32, #tpu.memory_space<hbm>> -> memref<79x128xi32, #tpu.memory_space<hbm>>
      %dma_wait3A_742 = arith.constant 0 : i32
      %dma_wait3A_743 = arith.constant 0 : i32
      %dma_wait3A_744 = tpu.memref_slice %arg4[%add3A, %dma_wait3A_742, %dma_wait3A_743] : memref<32x79x128xi32, #tpu.memory_space<hbm>> -> memref<1x79x128xi32, #tpu.memory_space<hbm>>
      %dma_wait3A_745 = tpu.memref_squeeze %dma_wait3A_744 : memref<1x79x128xi32, #tpu.memory_space<hbm>> -> memref<79x128xi32, #tpu.memory_space<hbm>>
      tpu.wait_dma2 semaphore(%run_scoped3A : memref<!tpu.dma_semaphore, #tpu.memory_space<semaphore_mem>>) src(%dma_wait3A_745 : memref<79x128xi32, #tpu.memory_space<hbm>>) dst(%arg8 : memref<79x128xi32, #tpu.memory_space<vmem>>)
      tpu.yield
    }) : () -> ()
    %barrier3A = arith.constant 0 : index
    tpu.barrier barrier_id(%barrier3A)
    %scan3A = arith.constant 0 : i32
    %scan3A_340 = arith.constant 0 : i32
    %scan3A_341 = arith.constant 79 : i32
    %scan3A_342 = arith.addi %scan3A_340, %scan3A_341 : i32
    %scan3A_343 = arith.constant 1 : i32
    %scan3A_344 = scf.for %scan3A_730 = %scan3A_340 to %scan3A_342 step %scan3A_343 iter_args(%scan3A_731 = %scan3A) -> (i32)  : i32 {
      %dma_start3A_732 = arith.constant 0 : i32
      %dma_start3A_733 = tpu.memref_slice %arg7[%scan3A_730, %dma_start3A_732] : memref<79x128xi32, #tpu.memory_space<vmem>> -> memref<1x128xi32, #tpu.memory_space<vmem>>
      %dma_start3A_734 = tpu.memref_squeeze %dma_start3A_733 : memref<1x128xi32, #tpu.memory_space<vmem>> -> memref<128xi32, #tpu.memory_space<vmem>>
      %dma_start3A_735 = arith.constant 0 : i32
      %dma_start3A_736 = arith.constant 0 : i32
      %dma_start3A_737 = tpu.memref_slice %arg2[%dma_start3A_735, %dma_start3A_736] : memref<10240x128xf32, #tpu.memory_space<hbm>> -> memref<10240x128xf32, #tpu.memory_space<hbm>>
      tpu.enqueue_indirect_dma source(%dma_start3A_737 : memref<10240x128xf32, #tpu.memory_space<hbm>>) target(%arg9 : memref<128x128xf32, #tpu.memory_space<vmem>>) offsets(%dma_start3A_734 : memref<128xi32, #tpu.memory_space<vmem>>) semaphore(%arg11 : memref<!tpu.dma_semaphore, #tpu.memory_space<semaphore_mem>>)
      %dma_wait3A_738 = arith.constant 0 : i32
      %dma_wait3A_739 = tpu.memref_slice %arg7[%scan3A_730, %dma_wait3A_738] : memref<79x128xi32, #tpu.memory_space<vmem>> -> memref<1x128xi32, #tpu.memory_space<vmem>>
      %dma_wait3A_740 = tpu.memref_squeeze %dma_wait3A_739 : memref<1x128xi32, #tpu.memory_space<vmem>> -> memref<128xi32, #tpu.memory_space<vmem>>
      %dma_wait3A_741 = arith.constant 0 : i32
      %dma_wait3A_742 = arith.constant 0 : i32
      %dma_wait3A_743 = tpu.memref_slice %arg2[%dma_wait3A_741, %dma_wait3A_742] : memref<10240x128xf32, #tpu.memory_space<hbm>> -> memref<10240x128xf32, #tpu.memory_space<hbm>>
      tpu.wait_indirect_dma semaphore(%arg11 : memref<!tpu.dma_semaphore, #tpu.memory_space<semaphore_mem>>) src(%dma_wait3A_743 : memref<10240x128xf32, #tpu.memory_space<hbm>>) dst(%arg9 : memref<128x128xf32, #tpu.memory_space<vmem>>)
      "tpu.region"() ({
        %run_scoped3A = tpu.sem_alloc : memref<!tpu.dma_semaphore, #tpu.memory_space<semaphore_mem>>
        %dma_start3A_745 = arith.constant 0 : i32
        %dma_start3A_746 = tpu.memref_slice %arg8[%scan3A_730, %dma_start3A_745] : memref<79x128xi32, #tpu.memory_space<vmem>> -> memref<1x128xi32, #tpu.memory_space<vmem>>
        %dma_start3A_747 = tpu.memref_squeeze %dma_start3A_746 : memref<1x128xi32, #tpu.memory_space<vmem>> -> memref<128xi32, #tpu.memory_space<vmem>>
        %dma_start3A_748 = arith.constant 0 : i32
        %dma_start3A_749 = arith.constant 0 : i32
        %dma_start3A_750 = tpu.memref_slice %arg10[%dma_start3A_748, %dma_start3A_749] : memref<10240x128xf32, #tpu.memory_space<vmem_shared>> -> memref<10240x128xf32, #tpu.memory_space<vmem_shared>>
        tpu.enqueue_indirect_dma source(%arg9 : memref<128x128xf32, #tpu.memory_space<vmem>>) target(%dma_start3A_750 : memref<10240x128xf32, #tpu.memory_space<vmem_shared>>) offsets(%dma_start3A_747 : memref<128xi32, #tpu.memory_space<vmem>>) semaphore(%run_scoped3A : memref<!tpu.dma_semaphore, #tpu.memory_space<semaphore_mem>>) {add = true}
        %dma_wait3A_751 = arith.constant 0 : i32
        %dma_wait3A_752 = tpu.memref_slice %arg8[%scan3A_730, %dma_wait3A_751] : memref<79x128xi32, #tpu.memory_space<vmem>> -> memref<1x128xi32, #tpu.memory_space<vmem>>
        %dma_wait3A_753 = tpu.memref_squeeze %dma_wait3A_752 : memref<1x128xi32, #tpu.memory_space<vmem>> -> memref<128xi32, #tpu.memory_space<vmem>>
        %dma_wait3A_754 = arith.constant 0 : i32
        %dma_wait3A_755 = arith.constant 0 : i32
        %dma_wait3A_756 = tpu.memref_slice %arg10[%dma_wait3A_754, %dma_wait3A_755] : memref<10240x128xf32, #tpu.memory_space<vmem_shared>> -> memref<10240x128xf32, #tpu.memory_space<vmem_shared>>
        tpu.wait_indirect_dma semaphore(%run_scoped3A : memref<!tpu.dma_semaphore, #tpu.memory_space<semaphore_mem>>) src(%arg9 : memref<128x128xf32, #tpu.memory_space<vmem>>) dst(%dma_wait3A_756 : memref<10240x128xf32, #tpu.memory_space<vmem_shared>>)
        tpu.yield
      }) : () -> ()
      %scan3A_744 = arith.constant 0 : i32
      scf.yield %scan3A_744 : i32
    }
    %scan3A_345 = arith.constant 79 : i32
    %barrier3A_346 = arith.constant 0 : index
    tpu.barrier barrier_id(%barrier3A_346)
    %mul3A_347 = arith.constant 640 : i32
    %mul3A_348 = arith.muli %arg1, %mul3A_347 : i32
    %add3A_349 = arith.constant 0 : i32
    %add3A_350 = arith.addi %mul3A_348, %add3A_349 : i32
    %add3A_351 = arith.constant 0 : i32
    %add3A_352 = arith.addi %add3A_350, %add3A_351 : i32
    %add3A_353 = vector.broadcast %add3A_352 : i32 to vector<16xi32>
    %add3A_354 = arith.addi %iota3A, %add3A_353 : vector<16xi32>
    %swap3A_355 = arith.constant 0 : index
    %swap3A_356 = tpu.vector_load %arg6[%swap3A_355] {strides = array<i32>} : memref<128xi32, #tpu.memory_space<vmem>>, vector<16xi32>,
    %swap3A_357 = vector.shape_cast %swap3A_356 : vector<16xi32> to vector<16xi32>
    %swap3A_358 = vector.shape_cast %add3A_354 : vector<16xi32> to vector<16xi32>
    tpu.vector_store %arg6[%swap3A_355], %swap3A_358 {strides = array<i32>} : memref<128xi32, #tpu.memory_space<vmem>>, vector<16xi32>,
    %add3A_359 = arith.constant 16 : i32
    %add3A_360 = arith.addi %add3A_350, %add3A_359 : i32
    %add3A_361 = vector.broadcast %add3A_360 : i32 to vector<16xi32>
    %add3A_362 = arith.addi %iota3A, %add3A_361 : vector<16xi32>
    %swap3A_363 = arith.constant 16 : index
    %swap3A_364 = tpu.vector_load %arg6[%swap3A_363] {strides = array<i32>} : memref<128xi32, #tpu.memory_space<vmem>>, vector<16xi32>,
    %swap3A_365 = vector.shape_cast %swap3A_364 : vector<16xi32> to vector<16xi32>
    %swap3A_366 = vector.shape_cast %add3A_362 : vector<16xi32> to vector<16xi32>
    tpu.vector_store %arg6[%swap3A_363], %swap3A_366 {strides = array<i32>} : memref<128xi32, #tpu.memory_space<vmem>>, vector<16xi32>,
    %add3A_367 = arith.constant 32 : i32
    %add3A_368 = arith.addi %add3A_350, %add3A_367 : i32
    %add3A_369 = vector.broadcast %add3A_368 : i32 to vector<16xi32>
    %add3A_370 = arith.addi %iota3A, %add3A_369 : vector<16xi32>
    %swap3A_371 = arith.constant 32 : index
    %swap3A_372 = tpu.vector_load %arg6[%swap3A_371] {strides = array<i32>} : memref<128xi32, #tpu.memory_space<vmem>>, vector<16xi32>,
    %swap3A_373 = vector.shape_cast %swap3A_372 : vector<16xi32> to vector<16xi32>
    %swap3A_374 = vector.shape_cast %add3A_370 : vector<16xi32> to vector<16xi32>
    tpu.vector_store %arg6[%swap3A_371], %swap3A_374 {strides = array<i32>} : memref<128xi32, #tpu.memory_space<vmem>>, vector<16xi32>,
    %add3A_375 = arith.constant 48 : i32
    %add3A_376 = arith.addi %add3A_350, %add3A_375 : i32
    %add3A_377 = vector.broadcast %add3A_376 : i32 to vector<16xi32>
    %add3A_378 = arith.addi %iota3A, %add3A_377 : vector<16xi32>
    %swap3A_379 = arith.constant 48 : index
    %swap3A_380 = tpu.vector_load %arg6[%swap3A_379] {strides = array<i32>} : memref<128xi32, #tpu.memory_space<vmem>>, vector<16xi32>,
    %swap3A_381 = vector.shape_cast %swap3A_380 : vector<16xi32> to vector<16xi32>
    %swap3A_382 = vector.shape_cast %add3A_378 : vector<16xi32> to vector<16xi32>
    tpu.vector_store %arg6[%swap3A_379], %swap3A_382 {strides = array<i32>} : memref<128xi32, #tpu.memory_space<vmem>>, vector<16xi32>,
    %add3A_383 = arith.constant 64 : i32
    %add3A_384 = arith.addi %add3A_350, %add3A_383 : i32
    %add3A_385 = vector.broadcast %add3A_384 : i32 to vector<16xi32>
    %add3A_386 = arith.addi %iota3A, %add3A_385 : vector<16xi32>
    %swap3A_387 = arith.constant 64 : index
    %swap3A_388 = tpu.vector_load %arg6[%swap3A_387] {strides = array<i32>} : memref<128xi32, #tpu.memory_space<vmem>>, vector<16xi32>,
    %swap3A_389 = vector.shape_cast %swap3A_388 : vector<16xi32> to vector<16xi32>
    %swap3A_390 = vector.shape_cast %add3A_386 : vector<16xi32> to vector<16xi32>
    tpu.vector_store %arg6[%swap3A_387], %swap3A_390 {strides = array<i32>} : memref<128xi32, #tpu.memory_space<vmem>>, vector<16xi32>,
    %add3A_391 = arith.constant 80 : i32
    %add3A_392 = arith.addi %add3A_350, %add3A_391 : i32
    %add3A_393 = vector.broadcast %add3A_392 : i32 to vector<16xi32>
    %add3A_394 = arith.addi %iota3A, %add3A_393 : vector<16xi32>
    %swap3A_395 = arith.constant 80 : index
    %swap3A_396 = tpu.vector_load %arg6[%swap3A_395] {strides = array<i32>} : memref<128xi32, #tpu.memory_space<vmem>>, vector<16xi32>,
    %swap3A_397 = vector.shape_cast %swap3A_396 : vector<16xi32> to vector<16xi32>
    %swap3A_398 = vector.shape_cast %add3A_394 : vector<16xi32> to vector<16xi32>
    tpu.vector_store %arg6[%swap3A_395], %swap3A_398 {strides = array<i32>} : memref<128xi32, #tpu.memory_space<vmem>>, vector<16xi32>,
    %add3A_399 = arith.constant 96 : i32
    %add3A_400 = arith.addi %add3A_350, %add3A_399 : i32
    %add3A_401 = vector.broadcast %add3A_400 : i32 to vector<16xi32>
    %add3A_402 = arith.addi %iota3A, %add3A_401 : vector<16xi32>
    %swap3A_403 = arith.constant 96 : index
    %swap3A_404 = tpu.vector_load %arg6[%swap3A_403] {strides = array<i32>} : memref<128xi32, #tpu.memory_space<vmem>>, vector<16xi32>,
    %swap3A_405 = vector.shape_cast %swap3A_404 : vector<16xi32> to vector<16xi32>
    %swap3A_406 = vector.shape_cast %add3A_402 : vector<16xi32> to vector<16xi32>
    tpu.vector_store %arg6[%swap3A_403], %swap3A_406 {strides = array<i32>} : memref<128xi32, #tpu.memory_space<vmem>>, vector<16xi32>,
    %add3A_407 = arith.constant 112 : i32
    %add3A_408 = arith.addi %add3A_350, %add3A_407 : i32
    %add3A_409 = vector.broadcast %add3A_408 : i32 to vector<16xi32>
    %add3A_410 = arith.addi %iota3A, %add3A_409 : vector<16xi32>
    %swap3A_411 = arith.constant 112 : index
    %swap3A_412 = tpu.vector_load %arg6[%swap3A_411] {strides = array<i32>} : memref<128xi32, #tpu.memory_space<vmem>>, vector<16xi32>,
    %swap3A_413 = vector.shape_cast %swap3A_412 : vector<16xi32> to vector<16xi32>
    %swap3A_414 = vector.shape_cast %add3A_410 : vector<16xi32> to vector<16xi32>
    tpu.vector_store %arg6[%swap3A_411], %swap3A_414 {strides = array<i32>} : memref<128xi32, #tpu.memory_space<vmem>>, vector<16xi32>,
    %dma_start3A = arith.constant 0 : i32
    %dma_start3A_415 = arith.constant 0 : i32
    %dma_start3A_416 = tpu.memref_slice %arg10[%dma_start3A, %dma_start3A_415] : memref<10240x128xf32, #tpu.memory_space<vmem_shared>> -> memref<10240x128xf32, #tpu.memory_space<vmem_shared>>
    tpu.enqueue_indirect_dma source(%dma_start3A_416 : memref<10240x128xf32, #tpu.memory_space<vmem_shared>>) target(%arg9 : memref<128x128xf32, #tpu.memory_space<vmem>>) offsets(%arg6 : memref<128xi32, #tpu.memory_space<vmem>>) semaphore(%arg11 : memref<!tpu.dma_semaphore, #tpu.memory_space<semaphore_mem>>)
    %dma_wait3A = arith.constant 0 : i32
    %dma_wait3A_417 = arith.constant 0 : i32
    %dma_wait3A_418 = tpu.memref_slice %arg10[%dma_wait3A, %dma_wait3A_417] : memref<10240x128xf32, #tpu.memory_space<vmem_shared>> -> memref<10240x128xf32, #tpu.memory_space<vmem_shared>>
    tpu.wait_indirect_dma semaphore(%arg11 : memref<!tpu.dma_semaphore, #tpu.memory_space<semaphore_mem>>) src(%dma_wait3A_418 : memref<10240x128xf32, #tpu.memory_space<vmem_shared>>) dst(%arg9 : memref<128x128xf32, #tpu.memory_space<vmem>>)
    %mul3A_419 = arith.constant 10240 : i32
    %mul3A_420 = arith.muli %arg0, %mul3A_419 : i32
    %add3A_421 = arith.addi %mul3A_420, %add3A_350 : i32
    "tpu.region"() ({
      %run_scoped3A = tpu.sem_alloc : memref<!tpu.dma_semaphore, #tpu.memory_space<semaphore_mem>>
      %dma_start3A_730 = arith.constant 0 : i32
      %dma_start3A_731 = tpu.memref_slice %arg5[%add3A_421, %dma_start3A_730] : memref<20480x128xf32, #tpu.memory_space<hbm>> -> memref<128x128xf32, #tpu.memory_space<hbm>>
      %dma_start3A_732 = arith.constant 0 : i32
      %dma_start3A_733 = tpu.memref_slice %arg5[%add3A_421, %dma_start3A_732] : memref<20480x128xf32, #tpu.memory_space<hbm>> -> memref<128x128xf32, #tpu.memory_space<hbm>>
      tpu.enqueue_dma source(%arg9 : memref<128x128xf32, #tpu.memory_space<vmem>>) target(%dma_start3A_733 : memref<128x128xf32, #tpu.memory_space<hbm>>) target_semaphore(%run_scoped3A : memref<!tpu.dma_semaphore, #tpu.memory_space<semaphore_mem>>)
      %dma_wait3A_734 = arith.constant 0 : i32
      %dma_wait3A_735 = tpu.memref_slice %arg5[%add3A_421, %dma_wait3A_734] : memref<20480x128xf32, #tpu.memory_space<hbm>> -> memref<128x128xf32, #tpu.memory_space<hbm>>
      %dma_wait3A_736 = arith.constant 0 : i32
      %dma_wait3A_737 = tpu.memref_slice %arg5[%add3A_421, %dma_wait3A_736] : memref<20480x128xf32, #tpu.memory_space<hbm>> -> memref<128x128xf32, #tpu.memory_space<hbm>>
      tpu.wait_dma2 semaphore(%run_scoped3A : memref<!tpu.dma_semaphore, #tpu.memory_space<semaphore_mem>>) src(%arg9 : memref<128x128xf32, #tpu.memory_space<vmem>>) dst(%dma_wait3A_737 : memref<128x128xf32, #tpu.memory_space<hbm>>)
      tpu.yield
    }) : () -> ()
    %mul3A_422 = arith.constant 640 : i32
    %mul3A_423 = arith.muli %arg1, %mul3A_422 : i32
    %add3A_424 = arith.constant 128 : i32
    %add3A_425 = arith.addi %mul3A_423, %add3A_424 : i32
    %add3A_426 = arith.constant 0 : i32
    %add3A_427 = arith.addi %add3A_425, %add3A_426 : i32
    %add3A_428 = vector.broadcast %add3A_427 : i32 to vector<16xi32>
    %add3A_429 = arith.addi %iota3A, %add3A_428 : vector<16xi32>
    %swap3A_430 = arith.constant 0 : index
    %swap3A_431 = tpu.vector_load %arg6[%swap3A_430] {strides = array<i32>} : memref<128xi32, #tpu.memory_space<vmem>>, vector<16xi32>,
    %swap3A_432 = vector.shape_cast %swap3A_431 : vector<16xi32> to vector<16xi32>
    %swap3A_433 = vector.shape_cast %add3A_429 : vector<16xi32> to vector<16xi32>
    tpu.vector_store %arg6[%swap3A_430], %swap3A_433 {strides = array<i32>} : memref<128xi32, #tpu.memory_space<vmem>>, vector<16xi32>,
    %add3A_434 = arith.constant 16 : i32
    %add3A_435 = arith.addi %add3A_425, %add3A_434 : i32
    %add3A_436 = vector.broadcast %add3A_435 : i32 to vector<16xi32>
    %add3A_437 = arith.addi %iota3A, %add3A_436 : vector<16xi32>
    %swap3A_438 = arith.constant 16 : index
    %swap3A_439 = tpu.vector_load %arg6[%swap3A_438] {strides = array<i32>} : memref<128xi32, #tpu.memory_space<vmem>>, vector<16xi32>,
    %swap3A_440 = vector.shape_cast %swap3A_439 : vector<16xi32> to vector<16xi32>
    %swap3A_441 = vector.shape_cast %add3A_437 : vector<16xi32> to vector<16xi32>
    tpu.vector_store %arg6[%swap3A_438], %swap3A_441 {strides = array<i32>} : memref<128xi32, #tpu.memory_space<vmem>>, vector<16xi32>,
    %add3A_442 = arith.constant 32 : i32
    %add3A_443 = arith.addi %add3A_425, %add3A_442 : i32
    %add3A_444 = vector.broadcast %add3A_443 : i32 to vector<16xi32>
    %add3A_445 = arith.addi %iota3A, %add3A_444 : vector<16xi32>
    %swap3A_446 = arith.constant 32 : index
    %swap3A_447 = tpu.vector_load %arg6[%swap3A_446] {strides = array<i32>} : memref<128xi32, #tpu.memory_space<vmem>>, vector<16xi32>,
    %swap3A_448 = vector.shape_cast %swap3A_447 : vector<16xi32> to vector<16xi32>
    %swap3A_449 = vector.shape_cast %add3A_445 : vector<16xi32> to vector<16xi32>
    tpu.vector_store %arg6[%swap3A_446], %swap3A_449 {strides = array<i32>} : memref<128xi32, #tpu.memory_space<vmem>>, vector<16xi32>,
    %add3A_450 = arith.constant 48 : i32
    %add3A_451 = arith.addi %add3A_425, %add3A_450 : i32
    %add3A_452 = vector.broadcast %add3A_451 : i32 to vector<16xi32>
    %add3A_453 = arith.addi %iota3A, %add3A_452 : vector<16xi32>
    %swap3A_454 = arith.constant 48 : index
    %swap3A_455 = tpu.vector_load %arg6[%swap3A_454] {strides = array<i32>} : memref<128xi32, #tpu.memory_space<vmem>>, vector<16xi32>,
    %swap3A_456 = vector.shape_cast %swap3A_455 : vector<16xi32> to vector<16xi32>
    %swap3A_457 = vector.shape_cast %add3A_453 : vector<16xi32> to vector<16xi32>
    tpu.vector_store %arg6[%swap3A_454], %swap3A_457 {strides = array<i32>} : memref<128xi32, #tpu.memory_space<vmem>>, vector<16xi32>,
    %add3A_458 = arith.constant 64 : i32
    %add3A_459 = arith.addi %add3A_425, %add3A_458 : i32
    %add3A_460 = vector.broadcast %add3A_459 : i32 to vector<16xi32>
    %add3A_461 = arith.addi %iota3A, %add3A_460 : vector<16xi32>
    %swap3A_462 = arith.constant 64 : index
    %swap3A_463 = tpu.vector_load %arg6[%swap3A_462] {strides = array<i32>} : memref<128xi32, #tpu.memory_space<vmem>>, vector<16xi32>,
    %swap3A_464 = vector.shape_cast %swap3A_463 : vector<16xi32> to vector<16xi32>
    %swap3A_465 = vector.shape_cast %add3A_461 : vector<16xi32> to vector<16xi32>
    tpu.vector_store %arg6[%swap3A_462], %swap3A_465 {strides = array<i32>} : memref<128xi32, #tpu.memory_space<vmem>>, vector<16xi32>,
    %add3A_466 = arith.constant 80 : i32
    %add3A_467 = arith.addi %add3A_425, %add3A_466 : i32
    %add3A_468 = vector.broadcast %add3A_467 : i32 to vector<16xi32>
    %add3A_469 = arith.addi %iota3A, %add3A_468 : vector<16xi32>
    %swap3A_470 = arith.constant 80 : index
    %swap3A_471 = tpu.vector_load %arg6[%swap3A_470] {strides = array<i32>} : memref<128xi32, #tpu.memory_space<vmem>>, vector<16xi32>,
    %swap3A_472 = vector.shape_cast %swap3A_471 : vector<16xi32> to vector<16xi32>
    %swap3A_473 = vector.shape_cast %add3A_469 : vector<16xi32> to vector<16xi32>
    tpu.vector_store %arg6[%swap3A_470], %swap3A_473 {strides = array<i32>} : memref<128xi32, #tpu.memory_space<vmem>>, vector<16xi32>,
    %add3A_474 = arith.constant 96 : i32
    %add3A_475 = arith.addi %add3A_425, %add3A_474 : i32
    %add3A_476 = vector.broadcast %add3A_475 : i32 to vector<16xi32>
    %add3A_477 = arith.addi %iota3A, %add3A_476 : vector<16xi32>
    %swap3A_478 = arith.constant 96 : index
    %swap3A_479 = tpu.vector_load %arg6[%swap3A_478] {strides = array<i32>} : memref<128xi32, #tpu.memory_space<vmem>>, vector<16xi32>,
    %swap3A_480 = vector.shape_cast %swap3A_479 : vector<16xi32> to vector<16xi32>
    %swap3A_481 = vector.shape_cast %add3A_477 : vector<16xi32> to vector<16xi32>
    tpu.vector_store %arg6[%swap3A_478], %swap3A_481 {strides = array<i32>} : memref<128xi32, #tpu.memory_space<vmem>>, vector<16xi32>,
    %add3A_482 = arith.constant 112 : i32
    %add3A_483 = arith.addi %add3A_425, %add3A_482 : i32
    %add3A_484 = vector.broadcast %add3A_483 : i32 to vector<16xi32>
    %add3A_485 = arith.addi %iota3A, %add3A_484 : vector<16xi32>
    %swap3A_486 = arith.constant 112 : index
    %swap3A_487 = tpu.vector_load %arg6[%swap3A_486] {strides = array<i32>} : memref<128xi32, #tpu.memory_space<vmem>>, vector<16xi32>,
    %swap3A_488 = vector.shape_cast %swap3A_487 : vector<16xi32> to vector<16xi32>
    %swap3A_489 = vector.shape_cast %add3A_485 : vector<16xi32> to vector<16xi32>
    tpu.vector_store %arg6[%swap3A_486], %swap3A_489 {strides = array<i32>} : memref<128xi32, #tpu.memory_space<vmem>>, vector<16xi32>,
    %dma_start3A_490 = arith.constant 0 : i32
    %dma_start3A_491 = arith.constant 0 : i32
    %dma_start3A_492 = tpu.memref_slice %arg10[%dma_start3A_490, %dma_start3A_491] : memref<10240x128xf32, #tpu.memory_space<vmem_shared>> -> memref<10240x128xf32, #tpu.memory_space<vmem_shared>>
    tpu.enqueue_indirect_dma source(%dma_start3A_492 : memref<10240x128xf32, #tpu.memory_space<vmem_shared>>) target(%arg9 : memref<128x128xf32, #tpu.memory_space<vmem>>) offsets(%arg6 : memref<128xi32, #tpu.memory_space<vmem>>) semaphore(%arg11 : memref<!tpu.dma_semaphore, #tpu.memory_space<semaphore_mem>>)
    %dma_wait3A_493 = arith.constant 0 : i32
    %dma_wait3A_494 = arith.constant 0 : i32
    %dma_wait3A_495 = tpu.memref_slice %arg10[%dma_wait3A_493, %dma_wait3A_494] : memref<10240x128xf32, #tpu.memory_space<vmem_shared>> -> memref<10240x128xf32, #tpu.memory_space<vmem_shared>>
    tpu.wait_indirect_dma semaphore(%arg11 : memref<!tpu.dma_semaphore, #tpu.memory_space<semaphore_mem>>) src(%dma_wait3A_495 : memref<10240x128xf32, #tpu.memory_space<vmem_shared>>) dst(%arg9 : memref<128x128xf32, #tpu.memory_space<vmem>>)
    %mul3A_496 = arith.constant 10240 : i32
    %mul3A_497 = arith.muli %arg0, %mul3A_496 : i32
    %add3A_498 = arith.addi %mul3A_497, %add3A_425 : i32
    "tpu.region"() ({
      %run_scoped3A = tpu.sem_alloc : memref<!tpu.dma_semaphore, #tpu.memory_space<semaphore_mem>>
      %dma_start3A_730 = arith.constant 0 : i32
      %dma_start3A_731 = tpu.memref_slice %arg5[%add3A_498, %dma_start3A_730] : memref<20480x128xf32, #tpu.memory_space<hbm>> -> memref<128x128xf32, #tpu.memory_space<hbm>>
      %dma_start3A_732 = arith.constant 0 : i32
      %dma_start3A_733 = tpu.memref_slice %arg5[%add3A_498, %dma_start3A_732] : memref<20480x128xf32, #tpu.memory_space<hbm>> -> memref<128x128xf32, #tpu.memory_space<hbm>>
      tpu.enqueue_dma source(%arg9 : memref<128x128xf32, #tpu.memory_space<vmem>>) target(%dma_start3A_733 : memref<128x128xf32, #tpu.memory_space<hbm>>) target_semaphore(%run_scoped3A : memref<!tpu.dma_semaphore, #tpu.memory_space<semaphore_mem>>)
      %dma_wait3A_734 = arith.constant 0 : i32
      %dma_wait3A_735 = tpu.memref_slice %arg5[%add3A_498, %dma_wait3A_734] : memref<20480x128xf32, #tpu.memory_space<hbm>> -> memref<128x128xf32, #tpu.memory_space<hbm>>
      %dma_wait3A_736 = arith.constant 0 : i32
      %dma_wait3A_737 = tpu.memref_slice %arg5[%add3A_498, %dma_wait3A_736] : memref<20480x128xf32, #tpu.memory_space<hbm>> -> memref<128x128xf32, #tpu.memory_space<hbm>>
      tpu.wait_dma2 semaphore(%run_scoped3A : memref<!tpu.dma_semaphore, #tpu.memory_space<semaphore_mem>>) src(%arg9 : memref<128x128xf32, #tpu.memory_space<vmem>>) dst(%dma_wait3A_737 : memref<128x128xf32, #tpu.memory_space<hbm>>)
      tpu.yield
    }) : () -> ()
    %mul3A_499 = arith.constant 640 : i32
    %mul3A_500 = arith.muli %arg1, %mul3A_499 : i32
    %add3A_501 = arith.constant 256 : i32
    %add3A_502 = arith.addi %mul3A_500, %add3A_501 : i32
    %add3A_503 = arith.constant 0 : i32
    %add3A_504 = arith.addi %add3A_502, %add3A_503 : i32
    %add3A_505 = vector.broadcast %add3A_504 : i32 to vector<16xi32>
    %add3A_506 = arith.addi %iota3A, %add3A_505 : vector<16xi32>
    %swap3A_507 = arith.constant 0 : index
    %swap3A_508 = tpu.vector_load %arg6[%swap3A_507] {strides = array<i32>} : memref<128xi32, #tpu.memory_space<vmem>>, vector<16xi32>,
    %swap3A_509 = vector.shape_cast %swap3A_508 : vector<16xi32> to vector<16xi32>
    %swap3A_510 = vector.shape_cast %add3A_506 : vector<16xi32> to vector<16xi32>
    tpu.vector_store %arg6[%swap3A_507], %swap3A_510 {strides = array<i32>} : memref<128xi32, #tpu.memory_space<vmem>>, vector<16xi32>,
    %add3A_511 = arith.constant 16 : i32
    %add3A_512 = arith.addi %add3A_502, %add3A_511 : i32
    %add3A_513 = vector.broadcast %add3A_512 : i32 to vector<16xi32>
    %add3A_514 = arith.addi %iota3A, %add3A_513 : vector<16xi32>
    %swap3A_515 = arith.constant 16 : index
    %swap3A_516 = tpu.vector_load %arg6[%swap3A_515] {strides = array<i32>} : memref<128xi32, #tpu.memory_space<vmem>>, vector<16xi32>,
    %swap3A_517 = vector.shape_cast %swap3A_516 : vector<16xi32> to vector<16xi32>
    %swap3A_518 = vector.shape_cast %add3A_514 : vector<16xi32> to vector<16xi32>
    tpu.vector_store %arg6[%swap3A_515], %swap3A_518 {strides = array<i32>} : memref<128xi32, #tpu.memory_space<vmem>>, vector<16xi32>,
    %add3A_519 = arith.constant 32 : i32
    %add3A_520 = arith.addi %add3A_502, %add3A_519 : i32
    %add3A_521 = vector.broadcast %add3A_520 : i32 to vector<16xi32>
    %add3A_522 = arith.addi %iota3A, %add3A_521 : vector<16xi32>
    %swap3A_523 = arith.constant 32 : index
    %swap3A_524 = tpu.vector_load %arg6[%swap3A_523] {strides = array<i32>} : memref<128xi32, #tpu.memory_space<vmem>>, vector<16xi32>,
    %swap3A_525 = vector.shape_cast %swap3A_524 : vector<16xi32> to vector<16xi32>
    %swap3A_526 = vector.shape_cast %add3A_522 : vector<16xi32> to vector<16xi32>
    tpu.vector_store %arg6[%swap3A_523], %swap3A_526 {strides = array<i32>} : memref<128xi32, #tpu.memory_space<vmem>>, vector<16xi32>,
    %add3A_527 = arith.constant 48 : i32
    %add3A_528 = arith.addi %add3A_502, %add3A_527 : i32
    %add3A_529 = vector.broadcast %add3A_528 : i32 to vector<16xi32>
    %add3A_530 = arith.addi %iota3A, %add3A_529 : vector<16xi32>
    %swap3A_531 = arith.constant 48 : index
    %swap3A_532 = tpu.vector_load %arg6[%swap3A_531] {strides = array<i32>} : memref<128xi32, #tpu.memory_space<vmem>>, vector<16xi32>,
    %swap3A_533 = vector.shape_cast %swap3A_532 : vector<16xi32> to vector<16xi32>
    %swap3A_534 = vector.shape_cast %add3A_530 : vector<16xi32> to vector<16xi32>
    tpu.vector_store %arg6[%swap3A_531], %swap3A_534 {strides = array<i32>} : memref<128xi32, #tpu.memory_space<vmem>>, vector<16xi32>,
    %add3A_535 = arith.constant 64 : i32
    %add3A_536 = arith.addi %add3A_502, %add3A_535 : i32
    %add3A_537 = vector.broadcast %add3A_536 : i32 to vector<16xi32>
    %add3A_538 = arith.addi %iota3A, %add3A_537 : vector<16xi32>
    %swap3A_539 = arith.constant 64 : index
    %swap3A_540 = tpu.vector_load %arg6[%swap3A_539] {strides = array<i32>} : memref<128xi32, #tpu.memory_space<vmem>>, vector<16xi32>,
    %swap3A_541 = vector.shape_cast %swap3A_540 : vector<16xi32> to vector<16xi32>
    %swap3A_542 = vector.shape_cast %add3A_538 : vector<16xi32> to vector<16xi32>
    tpu.vector_store %arg6[%swap3A_539], %swap3A_542 {strides = array<i32>} : memref<128xi32, #tpu.memory_space<vmem>>, vector<16xi32>,
    %add3A_543 = arith.constant 80 : i32
    %add3A_544 = arith.addi %add3A_502, %add3A_543 : i32
    %add3A_545 = vector.broadcast %add3A_544 : i32 to vector<16xi32>
    %add3A_546 = arith.addi %iota3A, %add3A_545 : vector<16xi32>
    %swap3A_547 = arith.constant 80 : index
    %swap3A_548 = tpu.vector_load %arg6[%swap3A_547] {strides = array<i32>} : memref<128xi32, #tpu.memory_space<vmem>>, vector<16xi32>,
    %swap3A_549 = vector.shape_cast %swap3A_548 : vector<16xi32> to vector<16xi32>
    %swap3A_550 = vector.shape_cast %add3A_546 : vector<16xi32> to vector<16xi32>
    tpu.vector_store %arg6[%swap3A_547], %swap3A_550 {strides = array<i32>} : memref<128xi32, #tpu.memory_space<vmem>>, vector<16xi32>,
    %add3A_551 = arith.constant 96 : i32
    %add3A_552 = arith.addi %add3A_502, %add3A_551 : i32
    %add3A_553 = vector.broadcast %add3A_552 : i32 to vector<16xi32>
    %add3A_554 = arith.addi %iota3A, %add3A_553 : vector<16xi32>
    %swap3A_555 = arith.constant 96 : index
    %swap3A_556 = tpu.vector_load %arg6[%swap3A_555] {strides = array<i32>} : memref<128xi32, #tpu.memory_space<vmem>>, vector<16xi32>,
    %swap3A_557 = vector.shape_cast %swap3A_556 : vector<16xi32> to vector<16xi32>
    %swap3A_558 = vector.shape_cast %add3A_554 : vector<16xi32> to vector<16xi32>
    tpu.vector_store %arg6[%swap3A_555], %swap3A_558 {strides = array<i32>} : memref<128xi32, #tpu.memory_space<vmem>>, vector<16xi32>,
    %add3A_559 = arith.constant 112 : i32
    %add3A_560 = arith.addi %add3A_502, %add3A_559 : i32
    %add3A_561 = vector.broadcast %add3A_560 : i32 to vector<16xi32>
    %add3A_562 = arith.addi %iota3A, %add3A_561 : vector<16xi32>
    %swap3A_563 = arith.constant 112 : index
    %swap3A_564 = tpu.vector_load %arg6[%swap3A_563] {strides = array<i32>} : memref<128xi32, #tpu.memory_space<vmem>>, vector<16xi32>,
    %swap3A_565 = vector.shape_cast %swap3A_564 : vector<16xi32> to vector<16xi32>
    %swap3A_566 = vector.shape_cast %add3A_562 : vector<16xi32> to vector<16xi32>
    tpu.vector_store %arg6[%swap3A_563], %swap3A_566 {strides = array<i32>} : memref<128xi32, #tpu.memory_space<vmem>>, vector<16xi32>,
    %dma_start3A_567 = arith.constant 0 : i32
    %dma_start3A_568 = arith.constant 0 : i32
    %dma_start3A_569 = tpu.memref_slice %arg10[%dma_start3A_567, %dma_start3A_568] : memref<10240x128xf32, #tpu.memory_space<vmem_shared>> -> memref<10240x128xf32, #tpu.memory_space<vmem_shared>>
    tpu.enqueue_indirect_dma source(%dma_start3A_569 : memref<10240x128xf32, #tpu.memory_space<vmem_shared>>) target(%arg9 : memref<128x128xf32, #tpu.memory_space<vmem>>) offsets(%arg6 : memref<128xi32, #tpu.memory_space<vmem>>) semaphore(%arg11 : memref<!tpu.dma_semaphore, #tpu.memory_space<semaphore_mem>>)
    %dma_wait3A_570 = arith.constant 0 : i32
    %dma_wait3A_571 = arith.constant 0 : i32
    %dma_wait3A_572 = tpu.memref_slice %arg10[%dma_wait3A_570, %dma_wait3A_571] : memref<10240x128xf32, #tpu.memory_space<vmem_shared>> -> memref<10240x128xf32, #tpu.memory_space<vmem_shared>>
    tpu.wait_indirect_dma semaphore(%arg11 : memref<!tpu.dma_semaphore, #tpu.memory_space<semaphore_mem>>) src(%dma_wait3A_572 : memref<10240x128xf32, #tpu.memory_space<vmem_shared>>) dst(%arg9 : memref<128x128xf32, #tpu.memory_space<vmem>>)
    %mul3A_573 = arith.constant 10240 : i32
    %mul3A_574 = arith.muli %arg0, %mul3A_573 : i32
    %add3A_575 = arith.addi %mul3A_574, %add3A_502 : i32
    "tpu.region"() ({
      %run_scoped3A = tpu.sem_alloc : memref<!tpu.dma_semaphore, #tpu.memory_space<semaphore_mem>>
      %dma_start3A_730 = arith.constant 0 : i32
      %dma_start3A_731 = tpu.memref_slice %arg5[%add3A_575, %dma_start3A_730] : memref<20480x128xf32, #tpu.memory_space<hbm>> -> memref<128x128xf32, #tpu.memory_space<hbm>>
      %dma_start3A_732 = arith.constant 0 : i32
      %dma_start3A_733 = tpu.memref_slice %arg5[%add3A_575, %dma_start3A_732] : memref<20480x128xf32, #tpu.memory_space<hbm>> -> memref<128x128xf32, #tpu.memory_space<hbm>>
      tpu.enqueue_dma source(%arg9 : memref<128x128xf32, #tpu.memory_space<vmem>>) target(%dma_start3A_733 : memref<128x128xf32, #tpu.memory_space<hbm>>) target_semaphore(%run_scoped3A : memref<!tpu.dma_semaphore, #tpu.memory_space<semaphore_mem>>)
      %dma_wait3A_734 = arith.constant 0 : i32
      %dma_wait3A_735 = tpu.memref_slice %arg5[%add3A_575, %dma_wait3A_734] : memref<20480x128xf32, #tpu.memory_space<hbm>> -> memref<128x128xf32, #tpu.memory_space<hbm>>
      %dma_wait3A_736 = arith.constant 0 : i32
      %dma_wait3A_737 = tpu.memref_slice %arg5[%add3A_575, %dma_wait3A_736] : memref<20480x128xf32, #tpu.memory_space<hbm>> -> memref<128x128xf32, #tpu.memory_space<hbm>>
      tpu.wait_dma2 semaphore(%run_scoped3A : memref<!tpu.dma_semaphore, #tpu.memory_space<semaphore_mem>>) src(%arg9 : memref<128x128xf32, #tpu.memory_space<vmem>>) dst(%dma_wait3A_737 : memref<128x128xf32, #tpu.memory_space<hbm>>)
      tpu.yield
    }) : () -> ()
    %mul3A_576 = arith.constant 640 : i32
    %mul3A_577 = arith.muli %arg1, %mul3A_576 : i32
    %add3A_578 = arith.constant 384 : i32
    %add3A_579 = arith.addi %mul3A_577, %add3A_578 : i32
    %add3A_580 = arith.constant 0 : i32
    %add3A_581 = arith.addi %add3A_579, %add3A_580 : i32
    %add3A_582 = vector.broadcast %add3A_581 : i32 to vector<16xi32>
    %add3A_583 = arith.addi %iota3A, %add3A_582 : vector<16xi32>
    %swap3A_584 = arith.constant 0 : index
    %swap3A_585 = tpu.vector_load %arg6[%swap3A_584] {strides = array<i32>} : memref<128xi32, #tpu.memory_space<vmem>>, vector<16xi32>,
    %swap3A_586 = vector.shape_cast %swap3A_585 : vector<16xi32> to vector<16xi32>
    %swap3A_587 = vector.shape_cast %add3A_583 : vector<16xi32> to vector<16xi32>
    tpu.vector_store %arg6[%swap3A_584], %swap3A_587 {strides = array<i32>} : memref<128xi32, #tpu.memory_space<vmem>>, vector<16xi32>,
    %add3A_588 = arith.constant 16 : i32
    %add3A_589 = arith.addi %add3A_579, %add3A_588 : i32
    %add3A_590 = vector.broadcast %add3A_589 : i32 to vector<16xi32>
    %add3A_591 = arith.addi %iota3A, %add3A_590 : vector<16xi32>
    %swap3A_592 = arith.constant 16 : index
    %swap3A_593 = tpu.vector_load %arg6[%swap3A_592] {strides = array<i32>} : memref<128xi32, #tpu.memory_space<vmem>>, vector<16xi32>,
    %swap3A_594 = vector.shape_cast %swap3A_593 : vector<16xi32> to vector<16xi32>
    %swap3A_595 = vector.shape_cast %add3A_591 : vector<16xi32> to vector<16xi32>
    tpu.vector_store %arg6[%swap3A_592], %swap3A_595 {strides = array<i32>} : memref<128xi32, #tpu.memory_space<vmem>>, vector<16xi32>,
    %add3A_596 = arith.constant 32 : i32
    %add3A_597 = arith.addi %add3A_579, %add3A_596 : i32
    %add3A_598 = vector.broadcast %add3A_597 : i32 to vector<16xi32>
    %add3A_599 = arith.addi %iota3A, %add3A_598 : vector<16xi32>
    %swap3A_600 = arith.constant 32 : index
    %swap3A_601 = tpu.vector_load %arg6[%swap3A_600] {strides = array<i32>} : memref<128xi32, #tpu.memory_space<vmem>>, vector<16xi32>,
    %swap3A_602 = vector.shape_cast %swap3A_601 : vector<16xi32> to vector<16xi32>
    %swap3A_603 = vector.shape_cast %add3A_599 : vector<16xi32> to vector<16xi32>
    tpu.vector_store %arg6[%swap3A_600], %swap3A_603 {strides = array<i32>} : memref<128xi32, #tpu.memory_space<vmem>>, vector<16xi32>,
    %add3A_604 = arith.constant 48 : i32
    %add3A_605 = arith.addi %add3A_579, %add3A_604 : i32
    %add3A_606 = vector.broadcast %add3A_605 : i32 to vector<16xi32>
    %add3A_607 = arith.addi %iota3A, %add3A_606 : vector<16xi32>
    %swap3A_608 = arith.constant 48 : index
    %swap3A_609 = tpu.vector_load %arg6[%swap3A_608] {strides = array<i32>} : memref<128xi32, #tpu.memory_space<vmem>>, vector<16xi32>,
    %swap3A_610 = vector.shape_cast %swap3A_609 : vector<16xi32> to vector<16xi32>
    %swap3A_611 = vector.shape_cast %add3A_607 : vector<16xi32> to vector<16xi32>
    tpu.vector_store %arg6[%swap3A_608], %swap3A_611 {strides = array<i32>} : memref<128xi32, #tpu.memory_space<vmem>>, vector<16xi32>,
    %add3A_612 = arith.constant 64 : i32
    %add3A_613 = arith.addi %add3A_579, %add3A_612 : i32
    %add3A_614 = vector.broadcast %add3A_613 : i32 to vector<16xi32>
    %add3A_615 = arith.addi %iota3A, %add3A_614 : vector<16xi32>
    %swap3A_616 = arith.constant 64 : index
    %swap3A_617 = tpu.vector_load %arg6[%swap3A_616] {strides = array<i32>} : memref<128xi32, #tpu.memory_space<vmem>>, vector<16xi32>,
    %swap3A_618 = vector.shape_cast %swap3A_617 : vector<16xi32> to vector<16xi32>
    %swap3A_619 = vector.shape_cast %add3A_615 : vector<16xi32> to vector<16xi32>
    tpu.vector_store %arg6[%swap3A_616], %swap3A_619 {strides = array<i32>} : memref<128xi32, #tpu.memory_space<vmem>>, vector<16xi32>,
    %add3A_620 = arith.constant 80 : i32
    %add3A_621 = arith.addi %add3A_579, %add3A_620 : i32
    %add3A_622 = vector.broadcast %add3A_621 : i32 to vector<16xi32>
    %add3A_623 = arith.addi %iota3A, %add3A_622 : vector<16xi32>
    %swap3A_624 = arith.constant 80 : index
    %swap3A_625 = tpu.vector_load %arg6[%swap3A_624] {strides = array<i32>} : memref<128xi32, #tpu.memory_space<vmem>>, vector<16xi32>,
    %swap3A_626 = vector.shape_cast %swap3A_625 : vector<16xi32> to vector<16xi32>
    %swap3A_627 = vector.shape_cast %add3A_623 : vector<16xi32> to vector<16xi32>
    tpu.vector_store %arg6[%swap3A_624], %swap3A_627 {strides = array<i32>} : memref<128xi32, #tpu.memory_space<vmem>>, vector<16xi32>,
    %add3A_628 = arith.constant 96 : i32
    %add3A_629 = arith.addi %add3A_579, %add3A_628 : i32
    %add3A_630 = vector.broadcast %add3A_629 : i32 to vector<16xi32>
    %add3A_631 = arith.addi %iota3A, %add3A_630 : vector<16xi32>
    %swap3A_632 = arith.constant 96 : index
    %swap3A_633 = tpu.vector_load %arg6[%swap3A_632] {strides = array<i32>} : memref<128xi32, #tpu.memory_space<vmem>>, vector<16xi32>,
    %swap3A_634 = vector.shape_cast %swap3A_633 : vector<16xi32> to vector<16xi32>
    %swap3A_635 = vector.shape_cast %add3A_631 : vector<16xi32> to vector<16xi32>
    tpu.vector_store %arg6[%swap3A_632], %swap3A_635 {strides = array<i32>} : memref<128xi32, #tpu.memory_space<vmem>>, vector<16xi32>,
    %add3A_636 = arith.constant 112 : i32
    %add3A_637 = arith.addi %add3A_579, %add3A_636 : i32
    %add3A_638 = vector.broadcast %add3A_637 : i32 to vector<16xi32>
    %add3A_639 = arith.addi %iota3A, %add3A_638 : vector<16xi32>
    %swap3A_640 = arith.constant 112 : index
    %swap3A_641 = tpu.vector_load %arg6[%swap3A_640] {strides = array<i32>} : memref<128xi32, #tpu.memory_space<vmem>>, vector<16xi32>,
    %swap3A_642 = vector.shape_cast %swap3A_641 : vector<16xi32> to vector<16xi32>
    %swap3A_643 = vector.shape_cast %add3A_639 : vector<16xi32> to vector<16xi32>
    tpu.vector_store %arg6[%swap3A_640], %swap3A_643 {strides = array<i32>} : memref<128xi32, #tpu.memory_space<vmem>>, vector<16xi32>,
    %dma_start3A_644 = arith.constant 0 : i32
    %dma_start3A_645 = arith.constant 0 : i32
    %dma_start3A_646 = tpu.memref_slice %arg10[%dma_start3A_644, %dma_start3A_645] : memref<10240x128xf32, #tpu.memory_space<vmem_shared>> -> memref<10240x128xf32, #tpu.memory_space<vmem_shared>>
    tpu.enqueue_indirect_dma source(%dma_start3A_646 : memref<10240x128xf32, #tpu.memory_space<vmem_shared>>) target(%arg9 : memref<128x128xf32, #tpu.memory_space<vmem>>) offsets(%arg6 : memref<128xi32, #tpu.memory_space<vmem>>) semaphore(%arg11 : memref<!tpu.dma_semaphore, #tpu.memory_space<semaphore_mem>>)
    %dma_wait3A_647 = arith.constant 0 : i32
    %dma_wait3A_648 = arith.constant 0 : i32
    %dma_wait3A_649 = tpu.memref_slice %arg10[%dma_wait3A_647, %dma_wait3A_648] : memref<10240x128xf32, #tpu.memory_space<vmem_shared>> -> memref<10240x128xf32, #tpu.memory_space<vmem_shared>>
    tpu.wait_indirect_dma semaphore(%arg11 : memref<!tpu.dma_semaphore, #tpu.memory_space<semaphore_mem>>) src(%dma_wait3A_649 : memref<10240x128xf32, #tpu.memory_space<vmem_shared>>) dst(%arg9 : memref<128x128xf32, #tpu.memory_space<vmem>>)
    %mul3A_650 = arith.constant 10240 : i32
    %mul3A_651 = arith.muli %arg0, %mul3A_650 : i32
    %add3A_652 = arith.addi %mul3A_651, %add3A_579 : i32
    "tpu.region"() ({
      %run_scoped3A = tpu.sem_alloc : memref<!tpu.dma_semaphore, #tpu.memory_space<semaphore_mem>>
      %dma_start3A_730 = arith.constant 0 : i32
      %dma_start3A_731 = tpu.memref_slice %arg5[%add3A_652, %dma_start3A_730] : memref<20480x128xf32, #tpu.memory_space<hbm>> -> memref<128x128xf32, #tpu.memory_space<hbm>>
      %dma_start3A_732 = arith.constant 0 : i32
      %dma_start3A_733 = tpu.memref_slice %arg5[%add3A_652, %dma_start3A_732] : memref<20480x128xf32, #tpu.memory_space<hbm>> -> memref<128x128xf32, #tpu.memory_space<hbm>>
      tpu.enqueue_dma source(%arg9 : memref<128x128xf32, #tpu.memory_space<vmem>>) target(%dma_start3A_733 : memref<128x128xf32, #tpu.memory_space<hbm>>) target_semaphore(%run_scoped3A : memref<!tpu.dma_semaphore, #tpu.memory_space<semaphore_mem>>)
      %dma_wait3A_734 = arith.constant 0 : i32
      %dma_wait3A_735 = tpu.memref_slice %arg5[%add3A_652, %dma_wait3A_734] : memref<20480x128xf32, #tpu.memory_space<hbm>> -> memref<128x128xf32, #tpu.memory_space<hbm>>
      %dma_wait3A_736 = arith.constant 0 : i32
      %dma_wait3A_737 = tpu.memref_slice %arg5[%add3A_652, %dma_wait3A_736] : memref<20480x128xf32, #tpu.memory_space<hbm>> -> memref<128x128xf32, #tpu.memory_space<hbm>>
      tpu.wait_dma2 semaphore(%run_scoped3A : memref<!tpu.dma_semaphore, #tpu.memory_space<semaphore_mem>>) src(%arg9 : memref<128x128xf32, #tpu.memory_space<vmem>>) dst(%dma_wait3A_737 : memref<128x128xf32, #tpu.memory_space<hbm>>)
      tpu.yield
    }) : () -> ()
    %mul3A_653 = arith.constant 640 : i32
    %mul3A_654 = arith.muli %arg1, %mul3A_653 : i32
    %add3A_655 = arith.constant 512 : i32
    %add3A_656 = arith.addi %mul3A_654, %add3A_655 : i32
    %add3A_657 = arith.constant 0 : i32
    %add3A_658 = arith.addi %add3A_656, %add3A_657 : i32
    %add3A_659 = vector.broadcast %add3A_658 : i32 to vector<16xi32>
    %add3A_660 = arith.addi %iota3A, %add3A_659 : vector<16xi32>
    %swap3A_661 = arith.constant 0 : index
    %swap3A_662 = tpu.vector_load %arg6[%swap3A_661] {strides = array<i32>} : memref<128xi32, #tpu.memory_space<vmem>>, vector<16xi32>,
    %swap3A_663 = vector.shape_cast %swap3A_662 : vector<16xi32> to vector<16xi32>
    %swap3A_664 = vector.shape_cast %add3A_660 : vector<16xi32> to vector<16xi32>
    tpu.vector_store %arg6[%swap3A_661], %swap3A_664 {strides = array<i32>} : memref<128xi32, #tpu.memory_space<vmem>>, vector<16xi32>,
    %add3A_665 = arith.constant 16 : i32
    %add3A_666 = arith.addi %add3A_656, %add3A_665 : i32
    %add3A_667 = vector.broadcast %add3A_666 : i32 to vector<16xi32>
    %add3A_668 = arith.addi %iota3A, %add3A_667 : vector<16xi32>
    %swap3A_669 = arith.constant 16 : index
    %swap3A_670 = tpu.vector_load %arg6[%swap3A_669] {strides = array<i32>} : memref<128xi32, #tpu.memory_space<vmem>>, vector<16xi32>,
    %swap3A_671 = vector.shape_cast %swap3A_670 : vector<16xi32> to vector<16xi32>
    %swap3A_672 = vector.shape_cast %add3A_668 : vector<16xi32> to vector<16xi32>
    tpu.vector_store %arg6[%swap3A_669], %swap3A_672 {strides = array<i32>} : memref<128xi32, #tpu.memory_space<vmem>>, vector<16xi32>,
    %add3A_673 = arith.constant 32 : i32
    %add3A_674 = arith.addi %add3A_656, %add3A_673 : i32
    %add3A_675 = vector.broadcast %add3A_674 : i32 to vector<16xi32>
    %add3A_676 = arith.addi %iota3A, %add3A_675 : vector<16xi32>
    %swap3A_677 = arith.constant 32 : index
    %swap3A_678 = tpu.vector_load %arg6[%swap3A_677] {strides = array<i32>} : memref<128xi32, #tpu.memory_space<vmem>>, vector<16xi32>,
    %swap3A_679 = vector.shape_cast %swap3A_678 : vector<16xi32> to vector<16xi32>
    %swap3A_680 = vector.shape_cast %add3A_676 : vector<16xi32> to vector<16xi32>
    tpu.vector_store %arg6[%swap3A_677], %swap3A_680 {strides = array<i32>} : memref<128xi32, #tpu.memory_space<vmem>>, vector<16xi32>,
    %add3A_681 = arith.constant 48 : i32
    %add3A_682 = arith.addi %add3A_656, %add3A_681 : i32
    %add3A_683 = vector.broadcast %add3A_682 : i32 to vector<16xi32>
    %add3A_684 = arith.addi %iota3A, %add3A_683 : vector<16xi32>
    %swap3A_685 = arith.constant 48 : index
    %swap3A_686 = tpu.vector_load %arg6[%swap3A_685] {strides = array<i32>} : memref<128xi32, #tpu.memory_space<vmem>>, vector<16xi32>,
    %swap3A_687 = vector.shape_cast %swap3A_686 : vector<16xi32> to vector<16xi32>
    %swap3A_688 = vector.shape_cast %add3A_684 : vector<16xi32> to vector<16xi32>
    tpu.vector_store %arg6[%swap3A_685], %swap3A_688 {strides = array<i32>} : memref<128xi32, #tpu.memory_space<vmem>>, vector<16xi32>,
    %add3A_689 = arith.constant 64 : i32
    %add3A_690 = arith.addi %add3A_656, %add3A_689 : i32
    %add3A_691 = vector.broadcast %add3A_690 : i32 to vector<16xi32>
    %add3A_692 = arith.addi %iota3A, %add3A_691 : vector<16xi32>
    %swap3A_693 = arith.constant 64 : index
    %swap3A_694 = tpu.vector_load %arg6[%swap3A_693] {strides = array<i32>} : memref<128xi32, #tpu.memory_space<vmem>>, vector<16xi32>,
    %swap3A_695 = vector.shape_cast %swap3A_694 : vector<16xi32> to vector<16xi32>
    %swap3A_696 = vector.shape_cast %add3A_692 : vector<16xi32> to vector<16xi32>
    tpu.vector_store %arg6[%swap3A_693], %swap3A_696 {strides = array<i32>} : memref<128xi32, #tpu.memory_space<vmem>>, vector<16xi32>,
    %add3A_697 = arith.constant 80 : i32
    %add3A_698 = arith.addi %add3A_656, %add3A_697 : i32
    %add3A_699 = vector.broadcast %add3A_698 : i32 to vector<16xi32>
    %add3A_700 = arith.addi %iota3A, %add3A_699 : vector<16xi32>
    %swap3A_701 = arith.constant 80 : index
    %swap3A_702 = tpu.vector_load %arg6[%swap3A_701] {strides = array<i32>} : memref<128xi32, #tpu.memory_space<vmem>>, vector<16xi32>,
    %swap3A_703 = vector.shape_cast %swap3A_702 : vector<16xi32> to vector<16xi32>
    %swap3A_704 = vector.shape_cast %add3A_700 : vector<16xi32> to vector<16xi32>
    tpu.vector_store %arg6[%swap3A_701], %swap3A_704 {strides = array<i32>} : memref<128xi32, #tpu.memory_space<vmem>>, vector<16xi32>,
    %add3A_705 = arith.constant 96 : i32
    %add3A_706 = arith.addi %add3A_656, %add3A_705 : i32
    %add3A_707 = vector.broadcast %add3A_706 : i32 to vector<16xi32>
    %add3A_708 = arith.addi %iota3A, %add3A_707 : vector<16xi32>
    %swap3A_709 = arith.constant 96 : index
    %swap3A_710 = tpu.vector_load %arg6[%swap3A_709] {strides = array<i32>} : memref<128xi32, #tpu.memory_space<vmem>>, vector<16xi32>,
    %swap3A_711 = vector.shape_cast %swap3A_710 : vector<16xi32> to vector<16xi32>
    %swap3A_712 = vector.shape_cast %add3A_708 : vector<16xi32> to vector<16xi32>
    tpu.vector_store %arg6[%swap3A_709], %swap3A_712 {strides = array<i32>} : memref<128xi32, #tpu.memory_space<vmem>>, vector<16xi32>,
    %add3A_713 = arith.constant 112 : i32
    %add3A_714 = arith.addi %add3A_656, %add3A_713 : i32
    %add3A_715 = vector.broadcast %add3A_714 : i32 to vector<16xi32>
    %add3A_716 = arith.addi %iota3A, %add3A_715 : vector<16xi32>
    %swap3A_717 = arith.constant 112 : index
    %swap3A_718 = tpu.vector_load %arg6[%swap3A_717] {strides = array<i32>} : memref<128xi32, #tpu.memory_space<vmem>>, vector<16xi32>,
    %swap3A_719 = vector.shape_cast %swap3A_718 : vector<16xi32> to vector<16xi32>
    %swap3A_720 = vector.shape_cast %add3A_716 : vector<16xi32> to vector<16xi32>
    tpu.vector_store %arg6[%swap3A_717], %swap3A_720 {strides = array<i32>} : memref<128xi32, #tpu.memory_space<vmem>>, vector<16xi32>,
    %dma_start3A_721 = arith.constant 0 : i32
    %dma_start3A_722 = arith.constant 0 : i32
    %dma_start3A_723 = tpu.memref_slice %arg10[%dma_start3A_721, %dma_start3A_722] : memref<10240x128xf32, #tpu.memory_space<vmem_shared>> -> memref<10240x128xf32, #tpu.memory_space<vmem_shared>>
    tpu.enqueue_indirect_dma source(%dma_start3A_723 : memref<10240x128xf32, #tpu.memory_space<vmem_shared>>) target(%arg9 : memref<128x128xf32, #tpu.memory_space<vmem>>) offsets(%arg6 : memref<128xi32, #tpu.memory_space<vmem>>) semaphore(%arg11 : memref<!tpu.dma_semaphore, #tpu.memory_space<semaphore_mem>>)
    %dma_wait3A_724 = arith.constant 0 : i32
    %dma_wait3A_725 = arith.constant 0 : i32
    %dma_wait3A_726 = tpu.memref_slice %arg10[%dma_wait3A_724, %dma_wait3A_725] : memref<10240x128xf32, #tpu.memory_space<vmem_shared>> -> memref<10240x128xf32, #tpu.memory_space<vmem_shared>>
    tpu.wait_indirect_dma semaphore(%arg11 : memref<!tpu.dma_semaphore, #tpu.memory_space<semaphore_mem>>) src(%dma_wait3A_726 : memref<10240x128xf32, #tpu.memory_space<vmem_shared>>) dst(%arg9 : memref<128x128xf32, #tpu.memory_space<vmem>>)
    %mul3A_727 = arith.constant 10240 : i32
    %mul3A_728 = arith.muli %arg0, %mul3A_727 : i32
    %add3A_729 = arith.addi %mul3A_728, %add3A_656 : i32
    "tpu.region"() ({
      %run_scoped3A = tpu.sem_alloc : memref<!tpu.dma_semaphore, #tpu.memory_space<semaphore_mem>>
      %dma_start3A_730 = arith.constant 0 : i32
      %dma_start3A_731 = tpu.memref_slice %arg5[%add3A_729, %dma_start3A_730] : memref<20480x128xf32, #tpu.memory_space<hbm>> -> memref<128x128xf32, #tpu.memory_space<hbm>>
      %dma_start3A_732 = arith.constant 0 : i32
      %dma_start3A_733 = tpu.memref_slice %arg5[%add3A_729, %dma_start3A_732] : memref<20480x128xf32, #tpu.memory_space<hbm>> -> memref<128x128xf32, #tpu.memory_space<hbm>>
      tpu.enqueue_dma source(%arg9 : memref<128x128xf32, #tpu.memory_space<vmem>>) target(%dma_start3A_733 : memref<128x128xf32, #tpu.memory_space<hbm>>) target_semaphore(%run_scoped3A : memref<!tpu.dma_semaphore, #tpu.memory_space<semaphore_mem>>)
      %dma_wait3A_734 = arith.constant 0 : i32
      %dma_wait3A_735 = tpu.memref_slice %arg5[%add3A_729, %dma_wait3A_734] : memref<20480x128xf32, #tpu.memory_space<hbm>> -> memref<128x128xf32, #tpu.memory_space<hbm>>
      %dma_wait3A_736 = arith.constant 0 : i32
      %dma_wait3A_737 = tpu.memref_slice %arg5[%add3A_729, %dma_wait3A_736] : memref<20480x128xf32, #tpu.memory_space<hbm>> -> memref<128x128xf32, #tpu.memory_space<hbm>>
      tpu.wait_dma2 semaphore(%run_scoped3A : memref<!tpu.dma_semaphore, #tpu.memory_space<semaphore_mem>>) src(%arg9 : memref<128x128xf32, #tpu.memory_space<vmem>>) dst(%dma_wait3A_737 : memref<128x128xf32, #tpu.memory_space<hbm>>)
      tpu.yield
    }) : () -> ()
    return
  }
}

#map = affine_map<(d0, d1) -> (0, 0)>
#map1 = affine_map<(d0, d1) -> (0, 0, 0)>
module attributes {stable_mosaic.version = 14 : i64} {
  func.func @_edge_body(%arg0: i32, %arg1: i32, %arg2: memref<10240x128xf32, #tpu.memory_space<hbm>>, %arg3: memref<32x79x128xi32, #tpu.memory_space<hbm>>, %arg4: memref<32x79x128xi32, #tpu.memory_space<hbm>>, %arg5: memref<20480x128xf32, #tpu.memory_space<hbm>>, %arg6: memref<128xi32, #tpu.memory_space<vmem>>, %arg7: memref<79x128xi32, #tpu.memory_space<vmem>>, %arg8: memref<79x128xi32, #tpu.memory_space<vmem>>, %arg9: memref<128x128xf32, #tpu.memory_space<vmem>>, %arg10: memref<10240x128xf32, #tpu.memory_space<vmem_shared>>, %arg11: memref<!tpu.dma_semaphore, #tpu.memory_space<semaphore_mem>>) attributes {dimension_semantics = [#tpu.dimension_semantics<core_parallel>, #tpu.dimension_semantics<subcore_parallel>], iteration_bounds = array<i64: 2, 16>, scalar_prefetch = 0 : i64, scratch_operands = 6 : i64, tpu.core_type = #tpu.core_type<sc_vector_subcore>, window_params = [{transform_indices = #map}, {transform_indices = #map1}, {transform_indices = #map1}, {transform_indices = #map}]} {
    %mul3A = arith.constant 2 : i32
    %mul3A_0 = arith.muli %arg1, %mul3A : i32
    %add3A = arith.addi %mul3A_0, %arg0 : i32
    %iota3A = tpu.iota {dimensions = array<i32: 0>} : vector<16xi32>
    %mul3A_1 = arith.constant 640 : i32
    %mul3A_2 = arith.muli %arg1, %mul3A_1 : i32
    %add3A_3 = arith.constant 0 : i32
    %add3A_4 = arith.addi %mul3A_2, %add3A_3 : i32
    %add3A_5 = arith.constant 0 : i32
    %add3A_6 = arith.addi %add3A_4, %add3A_5 : i32
    %add3A_7 = vector.broadcast %add3A_6 : i32 to vector<16xi32>
    %add3A_8 = arith.addi %iota3A, %add3A_7 : vector<16xi32>
    %swap3A = arith.constant 0 : index
    %swap3A_9 = tpu.vector_load %arg6[%swap3A] {strides = array<i32>} : memref<128xi32, #tpu.memory_space<vmem>>, vector<16xi32>,
    %swap3A_10 = vector.shape_cast %swap3A_9 : vector<16xi32> to vector<16xi32>
    %swap3A_11 = vector.shape_cast %add3A_8 : vector<16xi32> to vector<16xi32>
    tpu.vector_store %arg6[%swap3A], %swap3A_11 {strides = array<i32>} : memref<128xi32, #tpu.memory_space<vmem>>, vector<16xi32>,
    %add3A_12 = arith.constant 16 : i32
    %add3A_13 = arith.addi %add3A_4, %add3A_12 : i32
    %add3A_14 = vector.broadcast %add3A_13 : i32 to vector<16xi32>
    %add3A_15 = arith.addi %iota3A, %add3A_14 : vector<16xi32>
    %swap3A_16 = arith.constant 16 : index
    %swap3A_17 = tpu.vector_load %arg6[%swap3A_16] {strides = array<i32>} : memref<128xi32, #tpu.memory_space<vmem>>, vector<16xi32>,
    %swap3A_18 = vector.shape_cast %swap3A_17 : vector<16xi32> to vector<16xi32>
    %swap3A_19 = vector.shape_cast %add3A_15 : vector<16xi32> to vector<16xi32>
    tpu.vector_store %arg6[%swap3A_16], %swap3A_19 {strides = array<i32>} : memref<128xi32, #tpu.memory_space<vmem>>, vector<16xi32>,
    %add3A_20 = arith.constant 32 : i32
    %add3A_21 = arith.addi %add3A_4, %add3A_20 : i32
    %add3A_22 = vector.broadcast %add3A_21 : i32 to vector<16xi32>
    %add3A_23 = arith.addi %iota3A, %add3A_22 : vector<16xi32>
    %swap3A_24 = arith.constant 32 : index
    %swap3A_25 = tpu.vector_load %arg6[%swap3A_24] {strides = array<i32>} : memref<128xi32, #tpu.memory_space<vmem>>, vector<16xi32>,
    %swap3A_26 = vector.shape_cast %swap3A_25 : vector<16xi32> to vector<16xi32>
    %swap3A_27 = vector.shape_cast %add3A_23 : vector<16xi32> to vector<16xi32>
    tpu.vector_store %arg6[%swap3A_24], %swap3A_27 {strides = array<i32>} : memref<128xi32, #tpu.memory_space<vmem>>, vector<16xi32>,
    %add3A_28 = arith.constant 48 : i32
    %add3A_29 = arith.addi %add3A_4, %add3A_28 : i32
    %add3A_30 = vector.broadcast %add3A_29 : i32 to vector<16xi32>
    %add3A_31 = arith.addi %iota3A, %add3A_30 : vector<16xi32>
    %swap3A_32 = arith.constant 48 : index
    %swap3A_33 = tpu.vector_load %arg6[%swap3A_32] {strides = array<i32>} : memref<128xi32, #tpu.memory_space<vmem>>, vector<16xi32>,
    %swap3A_34 = vector.shape_cast %swap3A_33 : vector<16xi32> to vector<16xi32>
    %swap3A_35 = vector.shape_cast %add3A_31 : vector<16xi32> to vector<16xi32>
    tpu.vector_store %arg6[%swap3A_32], %swap3A_35 {strides = array<i32>} : memref<128xi32, #tpu.memory_space<vmem>>, vector<16xi32>,
    %add3A_36 = arith.constant 64 : i32
    %add3A_37 = arith.addi %add3A_4, %add3A_36 : i32
    %add3A_38 = vector.broadcast %add3A_37 : i32 to vector<16xi32>
    %add3A_39 = arith.addi %iota3A, %add3A_38 : vector<16xi32>
    %swap3A_40 = arith.constant 64 : index
    %swap3A_41 = tpu.vector_load %arg6[%swap3A_40] {strides = array<i32>} : memref<128xi32, #tpu.memory_space<vmem>>, vector<16xi32>,
    %swap3A_42 = vector.shape_cast %swap3A_41 : vector<16xi32> to vector<16xi32>
    %swap3A_43 = vector.shape_cast %add3A_39 : vector<16xi32> to vector<16xi32>
    tpu.vector_store %arg6[%swap3A_40], %swap3A_43 {strides = array<i32>} : memref<128xi32, #tpu.memory_space<vmem>>, vector<16xi32>,
    %add3A_44 = arith.constant 80 : i32
    %add3A_45 = arith.addi %add3A_4, %add3A_44 : i32
    %add3A_46 = vector.broadcast %add3A_45 : i32 to vector<16xi32>
    %add3A_47 = arith.addi %iota3A, %add3A_46 : vector<16xi32>
    %swap3A_48 = arith.constant 80 : index
    %swap3A_49 = tpu.vector_load %arg6[%swap3A_48] {strides = array<i32>} : memref<128xi32, #tpu.memory_space<vmem>>, vector<16xi32>,
    %swap3A_50 = vector.shape_cast %swap3A_49 : vector<16xi32> to vector<16xi32>
    %swap3A_51 = vector.shape_cast %add3A_47 : vector<16xi32> to vector<16xi32>
    tpu.vector_store %arg6[%swap3A_48], %swap3A_51 {strides = array<i32>} : memref<128xi32, #tpu.memory_space<vmem>>, vector<16xi32>,
    %add3A_52 = arith.constant 96 : i32
    %add3A_53 = arith.addi %add3A_4, %add3A_52 : i32
    %add3A_54 = vector.broadcast %add3A_53 : i32 to vector<16xi32>
    %add3A_55 = arith.addi %iota3A, %add3A_54 : vector<16xi32>
    %swap3A_56 = arith.constant 96 : index
    %swap3A_57 = tpu.vector_load %arg6[%swap3A_56] {strides = array<i32>} : memref<128xi32, #tpu.memory_space<vmem>>, vector<16xi32>,
    %swap3A_58 = vector.shape_cast %swap3A_57 : vector<16xi32> to vector<16xi32>
    %swap3A_59 = vector.shape_cast %add3A_55 : vector<16xi32> to vector<16xi32>
    tpu.vector_store %arg6[%swap3A_56], %swap3A_59 {strides = array<i32>} : memref<128xi32, #tpu.memory_space<vmem>>, vector<16xi32>,
    %add3A_60 = arith.constant 112 : i32
    %add3A_61 = arith.addi %add3A_4, %add3A_60 : i32
    %add3A_62 = vector.broadcast %add3A_61 : i32 to vector<16xi32>
    %add3A_63 = arith.addi %iota3A, %add3A_62 : vector<16xi32>
    %swap3A_64 = arith.constant 112 : index
    %swap3A_65 = tpu.vector_load %arg6[%swap3A_64] {strides = array<i32>} : memref<128xi32, #tpu.memory_space<vmem>>, vector<16xi32>,
    %swap3A_66 = vector.shape_cast %swap3A_65 : vector<16xi32> to vector<16xi32>
    %swap3A_67 = vector.shape_cast %add3A_63 : vector<16xi32> to vector<16xi32>
    tpu.vector_store %arg6[%swap3A_64], %swap3A_67 {strides = array<i32>} : memref<128xi32, #tpu.memory_space<vmem>>, vector<16xi32>,
    "tpu.region"() ({
      %run_scoped3A = tpu.sem_alloc : memref<!tpu.dma_semaphore, #tpu.memory_space<semaphore_mem>>
      %dma_start3A_730 = arith.constant 0 : i32
      %dma_start3A_731 = tpu.memref_slice %arg2[%add3A_4, %dma_start3A_730] : memref<10240x128xf32, #tpu.memory_space<hbm>> -> memref<128x128xf32, #tpu.memory_space<hbm>>
      %dma_start3A_732 = arith.constant 0 : i32
      %dma_start3A_733 = tpu.memref_slice %arg2[%add3A_4, %dma_start3A_732] : memref<10240x128xf32, #tpu.memory_space<hbm>> -> memref<128x128xf32, #tpu.memory_space<hbm>>
      tpu.enqueue_dma source(%dma_start3A_733 : memref<128x128xf32, #tpu.memory_space<hbm>>) target(%arg9 : memref<128x128xf32, #tpu.memory_space<vmem>>) target_semaphore(%run_scoped3A : memref<!tpu.dma_semaphore, #tpu.memory_space<semaphore_mem>>)
      %dma_wait3A_734 = arith.constant 0 : i32
      %dma_wait3A_735 = tpu.memref_slice %arg2[%add3A_4, %dma_wait3A_734] : memref<10240x128xf32, #tpu.memory_space<hbm>> -> memref<128x128xf32, #tpu.memory_space<hbm>>
      %dma_wait3A_736 = arith.constant 0 : i32
      %dma_wait3A_737 = tpu.memref_slice %arg2[%add3A_4, %dma_wait3A_736] : memref<10240x128xf32, #tpu.memory_space<hbm>> -> memref<128x128xf32, #tpu.memory_space<hbm>>
      tpu.wait_dma2 semaphore(%run_scoped3A : memref<!tpu.dma_semaphore, #tpu.memory_space<semaphore_mem>>) src(%dma_wait3A_737 : memref<128x128xf32, #tpu.memory_space<hbm>>) dst(%arg9 : memref<128x128xf32, #tpu.memory_space<vmem>>)
      tpu.yield
    }) : () -> ()
    "tpu.region"() ({
      %run_scoped3A = tpu.sem_alloc : memref<!tpu.dma_semaphore, #tpu.memory_space<semaphore_mem>>
      %dma_start3A_730 = arith.constant 0 : i32
      %dma_start3A_731 = arith.constant 0 : i32
      %dma_start3A_732 = tpu.memref_slice %arg10[%dma_start3A_730, %dma_start3A_731] : memref<10240x128xf32, #tpu.memory_space<vmem_shared>> -> memref<10240x128xf32, #tpu.memory_space<vmem_shared>>
      tpu.enqueue_indirect_dma source(%arg9 : memref<128x128xf32, #tpu.memory_space<vmem>>) target(%dma_start3A_732 : memref<10240x128xf32, #tpu.memory_space<vmem_shared>>) offsets(%arg6 : memref<128xi32, #tpu.memory_space<vmem>>) semaphore(%run_scoped3A : memref<!tpu.dma_semaphore, #tpu.memory_space<semaphore_mem>>)
      %dma_wait3A_733 = arith.constant 0 : i32
      %dma_wait3A_734 = arith.constant 0 : i32
      %dma_wait3A_735 = tpu.memref_slice %arg10[%dma_wait3A_733, %dma_wait3A_734] : memref<10240x128xf32, #tpu.memory_space<vmem_shared>> -> memref<10240x128xf32, #tpu.memory_space<vmem_shared>>
      tpu.wait_indirect_dma semaphore(%run_scoped3A : memref<!tpu.dma_semaphore, #tpu.memory_space<semaphore_mem>>) src(%arg9 : memref<128x128xf32, #tpu.memory_space<vmem>>) dst(%dma_wait3A_735 : memref<10240x128xf32, #tpu.memory_space<vmem_shared>>)
      tpu.yield
    }) : () -> ()
    %mul3A_68 = arith.constant 640 : i32
    %mul3A_69 = arith.muli %arg1, %mul3A_68 : i32
    %add3A_70 = arith.constant 128 : i32
    %add3A_71 = arith.addi %mul3A_69, %add3A_70 : i32
    %add3A_72 = arith.constant 0 : i32
    %add3A_73 = arith.addi %add3A_71, %add3A_72 : i32
    %add3A_74 = vector.broadcast %add3A_73 : i32 to vector<16xi32>
    %add3A_75 = arith.addi %iota3A, %add3A_74 : vector<16xi32>
    %swap3A_76 = arith.constant 0 : index
    %swap3A_77 = tpu.vector_load %arg6[%swap3A_76] {strides = array<i32>} : memref<128xi32, #tpu.memory_space<vmem>>, vector<16xi32>,
    %swap3A_78 = vector.shape_cast %swap3A_77 : vector<16xi32> to vector<16xi32>
    %swap3A_79 = vector.shape_cast %add3A_75 : vector<16xi32> to vector<16xi32>
    tpu.vector_store %arg6[%swap3A_76], %swap3A_79 {strides = array<i32>} : memref<128xi32, #tpu.memory_space<vmem>>, vector<16xi32>,
    %add3A_80 = arith.constant 16 : i32
    %add3A_81 = arith.addi %add3A_71, %add3A_80 : i32
    %add3A_82 = vector.broadcast %add3A_81 : i32 to vector<16xi32>
    %add3A_83 = arith.addi %iota3A, %add3A_82 : vector<16xi32>
    %swap3A_84 = arith.constant 16 : index
    %swap3A_85 = tpu.vector_load %arg6[%swap3A_84] {strides = array<i32>} : memref<128xi32, #tpu.memory_space<vmem>>, vector<16xi32>,
    %swap3A_86 = vector.shape_cast %swap3A_85 : vector<16xi32> to vector<16xi32>
    %swap3A_87 = vector.shape_cast %add3A_83 : vector<16xi32> to vector<16xi32>
    tpu.vector_store %arg6[%swap3A_84], %swap3A_87 {strides = array<i32>} : memref<128xi32, #tpu.memory_space<vmem>>, vector<16xi32>,
    %add3A_88 = arith.constant 32 : i32
    %add3A_89 = arith.addi %add3A_71, %add3A_88 : i32
    %add3A_90 = vector.broadcast %add3A_89 : i32 to vector<16xi32>
    %add3A_91 = arith.addi %iota3A, %add3A_90 : vector<16xi32>
    %swap3A_92 = arith.constant 32 : index
    %swap3A_93 = tpu.vector_load %arg6[%swap3A_92] {strides = array<i32>} : memref<128xi32, #tpu.memory_space<vmem>>, vector<16xi32>,
    %swap3A_94 = vector.shape_cast %swap3A_93 : vector<16xi32> to vector<16xi32>
    %swap3A_95 = vector.shape_cast %add3A_91 : vector<16xi32> to vector<16xi32>
    tpu.vector_store %arg6[%swap3A_92], %swap3A_95 {strides = array<i32>} : memref<128xi32, #tpu.memory_space<vmem>>, vector<16xi32>,
    %add3A_96 = arith.constant 48 : i32
    %add3A_97 = arith.addi %add3A_71, %add3A_96 : i32
    %add3A_98 = vector.broadcast %add3A_97 : i32 to vector<16xi32>
    %add3A_99 = arith.addi %iota3A, %add3A_98 : vector<16xi32>
    %swap3A_100 = arith.constant 48 : index
    %swap3A_101 = tpu.vector_load %arg6[%swap3A_100] {strides = array<i32>} : memref<128xi32, #tpu.memory_space<vmem>>, vector<16xi32>,
    %swap3A_102 = vector.shape_cast %swap3A_101 : vector<16xi32> to vector<16xi32>
    %swap3A_103 = vector.shape_cast %add3A_99 : vector<16xi32> to vector<16xi32>
    tpu.vector_store %arg6[%swap3A_100], %swap3A_103 {strides = array<i32>} : memref<128xi32, #tpu.memory_space<vmem>>, vector<16xi32>,
    %add3A_104 = arith.constant 64 : i32
    %add3A_105 = arith.addi %add3A_71, %add3A_104 : i32
    %add3A_106 = vector.broadcast %add3A_105 : i32 to vector<16xi32>
    %add3A_107 = arith.addi %iota3A, %add3A_106 : vector<16xi32>
    %swap3A_108 = arith.constant 64 : index
    %swap3A_109 = tpu.vector_load %arg6[%swap3A_108] {strides = array<i32>} : memref<128xi32, #tpu.memory_space<vmem>>, vector<16xi32>,
    %swap3A_110 = vector.shape_cast %swap3A_109 : vector<16xi32> to vector<16xi32>
    %swap3A_111 = vector.shape_cast %add3A_107 : vector<16xi32> to vector<16xi32>
    tpu.vector_store %arg6[%swap3A_108], %swap3A_111 {strides = array<i32>} : memref<128xi32, #tpu.memory_space<vmem>>, vector<16xi32>,
    %add3A_112 = arith.constant 80 : i32
    %add3A_113 = arith.addi %add3A_71, %add3A_112 : i32
    %add3A_114 = vector.broadcast %add3A_113 : i32 to vector<16xi32>
    %add3A_115 = arith.addi %iota3A, %add3A_114 : vector<16xi32>
    %swap3A_116 = arith.constant 80 : index
    %swap3A_117 = tpu.vector_load %arg6[%swap3A_116] {strides = array<i32>} : memref<128xi32, #tpu.memory_space<vmem>>, vector<16xi32>,
    %swap3A_118 = vector.shape_cast %swap3A_117 : vector<16xi32> to vector<16xi32>
    %swap3A_119 = vector.shape_cast %add3A_115 : vector<16xi32> to vector<16xi32>
    tpu.vector_store %arg6[%swap3A_116], %swap3A_119 {strides = array<i32>} : memref<128xi32, #tpu.memory_space<vmem>>, vector<16xi32>,
    %add3A_120 = arith.constant 96 : i32
    %add3A_121 = arith.addi %add3A_71, %add3A_120 : i32
    %add3A_122 = vector.broadcast %add3A_121 : i32 to vector<16xi32>
    %add3A_123 = arith.addi %iota3A, %add3A_122 : vector<16xi32>
    %swap3A_124 = arith.constant 96 : index
    %swap3A_125 = tpu.vector_load %arg6[%swap3A_124] {strides = array<i32>} : memref<128xi32, #tpu.memory_space<vmem>>, vector<16xi32>,
    %swap3A_126 = vector.shape_cast %swap3A_125 : vector<16xi32> to vector<16xi32>
    %swap3A_127 = vector.shape_cast %add3A_123 : vector<16xi32> to vector<16xi32>
    tpu.vector_store %arg6[%swap3A_124], %swap3A_127 {strides = array<i32>} : memref<128xi32, #tpu.memory_space<vmem>>, vector<16xi32>,
    %add3A_128 = arith.constant 112 : i32
    %add3A_129 = arith.addi %add3A_71, %add3A_128 : i32
    %add3A_130 = vector.broadcast %add3A_129 : i32 to vector<16xi32>
    %add3A_131 = arith.addi %iota3A, %add3A_130 : vector<16xi32>
    %swap3A_132 = arith.constant 112 : index
    %swap3A_133 = tpu.vector_load %arg6[%swap3A_132] {strides = array<i32>} : memref<128xi32, #tpu.memory_space<vmem>>, vector<16xi32>,
    %swap3A_134 = vector.shape_cast %swap3A_133 : vector<16xi32> to vector<16xi32>
    %swap3A_135 = vector.shape_cast %add3A_131 : vector<16xi32> to vector<16xi32>
    tpu.vector_store %arg6[%swap3A_132], %swap3A_135 {strides = array<i32>} : memref<128xi32, #tpu.memory_space<vmem>>, vector<16xi32>,
    "tpu.region"() ({
      %run_scoped3A = tpu.sem_alloc : memref<!tpu.dma_semaphore, #tpu.memory_space<semaphore_mem>>
      %dma_start3A_730 = arith.constant 0 : i32
      %dma_start3A_731 = tpu.memref_slice %arg2[%add3A_71, %dma_start3A_730] : memref<10240x128xf32, #tpu.memory_space<hbm>> -> memref<128x128xf32, #tpu.memory_space<hbm>>
      %dma_start3A_732 = arith.constant 0 : i32
      %dma_start3A_733 = tpu.memref_slice %arg2[%add3A_71, %dma_start3A_732] : memref<10240x128xf32, #tpu.memory_space<hbm>> -> memref<128x128xf32, #tpu.memory_space<hbm>>
      tpu.enqueue_dma source(%dma_start3A_733 : memref<128x128xf32, #tpu.memory_space<hbm>>) target(%arg9 : memref<128x128xf32, #tpu.memory_space<vmem>>) target_semaphore(%run_scoped3A : memref<!tpu.dma_semaphore, #tpu.memory_space<semaphore_mem>>)
      %dma_wait3A_734 = arith.constant 0 : i32
      %dma_wait3A_735 = tpu.memref_slice %arg2[%add3A_71, %dma_wait3A_734] : memref<10240x128xf32, #tpu.memory_space<hbm>> -> memref<128x128xf32, #tpu.memory_space<hbm>>
      %dma_wait3A_736 = arith.constant 0 : i32
      %dma_wait3A_737 = tpu.memref_slice %arg2[%add3A_71, %dma_wait3A_736] : memref<10240x128xf32, #tpu.memory_space<hbm>> -> memref<128x128xf32, #tpu.memory_space<hbm>>
      tpu.wait_dma2 semaphore(%run_scoped3A : memref<!tpu.dma_semaphore, #tpu.memory_space<semaphore_mem>>) src(%dma_wait3A_737 : memref<128x128xf32, #tpu.memory_space<hbm>>) dst(%arg9 : memref<128x128xf32, #tpu.memory_space<vmem>>)
      tpu.yield
    }) : () -> ()
    "tpu.region"() ({
      %run_scoped3A = tpu.sem_alloc : memref<!tpu.dma_semaphore, #tpu.memory_space<semaphore_mem>>
      %dma_start3A_730 = arith.constant 0 : i32
      %dma_start3A_731 = arith.constant 0 : i32
      %dma_start3A_732 = tpu.memref_slice %arg10[%dma_start3A_730, %dma_start3A_731] : memref<10240x128xf32, #tpu.memory_space<vmem_shared>> -> memref<10240x128xf32, #tpu.memory_space<vmem_shared>>
      tpu.enqueue_indirect_dma source(%arg9 : memref<128x128xf32, #tpu.memory_space<vmem>>) target(%dma_start3A_732 : memref<10240x128xf32, #tpu.memory_space<vmem_shared>>) offsets(%arg6 : memref<128xi32, #tpu.memory_space<vmem>>) semaphore(%run_scoped3A : memref<!tpu.dma_semaphore, #tpu.memory_space<semaphore_mem>>)
      %dma_wait3A_733 = arith.constant 0 : i32
      %dma_wait3A_734 = arith.constant 0 : i32
      %dma_wait3A_735 = tpu.memref_slice %arg10[%dma_wait3A_733, %dma_wait3A_734] : memref<10240x128xf32, #tpu.memory_space<vmem_shared>> -> memref<10240x128xf32, #tpu.memory_space<vmem_shared>>
      tpu.wait_indirect_dma semaphore(%run_scoped3A : memref<!tpu.dma_semaphore, #tpu.memory_space<semaphore_mem>>) src(%arg9 : memref<128x128xf32, #tpu.memory_space<vmem>>) dst(%dma_wait3A_735 : memref<10240x128xf32, #tpu.memory_space<vmem_shared>>)
      tpu.yield
    }) : () -> ()
    %mul3A_136 = arith.constant 640 : i32
    %mul3A_137 = arith.muli %arg1, %mul3A_136 : i32
    %add3A_138 = arith.constant 256 : i32
    %add3A_139 = arith.addi %mul3A_137, %add3A_138 : i32
    %add3A_140 = arith.constant 0 : i32
    %add3A_141 = arith.addi %add3A_139, %add3A_140 : i32
    %add3A_142 = vector.broadcast %add3A_141 : i32 to vector<16xi32>
    %add3A_143 = arith.addi %iota3A, %add3A_142 : vector<16xi32>
    %swap3A_144 = arith.constant 0 : index
    %swap3A_145 = tpu.vector_load %arg6[%swap3A_144] {strides = array<i32>} : memref<128xi32, #tpu.memory_space<vmem>>, vector<16xi32>,
    %swap3A_146 = vector.shape_cast %swap3A_145 : vector<16xi32> to vector<16xi32>
    %swap3A_147 = vector.shape_cast %add3A_143 : vector<16xi32> to vector<16xi32>
    tpu.vector_store %arg6[%swap3A_144], %swap3A_147 {strides = array<i32>} : memref<128xi32, #tpu.memory_space<vmem>>, vector<16xi32>,
    %add3A_148 = arith.constant 16 : i32
    %add3A_149 = arith.addi %add3A_139, %add3A_148 : i32
    %add3A_150 = vector.broadcast %add3A_149 : i32 to vector<16xi32>
    %add3A_151 = arith.addi %iota3A, %add3A_150 : vector<16xi32>
    %swap3A_152 = arith.constant 16 : index
    %swap3A_153 = tpu.vector_load %arg6[%swap3A_152] {strides = array<i32>} : memref<128xi32, #tpu.memory_space<vmem>>, vector<16xi32>,
    %swap3A_154 = vector.shape_cast %swap3A_153 : vector<16xi32> to vector<16xi32>
    %swap3A_155 = vector.shape_cast %add3A_151 : vector<16xi32> to vector<16xi32>
    tpu.vector_store %arg6[%swap3A_152], %swap3A_155 {strides = array<i32>} : memref<128xi32, #tpu.memory_space<vmem>>, vector<16xi32>,
    %add3A_156 = arith.constant 32 : i32
    %add3A_157 = arith.addi %add3A_139, %add3A_156 : i32
    %add3A_158 = vector.broadcast %add3A_157 : i32 to vector<16xi32>
    %add3A_159 = arith.addi %iota3A, %add3A_158 : vector<16xi32>
    %swap3A_160 = arith.constant 32 : index
    %swap3A_161 = tpu.vector_load %arg6[%swap3A_160] {strides = array<i32>} : memref<128xi32, #tpu.memory_space<vmem>>, vector<16xi32>,
    %swap3A_162 = vector.shape_cast %swap3A_161 : vector<16xi32> to vector<16xi32>
    %swap3A_163 = vector.shape_cast %add3A_159 : vector<16xi32> to vector<16xi32>
    tpu.vector_store %arg6[%swap3A_160], %swap3A_163 {strides = array<i32>} : memref<128xi32, #tpu.memory_space<vmem>>, vector<16xi32>,
    %add3A_164 = arith.constant 48 : i32
    %add3A_165 = arith.addi %add3A_139, %add3A_164 : i32
    %add3A_166 = vector.broadcast %add3A_165 : i32 to vector<16xi32>
    %add3A_167 = arith.addi %iota3A, %add3A_166 : vector<16xi32>
    %swap3A_168 = arith.constant 48 : index
    %swap3A_169 = tpu.vector_load %arg6[%swap3A_168] {strides = array<i32>} : memref<128xi32, #tpu.memory_space<vmem>>, vector<16xi32>,
    %swap3A_170 = vector.shape_cast %swap3A_169 : vector<16xi32> to vector<16xi32>
    %swap3A_171 = vector.shape_cast %add3A_167 : vector<16xi32> to vector<16xi32>
    tpu.vector_store %arg6[%swap3A_168], %swap3A_171 {strides = array<i32>} : memref<128xi32, #tpu.memory_space<vmem>>, vector<16xi32>,
    %add3A_172 = arith.constant 64 : i32
    %add3A_173 = arith.addi %add3A_139, %add3A_172 : i32
    %add3A_174 = vector.broadcast %add3A_173 : i32 to vector<16xi32>
    %add3A_175 = arith.addi %iota3A, %add3A_174 : vector<16xi32>
    %swap3A_176 = arith.constant 64 : index
    %swap3A_177 = tpu.vector_load %arg6[%swap3A_176] {strides = array<i32>} : memref<128xi32, #tpu.memory_space<vmem>>, vector<16xi32>,
    %swap3A_178 = vector.shape_cast %swap3A_177 : vector<16xi32> to vector<16xi32>
    %swap3A_179 = vector.shape_cast %add3A_175 : vector<16xi32> to vector<16xi32>
    tpu.vector_store %arg6[%swap3A_176], %swap3A_179 {strides = array<i32>} : memref<128xi32, #tpu.memory_space<vmem>>, vector<16xi32>,
    %add3A_180 = arith.constant 80 : i32
    %add3A_181 = arith.addi %add3A_139, %add3A_180 : i32
    %add3A_182 = vector.broadcast %add3A_181 : i32 to vector<16xi32>
    %add3A_183 = arith.addi %iota3A, %add3A_182 : vector<16xi32>
    %swap3A_184 = arith.constant 80 : index
    %swap3A_185 = tpu.vector_load %arg6[%swap3A_184] {strides = array<i32>} : memref<128xi32, #tpu.memory_space<vmem>>, vector<16xi32>,
    %swap3A_186 = vector.shape_cast %swap3A_185 : vector<16xi32> to vector<16xi32>
    %swap3A_187 = vector.shape_cast %add3A_183 : vector<16xi32> to vector<16xi32>
    tpu.vector_store %arg6[%swap3A_184], %swap3A_187 {strides = array<i32>} : memref<128xi32, #tpu.memory_space<vmem>>, vector<16xi32>,
    %add3A_188 = arith.constant 96 : i32
    %add3A_189 = arith.addi %add3A_139, %add3A_188 : i32
    %add3A_190 = vector.broadcast %add3A_189 : i32 to vector<16xi32>
    %add3A_191 = arith.addi %iota3A, %add3A_190 : vector<16xi32>
    %swap3A_192 = arith.constant 96 : index
    %swap3A_193 = tpu.vector_load %arg6[%swap3A_192] {strides = array<i32>} : memref<128xi32, #tpu.memory_space<vmem>>, vector<16xi32>,
    %swap3A_194 = vector.shape_cast %swap3A_193 : vector<16xi32> to vector<16xi32>
    %swap3A_195 = vector.shape_cast %add3A_191 : vector<16xi32> to vector<16xi32>
    tpu.vector_store %arg6[%swap3A_192], %swap3A_195 {strides = array<i32>} : memref<128xi32, #tpu.memory_space<vmem>>, vector<16xi32>,
    %add3A_196 = arith.constant 112 : i32
    %add3A_197 = arith.addi %add3A_139, %add3A_196 : i32
    %add3A_198 = vector.broadcast %add3A_197 : i32 to vector<16xi32>
    %add3A_199 = arith.addi %iota3A, %add3A_198 : vector<16xi32>
    %swap3A_200 = arith.constant 112 : index
    %swap3A_201 = tpu.vector_load %arg6[%swap3A_200] {strides = array<i32>} : memref<128xi32, #tpu.memory_space<vmem>>, vector<16xi32>,
    %swap3A_202 = vector.shape_cast %swap3A_201 : vector<16xi32> to vector<16xi32>
    %swap3A_203 = vector.shape_cast %add3A_199 : vector<16xi32> to vector<16xi32>
    tpu.vector_store %arg6[%swap3A_200], %swap3A_203 {strides = array<i32>} : memref<128xi32, #tpu.memory_space<vmem>>, vector<16xi32>,
    "tpu.region"() ({
      %run_scoped3A = tpu.sem_alloc : memref<!tpu.dma_semaphore, #tpu.memory_space<semaphore_mem>>
      %dma_start3A_730 = arith.constant 0 : i32
      %dma_start3A_731 = tpu.memref_slice %arg2[%add3A_139, %dma_start3A_730] : memref<10240x128xf32, #tpu.memory_space<hbm>> -> memref<128x128xf32, #tpu.memory_space<hbm>>
      %dma_start3A_732 = arith.constant 0 : i32
      %dma_start3A_733 = tpu.memref_slice %arg2[%add3A_139, %dma_start3A_732] : memref<10240x128xf32, #tpu.memory_space<hbm>> -> memref<128x128xf32, #tpu.memory_space<hbm>>
      tpu.enqueue_dma source(%dma_start3A_733 : memref<128x128xf32, #tpu.memory_space<hbm>>) target(%arg9 : memref<128x128xf32, #tpu.memory_space<vmem>>) target_semaphore(%run_scoped3A : memref<!tpu.dma_semaphore, #tpu.memory_space<semaphore_mem>>)
      %dma_wait3A_734 = arith.constant 0 : i32
      %dma_wait3A_735 = tpu.memref_slice %arg2[%add3A_139, %dma_wait3A_734] : memref<10240x128xf32, #tpu.memory_space<hbm>> -> memref<128x128xf32, #tpu.memory_space<hbm>>
      %dma_wait3A_736 = arith.constant 0 : i32
      %dma_wait3A_737 = tpu.memref_slice %arg2[%add3A_139, %dma_wait3A_736] : memref<10240x128xf32, #tpu.memory_space<hbm>> -> memref<128x128xf32, #tpu.memory_space<hbm>>
      tpu.wait_dma2 semaphore(%run_scoped3A : memref<!tpu.dma_semaphore, #tpu.memory_space<semaphore_mem>>) src(%dma_wait3A_737 : memref<128x128xf32, #tpu.memory_space<hbm>>) dst(%arg9 : memref<128x128xf32, #tpu.memory_space<vmem>>)
      tpu.yield
    }) : () -> ()
    "tpu.region"() ({
      %run_scoped3A = tpu.sem_alloc : memref<!tpu.dma_semaphore, #tpu.memory_space<semaphore_mem>>
      %dma_start3A_730 = arith.constant 0 : i32
      %dma_start3A_731 = arith.constant 0 : i32
      %dma_start3A_732 = tpu.memref_slice %arg10[%dma_start3A_730, %dma_start3A_731] : memref<10240x128xf32, #tpu.memory_space<vmem_shared>> -> memref<10240x128xf32, #tpu.memory_space<vmem_shared>>
      tpu.enqueue_indirect_dma source(%arg9 : memref<128x128xf32, #tpu.memory_space<vmem>>) target(%dma_start3A_732 : memref<10240x128xf32, #tpu.memory_space<vmem_shared>>) offsets(%arg6 : memref<128xi32, #tpu.memory_space<vmem>>) semaphore(%run_scoped3A : memref<!tpu.dma_semaphore, #tpu.memory_space<semaphore_mem>>)
      %dma_wait3A_733 = arith.constant 0 : i32
      %dma_wait3A_734 = arith.constant 0 : i32
      %dma_wait3A_735 = tpu.memref_slice %arg10[%dma_wait3A_733, %dma_wait3A_734] : memref<10240x128xf32, #tpu.memory_space<vmem_shared>> -> memref<10240x128xf32, #tpu.memory_space<vmem_shared>>
      tpu.wait_indirect_dma semaphore(%run_scoped3A : memref<!tpu.dma_semaphore, #tpu.memory_space<semaphore_mem>>) src(%arg9 : memref<128x128xf32, #tpu.memory_space<vmem>>) dst(%dma_wait3A_735 : memref<10240x128xf32, #tpu.memory_space<vmem_shared>>)
      tpu.yield
    }) : () -> ()
    %mul3A_204 = arith.constant 640 : i32
    %mul3A_205 = arith.muli %arg1, %mul3A_204 : i32
    %add3A_206 = arith.constant 384 : i32
    %add3A_207 = arith.addi %mul3A_205, %add3A_206 : i32
    %add3A_208 = arith.constant 0 : i32
    %add3A_209 = arith.addi %add3A_207, %add3A_208 : i32
    %add3A_210 = vector.broadcast %add3A_209 : i32 to vector<16xi32>
    %add3A_211 = arith.addi %iota3A, %add3A_210 : vector<16xi32>
    %swap3A_212 = arith.constant 0 : index
    %swap3A_213 = tpu.vector_load %arg6[%swap3A_212] {strides = array<i32>} : memref<128xi32, #tpu.memory_space<vmem>>, vector<16xi32>,
    %swap3A_214 = vector.shape_cast %swap3A_213 : vector<16xi32> to vector<16xi32>
    %swap3A_215 = vector.shape_cast %add3A_211 : vector<16xi32> to vector<16xi32>
    tpu.vector_store %arg6[%swap3A_212], %swap3A_215 {strides = array<i32>} : memref<128xi32, #tpu.memory_space<vmem>>, vector<16xi32>,
    %add3A_216 = arith.constant 16 : i32
    %add3A_217 = arith.addi %add3A_207, %add3A_216 : i32
    %add3A_218 = vector.broadcast %add3A_217 : i32 to vector<16xi32>
    %add3A_219 = arith.addi %iota3A, %add3A_218 : vector<16xi32>
    %swap3A_220 = arith.constant 16 : index
    %swap3A_221 = tpu.vector_load %arg6[%swap3A_220] {strides = array<i32>} : memref<128xi32, #tpu.memory_space<vmem>>, vector<16xi32>,
    %swap3A_222 = vector.shape_cast %swap3A_221 : vector<16xi32> to vector<16xi32>
    %swap3A_223 = vector.shape_cast %add3A_219 : vector<16xi32> to vector<16xi32>
    tpu.vector_store %arg6[%swap3A_220], %swap3A_223 {strides = array<i32>} : memref<128xi32, #tpu.memory_space<vmem>>, vector<16xi32>,
    %add3A_224 = arith.constant 32 : i32
    %add3A_225 = arith.addi %add3A_207, %add3A_224 : i32
    %add3A_226 = vector.broadcast %add3A_225 : i32 to vector<16xi32>
    %add3A_227 = arith.addi %iota3A, %add3A_226 : vector<16xi32>
    %swap3A_228 = arith.constant 32 : index
    %swap3A_229 = tpu.vector_load %arg6[%swap3A_228] {strides = array<i32>} : memref<128xi32, #tpu.memory_space<vmem>>, vector<16xi32>,
    %swap3A_230 = vector.shape_cast %swap3A_229 : vector<16xi32> to vector<16xi32>
    %swap3A_231 = vector.shape_cast %add3A_227 : vector<16xi32> to vector<16xi32>
    tpu.vector_store %arg6[%swap3A_228], %swap3A_231 {strides = array<i32>} : memref<128xi32, #tpu.memory_space<vmem>>, vector<16xi32>,
    %add3A_232 = arith.constant 48 : i32
    %add3A_233 = arith.addi %add3A_207, %add3A_232 : i32
    %add3A_234 = vector.broadcast %add3A_233 : i32 to vector<16xi32>
    %add3A_235 = arith.addi %iota3A, %add3A_234 : vector<16xi32>
    %swap3A_236 = arith.constant 48 : index
    %swap3A_237 = tpu.vector_load %arg6[%swap3A_236] {strides = array<i32>} : memref<128xi32, #tpu.memory_space<vmem>>, vector<16xi32>,
    %swap3A_238 = vector.shape_cast %swap3A_237 : vector<16xi32> to vector<16xi32>
    %swap3A_239 = vector.shape_cast %add3A_235 : vector<16xi32> to vector<16xi32>
    tpu.vector_store %arg6[%swap3A_236], %swap3A_239 {strides = array<i32>} : memref<128xi32, #tpu.memory_space<vmem>>, vector<16xi32>,
    %add3A_240 = arith.constant 64 : i32
    %add3A_241 = arith.addi %add3A_207, %add3A_240 : i32
    %add3A_242 = vector.broadcast %add3A_241 : i32 to vector<16xi32>
    %add3A_243 = arith.addi %iota3A, %add3A_242 : vector<16xi32>
    %swap3A_244 = arith.constant 64 : index
    %swap3A_245 = tpu.vector_load %arg6[%swap3A_244] {strides = array<i32>} : memref<128xi32, #tpu.memory_space<vmem>>, vector<16xi32>,
    %swap3A_246 = vector.shape_cast %swap3A_245 : vector<16xi32> to vector<16xi32>
    %swap3A_247 = vector.shape_cast %add3A_243 : vector<16xi32> to vector<16xi32>
    tpu.vector_store %arg6[%swap3A_244], %swap3A_247 {strides = array<i32>} : memref<128xi32, #tpu.memory_space<vmem>>, vector<16xi32>,
    %add3A_248 = arith.constant 80 : i32
    %add3A_249 = arith.addi %add3A_207, %add3A_248 : i32
    %add3A_250 = vector.broadcast %add3A_249 : i32 to vector<16xi32>
    %add3A_251 = arith.addi %iota3A, %add3A_250 : vector<16xi32>
    %swap3A_252 = arith.constant 80 : index
    %swap3A_253 = tpu.vector_load %arg6[%swap3A_252] {strides = array<i32>} : memref<128xi32, #tpu.memory_space<vmem>>, vector<16xi32>,
    %swap3A_254 = vector.shape_cast %swap3A_253 : vector<16xi32> to vector<16xi32>
    %swap3A_255 = vector.shape_cast %add3A_251 : vector<16xi32> to vector<16xi32>
    tpu.vector_store %arg6[%swap3A_252], %swap3A_255 {strides = array<i32>} : memref<128xi32, #tpu.memory_space<vmem>>, vector<16xi32>,
    %add3A_256 = arith.constant 96 : i32
    %add3A_257 = arith.addi %add3A_207, %add3A_256 : i32
    %add3A_258 = vector.broadcast %add3A_257 : i32 to vector<16xi32>
    %add3A_259 = arith.addi %iota3A, %add3A_258 : vector<16xi32>
    %swap3A_260 = arith.constant 96 : index
    %swap3A_261 = tpu.vector_load %arg6[%swap3A_260] {strides = array<i32>} : memref<128xi32, #tpu.memory_space<vmem>>, vector<16xi32>,
    %swap3A_262 = vector.shape_cast %swap3A_261 : vector<16xi32> to vector<16xi32>
    %swap3A_263 = vector.shape_cast %add3A_259 : vector<16xi32> to vector<16xi32>
    tpu.vector_store %arg6[%swap3A_260], %swap3A_263 {strides = array<i32>} : memref<128xi32, #tpu.memory_space<vmem>>, vector<16xi32>,
    %add3A_264 = arith.constant 112 : i32
    %add3A_265 = arith.addi %add3A_207, %add3A_264 : i32
    %add3A_266 = vector.broadcast %add3A_265 : i32 to vector<16xi32>
    %add3A_267 = arith.addi %iota3A, %add3A_266 : vector<16xi32>
    %swap3A_268 = arith.constant 112 : index
    %swap3A_269 = tpu.vector_load %arg6[%swap3A_268] {strides = array<i32>} : memref<128xi32, #tpu.memory_space<vmem>>, vector<16xi32>,
    %swap3A_270 = vector.shape_cast %swap3A_269 : vector<16xi32> to vector<16xi32>
    %swap3A_271 = vector.shape_cast %add3A_267 : vector<16xi32> to vector<16xi32>
    tpu.vector_store %arg6[%swap3A_268], %swap3A_271 {strides = array<i32>} : memref<128xi32, #tpu.memory_space<vmem>>, vector<16xi32>,
    "tpu.region"() ({
      %run_scoped3A = tpu.sem_alloc : memref<!tpu.dma_semaphore, #tpu.memory_space<semaphore_mem>>
      %dma_start3A_730 = arith.constant 0 : i32
      %dma_start3A_731 = tpu.memref_slice %arg2[%add3A_207, %dma_start3A_730] : memref<10240x128xf32, #tpu.memory_space<hbm>> -> memref<128x128xf32, #tpu.memory_space<hbm>>
      %dma_start3A_732 = arith.constant 0 : i32
      %dma_start3A_733 = tpu.memref_slice %arg2[%add3A_207, %dma_start3A_732] : memref<10240x128xf32, #tpu.memory_space<hbm>> -> memref<128x128xf32, #tpu.memory_space<hbm>>
      tpu.enqueue_dma source(%dma_start3A_733 : memref<128x128xf32, #tpu.memory_space<hbm>>) target(%arg9 : memref<128x128xf32, #tpu.memory_space<vmem>>) target_semaphore(%run_scoped3A : memref<!tpu.dma_semaphore, #tpu.memory_space<semaphore_mem>>)
      %dma_wait3A_734 = arith.constant 0 : i32
      %dma_wait3A_735 = tpu.memref_slice %arg2[%add3A_207, %dma_wait3A_734] : memref<10240x128xf32, #tpu.memory_space<hbm>> -> memref<128x128xf32, #tpu.memory_space<hbm>>
      %dma_wait3A_736 = arith.constant 0 : i32
      %dma_wait3A_737 = tpu.memref_slice %arg2[%add3A_207, %dma_wait3A_736] : memref<10240x128xf32, #tpu.memory_space<hbm>> -> memref<128x128xf32, #tpu.memory_space<hbm>>
      tpu.wait_dma2 semaphore(%run_scoped3A : memref<!tpu.dma_semaphore, #tpu.memory_space<semaphore_mem>>) src(%dma_wait3A_737 : memref<128x128xf32, #tpu.memory_space<hbm>>) dst(%arg9 : memref<128x128xf32, #tpu.memory_space<vmem>>)
      tpu.yield
    }) : () -> ()
    "tpu.region"() ({
      %run_scoped3A = tpu.sem_alloc : memref<!tpu.dma_semaphore, #tpu.memory_space<semaphore_mem>>
      %dma_start3A_730 = arith.constant 0 : i32
      %dma_start3A_731 = arith.constant 0 : i32
      %dma_start3A_732 = tpu.memref_slice %arg10[%dma_start3A_730, %dma_start3A_731] : memref<10240x128xf32, #tpu.memory_space<vmem_shared>> -> memref<10240x128xf32, #tpu.memory_space<vmem_shared>>
      tpu.enqueue_indirect_dma source(%arg9 : memref<128x128xf32, #tpu.memory_space<vmem>>) target(%dma_start3A_732 : memref<10240x128xf32, #tpu.memory_space<vmem_shared>>) offsets(%arg6 : memref<128xi32, #tpu.memory_space<vmem>>) semaphore(%run_scoped3A : memref<!tpu.dma_semaphore, #tpu.memory_space<semaphore_mem>>)
      %dma_wait3A_733 = arith.constant 0 : i32
      %dma_wait3A_734 = arith.constant 0 : i32
      %dma_wait3A_735 = tpu.memref_slice %arg10[%dma_wait3A_733, %dma_wait3A_734] : memref<10240x128xf32, #tpu.memory_space<vmem_shared>> -> memref<10240x128xf32, #tpu.memory_space<vmem_shared>>
      tpu.wait_indirect_dma semaphore(%run_scoped3A : memref<!tpu.dma_semaphore, #tpu.memory_space<semaphore_mem>>) src(%arg9 : memref<128x128xf32, #tpu.memory_space<vmem>>) dst(%dma_wait3A_735 : memref<10240x128xf32, #tpu.memory_space<vmem_shared>>)
      tpu.yield
    }) : () -> ()
    %mul3A_272 = arith.constant 640 : i32
    %mul3A_273 = arith.muli %arg1, %mul3A_272 : i32
    %add3A_274 = arith.constant 512 : i32
    %add3A_275 = arith.addi %mul3A_273, %add3A_274 : i32
    %add3A_276 = arith.constant 0 : i32
    %add3A_277 = arith.addi %add3A_275, %add3A_276 : i32
    %add3A_278 = vector.broadcast %add3A_277 : i32 to vector<16xi32>
    %add3A_279 = arith.addi %iota3A, %add3A_278 : vector<16xi32>
    %swap3A_280 = arith.constant 0 : index
    %swap3A_281 = tpu.vector_load %arg6[%swap3A_280] {strides = array<i32>} : memref<128xi32, #tpu.memory_space<vmem>>, vector<16xi32>,
    %swap3A_282 = vector.shape_cast %swap3A_281 : vector<16xi32> to vector<16xi32>
    %swap3A_283 = vector.shape_cast %add3A_279 : vector<16xi32> to vector<16xi32>
    tpu.vector_store %arg6[%swap3A_280], %swap3A_283 {strides = array<i32>} : memref<128xi32, #tpu.memory_space<vmem>>, vector<16xi32>,
    %add3A_284 = arith.constant 16 : i32
    %add3A_285 = arith.addi %add3A_275, %add3A_284 : i32
    %add3A_286 = vector.broadcast %add3A_285 : i32 to vector<16xi32>
    %add3A_287 = arith.addi %iota3A, %add3A_286 : vector<16xi32>
    %swap3A_288 = arith.constant 16 : index
    %swap3A_289 = tpu.vector_load %arg6[%swap3A_288] {strides = array<i32>} : memref<128xi32, #tpu.memory_space<vmem>>, vector<16xi32>,
    %swap3A_290 = vector.shape_cast %swap3A_289 : vector<16xi32> to vector<16xi32>
    %swap3A_291 = vector.shape_cast %add3A_287 : vector<16xi32> to vector<16xi32>
    tpu.vector_store %arg6[%swap3A_288], %swap3A_291 {strides = array<i32>} : memref<128xi32, #tpu.memory_space<vmem>>, vector<16xi32>,
    %add3A_292 = arith.constant 32 : i32
    %add3A_293 = arith.addi %add3A_275, %add3A_292 : i32
    %add3A_294 = vector.broadcast %add3A_293 : i32 to vector<16xi32>
    %add3A_295 = arith.addi %iota3A, %add3A_294 : vector<16xi32>
    %swap3A_296 = arith.constant 32 : index
    %swap3A_297 = tpu.vector_load %arg6[%swap3A_296] {strides = array<i32>} : memref<128xi32, #tpu.memory_space<vmem>>, vector<16xi32>,
    %swap3A_298 = vector.shape_cast %swap3A_297 : vector<16xi32> to vector<16xi32>
    %swap3A_299 = vector.shape_cast %add3A_295 : vector<16xi32> to vector<16xi32>
    tpu.vector_store %arg6[%swap3A_296], %swap3A_299 {strides = array<i32>} : memref<128xi32, #tpu.memory_space<vmem>>, vector<16xi32>,
    %add3A_300 = arith.constant 48 : i32
    %add3A_301 = arith.addi %add3A_275, %add3A_300 : i32
    %add3A_302 = vector.broadcast %add3A_301 : i32 to vector<16xi32>
    %add3A_303 = arith.addi %iota3A, %add3A_302 : vector<16xi32>
    %swap3A_304 = arith.constant 48 : index
    %swap3A_305 = tpu.vector_load %arg6[%swap3A_304] {strides = array<i32>} : memref<128xi32, #tpu.memory_space<vmem>>, vector<16xi32>,
    %swap3A_306 = vector.shape_cast %swap3A_305 : vector<16xi32> to vector<16xi32>
    %swap3A_307 = vector.shape_cast %add3A_303 : vector<16xi32> to vector<16xi32>
    tpu.vector_store %arg6[%swap3A_304], %swap3A_307 {strides = array<i32>} : memref<128xi32, #tpu.memory_space<vmem>>, vector<16xi32>,
    %add3A_308 = arith.constant 64 : i32
    %add3A_309 = arith.addi %add3A_275, %add3A_308 : i32
    %add3A_310 = vector.broadcast %add3A_309 : i32 to vector<16xi32>
    %add3A_311 = arith.addi %iota3A, %add3A_310 : vector<16xi32>
    %swap3A_312 = arith.constant 64 : index
    %swap3A_313 = tpu.vector_load %arg6[%swap3A_312] {strides = array<i32>} : memref<128xi32, #tpu.memory_space<vmem>>, vector<16xi32>,
    %swap3A_314 = vector.shape_cast %swap3A_313 : vector<16xi32> to vector<16xi32>
    %swap3A_315 = vector.shape_cast %add3A_311 : vector<16xi32> to vector<16xi32>
    tpu.vector_store %arg6[%swap3A_312], %swap3A_315 {strides = array<i32>} : memref<128xi32, #tpu.memory_space<vmem>>, vector<16xi32>,
    %add3A_316 = arith.constant 80 : i32
    %add3A_317 = arith.addi %add3A_275, %add3A_316 : i32
    %add3A_318 = vector.broadcast %add3A_317 : i32 to vector<16xi32>
    %add3A_319 = arith.addi %iota3A, %add3A_318 : vector<16xi32>
    %swap3A_320 = arith.constant 80 : index
    %swap3A_321 = tpu.vector_load %arg6[%swap3A_320] {strides = array<i32>} : memref<128xi32, #tpu.memory_space<vmem>>, vector<16xi32>,
    %swap3A_322 = vector.shape_cast %swap3A_321 : vector<16xi32> to vector<16xi32>
    %swap3A_323 = vector.shape_cast %add3A_319 : vector<16xi32> to vector<16xi32>
    tpu.vector_store %arg6[%swap3A_320], %swap3A_323 {strides = array<i32>} : memref<128xi32, #tpu.memory_space<vmem>>, vector<16xi32>,
    %add3A_324 = arith.constant 96 : i32
    %add3A_325 = arith.addi %add3A_275, %add3A_324 : i32
    %add3A_326 = vector.broadcast %add3A_325 : i32 to vector<16xi32>
    %add3A_327 = arith.addi %iota3A, %add3A_326 : vector<16xi32>
    %swap3A_328 = arith.constant 96 : index
    %swap3A_329 = tpu.vector_load %arg6[%swap3A_328] {strides = array<i32>} : memref<128xi32, #tpu.memory_space<vmem>>, vector<16xi32>,
    %swap3A_330 = vector.shape_cast %swap3A_329 : vector<16xi32> to vector<16xi32>
    %swap3A_331 = vector.shape_cast %add3A_327 : vector<16xi32> to vector<16xi32>
    tpu.vector_store %arg6[%swap3A_328], %swap3A_331 {strides = array<i32>} : memref<128xi32, #tpu.memory_space<vmem>>, vector<16xi32>,
    %add3A_332 = arith.constant 112 : i32
    %add3A_333 = arith.addi %add3A_275, %add3A_332 : i32
    %add3A_334 = vector.broadcast %add3A_333 : i32 to vector<16xi32>
    %add3A_335 = arith.addi %iota3A, %add3A_334 : vector<16xi32>
    %swap3A_336 = arith.constant 112 : index
    %swap3A_337 = tpu.vector_load %arg6[%swap3A_336] {strides = array<i32>} : memref<128xi32, #tpu.memory_space<vmem>>, vector<16xi32>,
    %swap3A_338 = vector.shape_cast %swap3A_337 : vector<16xi32> to vector<16xi32>
    %swap3A_339 = vector.shape_cast %add3A_335 : vector<16xi32> to vector<16xi32>
    tpu.vector_store %arg6[%swap3A_336], %swap3A_339 {strides = array<i32>} : memref<128xi32, #tpu.memory_space<vmem>>, vector<16xi32>,
    "tpu.region"() ({
      %run_scoped3A = tpu.sem_alloc : memref<!tpu.dma_semaphore, #tpu.memory_space<semaphore_mem>>
      %dma_start3A_730 = arith.constant 0 : i32
      %dma_start3A_731 = tpu.memref_slice %arg2[%add3A_275, %dma_start3A_730] : memref<10240x128xf32, #tpu.memory_space<hbm>> -> memref<128x128xf32, #tpu.memory_space<hbm>>
      %dma_start3A_732 = arith.constant 0 : i32
      %dma_start3A_733 = tpu.memref_slice %arg2[%add3A_275, %dma_start3A_732] : memref<10240x128xf32, #tpu.memory_space<hbm>> -> memref<128x128xf32, #tpu.memory_space<hbm>>
      tpu.enqueue_dma source(%dma_start3A_733 : memref<128x128xf32, #tpu.memory_space<hbm>>) target(%arg9 : memref<128x128xf32, #tpu.memory_space<vmem>>) target_semaphore(%run_scoped3A : memref<!tpu.dma_semaphore, #tpu.memory_space<semaphore_mem>>)
      %dma_wait3A_734 = arith.constant 0 : i32
      %dma_wait3A_735 = tpu.memref_slice %arg2[%add3A_275, %dma_wait3A_734] : memref<10240x128xf32, #tpu.memory_space<hbm>> -> memref<128x128xf32, #tpu.memory_space<hbm>>
      %dma_wait3A_736 = arith.constant 0 : i32
      %dma_wait3A_737 = tpu.memref_slice %arg2[%add3A_275, %dma_wait3A_736] : memref<10240x128xf32, #tpu.memory_space<hbm>> -> memref<128x128xf32, #tpu.memory_space<hbm>>
      tpu.wait_dma2 semaphore(%run_scoped3A : memref<!tpu.dma_semaphore, #tpu.memory_space<semaphore_mem>>) src(%dma_wait3A_737 : memref<128x128xf32, #tpu.memory_space<hbm>>) dst(%arg9 : memref<128x128xf32, #tpu.memory_space<vmem>>)
      tpu.yield
    }) : () -> ()
    "tpu.region"() ({
      %run_scoped3A = tpu.sem_alloc : memref<!tpu.dma_semaphore, #tpu.memory_space<semaphore_mem>>
      %dma_start3A_730 = arith.constant 0 : i32
      %dma_start3A_731 = arith.constant 0 : i32
      %dma_start3A_732 = tpu.memref_slice %arg10[%dma_start3A_730, %dma_start3A_731] : memref<10240x128xf32, #tpu.memory_space<vmem_shared>> -> memref<10240x128xf32, #tpu.memory_space<vmem_shared>>
      tpu.enqueue_indirect_dma source(%arg9 : memref<128x128xf32, #tpu.memory_space<vmem>>) target(%dma_start3A_732 : memref<10240x128xf32, #tpu.memory_space<vmem_shared>>) offsets(%arg6 : memref<128xi32, #tpu.memory_space<vmem>>) semaphore(%run_scoped3A : memref<!tpu.dma_semaphore, #tpu.memory_space<semaphore_mem>>)
      %dma_wait3A_733 = arith.constant 0 : i32
      %dma_wait3A_734 = arith.constant 0 : i32
      %dma_wait3A_735 = tpu.memref_slice %arg10[%dma_wait3A_733, %dma_wait3A_734] : memref<10240x128xf32, #tpu.memory_space<vmem_shared>> -> memref<10240x128xf32, #tpu.memory_space<vmem_shared>>
      tpu.wait_indirect_dma semaphore(%run_scoped3A : memref<!tpu.dma_semaphore, #tpu.memory_space<semaphore_mem>>) src(%arg9 : memref<128x128xf32, #tpu.memory_space<vmem>>) dst(%dma_wait3A_735 : memref<10240x128xf32, #tpu.memory_space<vmem_shared>>)
      tpu.yield
    }) : () -> ()
    "tpu.region"() ({
      %run_scoped3A = tpu.sem_alloc : memref<!tpu.dma_semaphore, #tpu.memory_space<semaphore_mem>>
      %dma_start3A_730 = arith.constant 0 : i32
      %dma_start3A_731 = arith.constant 0 : i32
      %dma_start3A_732 = tpu.memref_slice %arg3[%add3A, %dma_start3A_730, %dma_start3A_731] : memref<32x79x128xi32, #tpu.memory_space<hbm>> -> memref<1x79x128xi32, #tpu.memory_space<hbm>>
      %dma_start3A_733 = tpu.memref_squeeze %dma_start3A_732 : memref<1x79x128xi32, #tpu.memory_space<hbm>> -> memref<79x128xi32, #tpu.memory_space<hbm>>
      %dma_start3A_734 = arith.constant 0 : i32
      %dma_start3A_735 = arith.constant 0 : i32
      %dma_start3A_736 = tpu.memref_slice %arg3[%add3A, %dma_start3A_734, %dma_start3A_735] : memref<32x79x128xi32, #tpu.memory_space<hbm>> -> memref<1x79x128xi32, #tpu.memory_space<hbm>>
      %dma_start3A_737 = tpu.memref_squeeze %dma_start3A_736 : memref<1x79x128xi32, #tpu.memory_space<hbm>> -> memref<79x128xi32, #tpu.memory_space<hbm>>
      tpu.enqueue_dma source(%dma_start3A_737 : memref<79x128xi32, #tpu.memory_space<hbm>>) target(%arg7 : memref<79x128xi32, #tpu.memory_space<vmem>>) target_semaphore(%run_scoped3A : memref<!tpu.dma_semaphore, #tpu.memory_space<semaphore_mem>>)
      %dma_wait3A_738 = arith.constant 0 : i32
      %dma_wait3A_739 = arith.constant 0 : i32
      %dma_wait3A_740 = tpu.memref_slice %arg3[%add3A, %dma_wait3A_738, %dma_wait3A_739] : memref<32x79x128xi32, #tpu.memory_space<hbm>> -> memref<1x79x128xi32, #tpu.memory_space<hbm>>
      %dma_wait3A_741 = tpu.memref_squeeze %dma_wait3A_740 : memref<1x79x128xi32, #tpu.memory_space<hbm>> -> memref<79x128xi32, #tpu.memory_space<hbm>>
      %dma_wait3A_742 = arith.constant 0 : i32
      %dma_wait3A_743 = arith.constant 0 : i32
      %dma_wait3A_744 = tpu.memref_slice %arg3[%add3A, %dma_wait3A_742, %dma_wait3A_743] : memref<32x79x128xi32, #tpu.memory_space<hbm>> -> memref<1x79x128xi32, #tpu.memory_space<hbm>>
      %dma_wait3A_745 = tpu.memref_squeeze %dma_wait3A_744 : memref<1x79x128xi32, #tpu.memory_space<hbm>> -> memref<79x128xi32, #tpu.memory_space<hbm>>
      tpu.wait_dma2 semaphore(%run_scoped3A : memref<!tpu.dma_semaphore, #tpu.memory_space<semaphore_mem>>) src(%dma_wait3A_745 : memref<79x128xi32, #tpu.memory_space<hbm>>) dst(%arg7 : memref<79x128xi32, #tpu.memory_space<vmem>>)
      tpu.yield
    }) : () -> ()
    "tpu.region"() ({
      %run_scoped3A = tpu.sem_alloc : memref<!tpu.dma_semaphore, #tpu.memory_space<semaphore_mem>>
      %dma_start3A_730 = arith.constant 0 : i32
      %dma_start3A_731 = arith.constant 0 : i32
      %dma_start3A_732 = tpu.memref_slice %arg4[%add3A, %dma_start3A_730, %dma_start3A_731] : memref<32x79x128xi32, #tpu.memory_space<hbm>> -> memref<1x79x128xi32, #tpu.memory_space<hbm>>
      %dma_start3A_733 = tpu.memref_squeeze %dma_start3A_732 : memref<1x79x128xi32, #tpu.memory_space<hbm>> -> memref<79x128xi32, #tpu.memory_space<hbm>>
      %dma_start3A_734 = arith.constant 0 : i32
      %dma_start3A_735 = arith.constant 0 : i32
      %dma_start3A_736 = tpu.memref_slice %arg4[%add3A, %dma_start3A_734, %dma_start3A_735] : memref<32x79x128xi32, #tpu.memory_space<hbm>> -> memref<1x79x128xi32, #tpu.memory_space<hbm>>
      %dma_start3A_737 = tpu.memref_squeeze %dma_start3A_736 : memref<1x79x128xi32, #tpu.memory_space<hbm>> -> memref<79x128xi32, #tpu.memory_space<hbm>>
      tpu.enqueue_dma source(%dma_start3A_737 : memref<79x128xi32, #tpu.memory_space<hbm>>) target(%arg8 : memref<79x128xi32, #tpu.memory_space<vmem>>) target_semaphore(%run_scoped3A : memref<!tpu.dma_semaphore, #tpu.memory_space<semaphore_mem>>)
      %dma_wait3A_738 = arith.constant 0 : i32
      %dma_wait3A_739 = arith.constant 0 : i32
      %dma_wait3A_740 = tpu.memref_slice %arg4[%add3A, %dma_wait3A_738, %dma_wait3A_739] : memref<32x79x128xi32, #tpu.memory_space<hbm>> -> memref<1x79x128xi32, #tpu.memory_space<hbm>>
      %dma_wait3A_741 = tpu.memref_squeeze %dma_wait3A_740 : memref<1x79x128xi32, #tpu.memory_space<hbm>> -> memref<79x128xi32, #tpu.memory_space<hbm>>
      %dma_wait3A_742 = arith.constant 0 : i32
      %dma_wait3A_743 = arith.constant 0 : i32
      %dma_wait3A_744 = tpu.memref_slice %arg4[%add3A, %dma_wait3A_742, %dma_wait3A_743] : memref<32x79x128xi32, #tpu.memory_space<hbm>> -> memref<1x79x128xi32, #tpu.memory_space<hbm>>
      %dma_wait3A_745 = tpu.memref_squeeze %dma_wait3A_744 : memref<1x79x128xi32, #tpu.memory_space<hbm>> -> memref<79x128xi32, #tpu.memory_space<hbm>>
      tpu.wait_dma2 semaphore(%run_scoped3A : memref<!tpu.dma_semaphore, #tpu.memory_space<semaphore_mem>>) src(%dma_wait3A_745 : memref<79x128xi32, #tpu.memory_space<hbm>>) dst(%arg8 : memref<79x128xi32, #tpu.memory_space<vmem>>)
      tpu.yield
    }) : () -> ()
    %barrier3A = arith.constant 0 : index
    tpu.barrier barrier_id(%barrier3A)
    %scan3A = arith.constant 0 : i32
    %scan3A_340 = arith.constant 0 : i32
    %scan3A_341 = arith.constant 79 : i32
    %scan3A_342 = arith.addi %scan3A_340, %scan3A_341 : i32
    %scan3A_343 = arith.constant 1 : i32
    %scan3A_344 = scf.for %scan3A_730 = %scan3A_340 to %scan3A_342 step %scan3A_343 iter_args(%scan3A_731 = %scan3A) -> (i32)  : i32 {
      %dma_start3A_732 = arith.constant 0 : i32
      %dma_start3A_733 = tpu.memref_slice %arg7[%scan3A_730, %dma_start3A_732] : memref<79x128xi32, #tpu.memory_space<vmem>> -> memref<1x128xi32, #tpu.memory_space<vmem>>
      %dma_start3A_734 = tpu.memref_squeeze %dma_start3A_733 : memref<1x128xi32, #tpu.memory_space<vmem>> -> memref<128xi32, #tpu.memory_space<vmem>>
      %dma_start3A_735 = arith.constant 0 : i32
      %dma_start3A_736 = arith.constant 0 : i32
      %dma_start3A_737 = tpu.memref_slice %arg2[%dma_start3A_735, %dma_start3A_736] : memref<10240x128xf32, #tpu.memory_space<hbm>> -> memref<10240x128xf32, #tpu.memory_space<hbm>>
      tpu.enqueue_indirect_dma source(%dma_start3A_737 : memref<10240x128xf32, #tpu.memory_space<hbm>>) target(%arg9 : memref<128x128xf32, #tpu.memory_space<vmem>>) offsets(%dma_start3A_734 : memref<128xi32, #tpu.memory_space<vmem>>) semaphore(%arg11 : memref<!tpu.dma_semaphore, #tpu.memory_space<semaphore_mem>>)
      %dma_wait3A_738 = arith.constant 0 : i32
      %dma_wait3A_739 = tpu.memref_slice %arg7[%scan3A_730, %dma_wait3A_738] : memref<79x128xi32, #tpu.memory_space<vmem>> -> memref<1x128xi32, #tpu.memory_space<vmem>>
      %dma_wait3A_740 = tpu.memref_squeeze %dma_wait3A_739 : memref<1x128xi32, #tpu.memory_space<vmem>> -> memref<128xi32, #tpu.memory_space<vmem>>
      %dma_wait3A_741 = arith.constant 0 : i32
      %dma_wait3A_742 = arith.constant 0 : i32
      %dma_wait3A_743 = tpu.memref_slice %arg2[%dma_wait3A_741, %dma_wait3A_742] : memref<10240x128xf32, #tpu.memory_space<hbm>> -> memref<10240x128xf32, #tpu.memory_space<hbm>>
      tpu.wait_indirect_dma semaphore(%arg11 : memref<!tpu.dma_semaphore, #tpu.memory_space<semaphore_mem>>) src(%dma_wait3A_743 : memref<10240x128xf32, #tpu.memory_space<hbm>>) dst(%arg9 : memref<128x128xf32, #tpu.memory_space<vmem>>)
      "tpu.region"() ({
        %run_scoped3A = tpu.sem_alloc : memref<!tpu.dma_semaphore, #tpu.memory_space<semaphore_mem>>
        %dma_start3A_745 = arith.constant 0 : i32
        %dma_start3A_746 = tpu.memref_slice %arg8[%scan3A_730, %dma_start3A_745] : memref<79x128xi32, #tpu.memory_space<vmem>> -> memref<1x128xi32, #tpu.memory_space<vmem>>
        %dma_start3A_747 = tpu.memref_squeeze %dma_start3A_746 : memref<1x128xi32, #tpu.memory_space<vmem>> -> memref<128xi32, #tpu.memory_space<vmem>>
        %dma_start3A_748 = arith.constant 0 : i32
        %dma_start3A_749 = arith.constant 0 : i32
        %dma_start3A_750 = tpu.memref_slice %arg10[%dma_start3A_748, %dma_start3A_749] : memref<10240x128xf32, #tpu.memory_space<vmem_shared>> -> memref<10240x128xf32, #tpu.memory_space<vmem_shared>>
        tpu.enqueue_indirect_dma source(%arg9 : memref<128x128xf32, #tpu.memory_space<vmem>>) target(%dma_start3A_750 : memref<10240x128xf32, #tpu.memory_space<vmem_shared>>) offsets(%dma_start3A_747 : memref<128xi32, #tpu.memory_space<vmem>>) semaphore(%run_scoped3A : memref<!tpu.dma_semaphore, #tpu.memory_space<semaphore_mem>>) {add = true}
        %dma_wait3A_751 = arith.constant 0 : i32
        %dma_wait3A_752 = tpu.memref_slice %arg8[%scan3A_730, %dma_wait3A_751] : memref<79x128xi32, #tpu.memory_space<vmem>> -> memref<1x128xi32, #tpu.memory_space<vmem>>
        %dma_wait3A_753 = tpu.memref_squeeze %dma_wait3A_752 : memref<1x128xi32, #tpu.memory_space<vmem>> -> memref<128xi32, #tpu.memory_space<vmem>>
        %dma_wait3A_754 = arith.constant 0 : i32
        %dma_wait3A_755 = arith.constant 0 : i32
        %dma_wait3A_756 = tpu.memref_slice %arg10[%dma_wait3A_754, %dma_wait3A_755] : memref<10240x128xf32, #tpu.memory_space<vmem_shared>> -> memref<10240x128xf32, #tpu.memory_space<vmem_shared>>
        tpu.wait_indirect_dma semaphore(%run_scoped3A : memref<!tpu.dma_semaphore, #tpu.memory_space<semaphore_mem>>) src(%arg9 : memref<128x128xf32, #tpu.memory_space<vmem>>) dst(%dma_wait3A_756 : memref<10240x128xf32, #tpu.memory_space<vmem_shared>>)
        tpu.yield
      }) : () -> ()
      %scan3A_744 = arith.constant 0 : i32
      scf.yield %scan3A_744 : i32
    }
    %scan3A_345 = arith.constant 79 : i32
    %barrier3A_346 = arith.constant 0 : index
    tpu.barrier barrier_id(%barrier3A_346)
    %mul3A_347 = arith.constant 640 : i32
    %mul3A_348 = arith.muli %arg1, %mul3A_347 : i32
    %add3A_349 = arith.constant 0 : i32
    %add3A_350 = arith.addi %mul3A_348, %add3A_349 : i32
    %add3A_351 = arith.constant 0 : i32
    %add3A_352 = arith.addi %add3A_350, %add3A_351 : i32
    %add3A_353 = vector.broadcast %add3A_352 : i32 to vector<16xi32>
    %add3A_354 = arith.addi %iota3A, %add3A_353 : vector<16xi32>
    %swap3A_355 = arith.constant 0 : index
    %swap3A_356 = tpu.vector_load %arg6[%swap3A_355] {strides = array<i32>} : memref<128xi32, #tpu.memory_space<vmem>>, vector<16xi32>,
    %swap3A_357 = vector.shape_cast %swap3A_356 : vector<16xi32> to vector<16xi32>
    %swap3A_358 = vector.shape_cast %add3A_354 : vector<16xi32> to vector<16xi32>
    tpu.vector_store %arg6[%swap3A_355], %swap3A_358 {strides = array<i32>} : memref<128xi32, #tpu.memory_space<vmem>>, vector<16xi32>,
    %add3A_359 = arith.constant 16 : i32
    %add3A_360 = arith.addi %add3A_350, %add3A_359 : i32
    %add3A_361 = vector.broadcast %add3A_360 : i32 to vector<16xi32>
    %add3A_362 = arith.addi %iota3A, %add3A_361 : vector<16xi32>
    %swap3A_363 = arith.constant 16 : index
    %swap3A_364 = tpu.vector_load %arg6[%swap3A_363] {strides = array<i32>} : memref<128xi32, #tpu.memory_space<vmem>>, vector<16xi32>,
    %swap3A_365 = vector.shape_cast %swap3A_364 : vector<16xi32> to vector<16xi32>
    %swap3A_366 = vector.shape_cast %add3A_362 : vector<16xi32> to vector<16xi32>
    tpu.vector_store %arg6[%swap3A_363], %swap3A_366 {strides = array<i32>} : memref<128xi32, #tpu.memory_space<vmem>>, vector<16xi32>,
    %add3A_367 = arith.constant 32 : i32
    %add3A_368 = arith.addi %add3A_350, %add3A_367 : i32
    %add3A_369 = vector.broadcast %add3A_368 : i32 to vector<16xi32>
    %add3A_370 = arith.addi %iota3A, %add3A_369 : vector<16xi32>
    %swap3A_371 = arith.constant 32 : index
    %swap3A_372 = tpu.vector_load %arg6[%swap3A_371] {strides = array<i32>} : memref<128xi32, #tpu.memory_space<vmem>>, vector<16xi32>,
    %swap3A_373 = vector.shape_cast %swap3A_372 : vector<16xi32> to vector<16xi32>
    %swap3A_374 = vector.shape_cast %add3A_370 : vector<16xi32> to vector<16xi32>
    tpu.vector_store %arg6[%swap3A_371], %swap3A_374 {strides = array<i32>} : memref<128xi32, #tpu.memory_space<vmem>>, vector<16xi32>,
    %add3A_375 = arith.constant 48 : i32
    %add3A_376 = arith.addi %add3A_350, %add3A_375 : i32
    %add3A_377 = vector.broadcast %add3A_376 : i32 to vector<16xi32>
    %add3A_378 = arith.addi %iota3A, %add3A_377 : vector<16xi32>
    %swap3A_379 = arith.constant 48 : index
    %swap3A_380 = tpu.vector_load %arg6[%swap3A_379] {strides = array<i32>} : memref<128xi32, #tpu.memory_space<vmem>>, vector<16xi32>,
    %swap3A_381 = vector.shape_cast %swap3A_380 : vector<16xi32> to vector<16xi32>
    %swap3A_382 = vector.shape_cast %add3A_378 : vector<16xi32> to vector<16xi32>
    tpu.vector_store %arg6[%swap3A_379], %swap3A_382 {strides = array<i32>} : memref<128xi32, #tpu.memory_space<vmem>>, vector<16xi32>,
    %add3A_383 = arith.constant 64 : i32
    %add3A_384 = arith.addi %add3A_350, %add3A_383 : i32
    %add3A_385 = vector.broadcast %add3A_384 : i32 to vector<16xi32>
    %add3A_386 = arith.addi %iota3A, %add3A_385 : vector<16xi32>
    %swap3A_387 = arith.constant 64 : index
    %swap3A_388 = tpu.vector_load %arg6[%swap3A_387] {strides = array<i32>} : memref<128xi32, #tpu.memory_space<vmem>>, vector<16xi32>,
    %swap3A_389 = vector.shape_cast %swap3A_388 : vector<16xi32> to vector<16xi32>
    %swap3A_390 = vector.shape_cast %add3A_386 : vector<16xi32> to vector<16xi32>
    tpu.vector_store %arg6[%swap3A_387], %swap3A_390 {strides = array<i32>} : memref<128xi32, #tpu.memory_space<vmem>>, vector<16xi32>,
    %add3A_391 = arith.constant 80 : i32
    %add3A_392 = arith.addi %add3A_350, %add3A_391 : i32
    %add3A_393 = vector.broadcast %add3A_392 : i32 to vector<16xi32>
    %add3A_394 = arith.addi %iota3A, %add3A_393 : vector<16xi32>
    %swap3A_395 = arith.constant 80 : index
    %swap3A_396 = tpu.vector_load %arg6[%swap3A_395] {strides = array<i32>} : memref<128xi32, #tpu.memory_space<vmem>>, vector<16xi32>,
    %swap3A_397 = vector.shape_cast %swap3A_396 : vector<16xi32> to vector<16xi32>
    %swap3A_398 = vector.shape_cast %add3A_394 : vector<16xi32> to vector<16xi32>
    tpu.vector_store %arg6[%swap3A_395], %swap3A_398 {strides = array<i32>} : memref<128xi32, #tpu.memory_space<vmem>>, vector<16xi32>,
    %add3A_399 = arith.constant 96 : i32
    %add3A_400 = arith.addi %add3A_350, %add3A_399 : i32
    %add3A_401 = vector.broadcast %add3A_400 : i32 to vector<16xi32>
    %add3A_402 = arith.addi %iota3A, %add3A_401 : vector<16xi32>
    %swap3A_403 = arith.constant 96 : index
    %swap3A_404 = tpu.vector_load %arg6[%swap3A_403] {strides = array<i32>} : memref<128xi32, #tpu.memory_space<vmem>>, vector<16xi32>,
    %swap3A_405 = vector.shape_cast %swap3A_404 : vector<16xi32> to vector<16xi32>
    %swap3A_406 = vector.shape_cast %add3A_402 : vector<16xi32> to vector<16xi32>
    tpu.vector_store %arg6[%swap3A_403], %swap3A_406 {strides = array<i32>} : memref<128xi32, #tpu.memory_space<vmem>>, vector<16xi32>,
    %add3A_407 = arith.constant 112 : i32
    %add3A_408 = arith.addi %add3A_350, %add3A_407 : i32
    %add3A_409 = vector.broadcast %add3A_408 : i32 to vector<16xi32>
    %add3A_410 = arith.addi %iota3A, %add3A_409 : vector<16xi32>
    %swap3A_411 = arith.constant 112 : index
    %swap3A_412 = tpu.vector_load %arg6[%swap3A_411] {strides = array<i32>} : memref<128xi32, #tpu.memory_space<vmem>>, vector<16xi32>,
    %swap3A_413 = vector.shape_cast %swap3A_412 : vector<16xi32> to vector<16xi32>
    %swap3A_414 = vector.shape_cast %add3A_410 : vector<16xi32> to vector<16xi32>
    tpu.vector_store %arg6[%swap3A_411], %swap3A_414 {strides = array<i32>} : memref<128xi32, #tpu.memory_space<vmem>>, vector<16xi32>,
    %dma_start3A = arith.constant 0 : i32
    %dma_start3A_415 = arith.constant 0 : i32
    %dma_start3A_416 = tpu.memref_slice %arg10[%dma_start3A, %dma_start3A_415] : memref<10240x128xf32, #tpu.memory_space<vmem_shared>> -> memref<10240x128xf32, #tpu.memory_space<vmem_shared>>
    tpu.enqueue_indirect_dma source(%dma_start3A_416 : memref<10240x128xf32, #tpu.memory_space<vmem_shared>>) target(%arg9 : memref<128x128xf32, #tpu.memory_space<vmem>>) offsets(%arg6 : memref<128xi32, #tpu.memory_space<vmem>>) semaphore(%arg11 : memref<!tpu.dma_semaphore, #tpu.memory_space<semaphore_mem>>)
    %dma_wait3A = arith.constant 0 : i32
    %dma_wait3A_417 = arith.constant 0 : i32
    %dma_wait3A_418 = tpu.memref_slice %arg10[%dma_wait3A, %dma_wait3A_417] : memref<10240x128xf32, #tpu.memory_space<vmem_shared>> -> memref<10240x128xf32, #tpu.memory_space<vmem_shared>>
    tpu.wait_indirect_dma semaphore(%arg11 : memref<!tpu.dma_semaphore, #tpu.memory_space<semaphore_mem>>) src(%dma_wait3A_418 : memref<10240x128xf32, #tpu.memory_space<vmem_shared>>) dst(%arg9 : memref<128x128xf32, #tpu.memory_space<vmem>>)
    %mul3A_419 = arith.constant 10240 : i32
    %mul3A_420 = arith.muli %arg0, %mul3A_419 : i32
    %add3A_421 = arith.addi %mul3A_420, %add3A_350 : i32
    "tpu.region"() ({
      %run_scoped3A = tpu.sem_alloc : memref<!tpu.dma_semaphore, #tpu.memory_space<semaphore_mem>>
      %dma_start3A_730 = arith.constant 0 : i32
      %dma_start3A_731 = tpu.memref_slice %arg5[%add3A_421, %dma_start3A_730] : memref<20480x128xf32, #tpu.memory_space<hbm>> -> memref<128x128xf32, #tpu.memory_space<hbm>>
      %dma_start3A_732 = arith.constant 0 : i32
      %dma_start3A_733 = tpu.memref_slice %arg5[%add3A_421, %dma_start3A_732] : memref<20480x128xf32, #tpu.memory_space<hbm>> -> memref<128x128xf32, #tpu.memory_space<hbm>>
      tpu.enqueue_dma source(%arg9 : memref<128x128xf32, #tpu.memory_space<vmem>>) target(%dma_start3A_733 : memref<128x128xf32, #tpu.memory_space<hbm>>) target_semaphore(%run_scoped3A : memref<!tpu.dma_semaphore, #tpu.memory_space<semaphore_mem>>)
      %dma_wait3A_734 = arith.constant 0 : i32
      %dma_wait3A_735 = tpu.memref_slice %arg5[%add3A_421, %dma_wait3A_734] : memref<20480x128xf32, #tpu.memory_space<hbm>> -> memref<128x128xf32, #tpu.memory_space<hbm>>
      %dma_wait3A_736 = arith.constant 0 : i32
      %dma_wait3A_737 = tpu.memref_slice %arg5[%add3A_421, %dma_wait3A_736] : memref<20480x128xf32, #tpu.memory_space<hbm>> -> memref<128x128xf32, #tpu.memory_space<hbm>>
      tpu.wait_dma2 semaphore(%run_scoped3A : memref<!tpu.dma_semaphore, #tpu.memory_space<semaphore_mem>>) src(%arg9 : memref<128x128xf32, #tpu.memory_space<vmem>>) dst(%dma_wait3A_737 : memref<128x128xf32, #tpu.memory_space<hbm>>)
      tpu.yield
    }) : () -> ()
    %mul3A_422 = arith.constant 640 : i32
    %mul3A_423 = arith.muli %arg1, %mul3A_422 : i32
    %add3A_424 = arith.constant 128 : i32
    %add3A_425 = arith.addi %mul3A_423, %add3A_424 : i32
    %add3A_426 = arith.constant 0 : i32
    %add3A_427 = arith.addi %add3A_425, %add3A_426 : i32
    %add3A_428 = vector.broadcast %add3A_427 : i32 to vector<16xi32>
    %add3A_429 = arith.addi %iota3A, %add3A_428 : vector<16xi32>
    %swap3A_430 = arith.constant 0 : index
    %swap3A_431 = tpu.vector_load %arg6[%swap3A_430] {strides = array<i32>} : memref<128xi32, #tpu.memory_space<vmem>>, vector<16xi32>,
    %swap3A_432 = vector.shape_cast %swap3A_431 : vector<16xi32> to vector<16xi32>
    %swap3A_433 = vector.shape_cast %add3A_429 : vector<16xi32> to vector<16xi32>
    tpu.vector_store %arg6[%swap3A_430], %swap3A_433 {strides = array<i32>} : memref<128xi32, #tpu.memory_space<vmem>>, vector<16xi32>,
    %add3A_434 = arith.constant 16 : i32
    %add3A_435 = arith.addi %add3A_425, %add3A_434 : i32
    %add3A_436 = vector.broadcast %add3A_435 : i32 to vector<16xi32>
    %add3A_437 = arith.addi %iota3A, %add3A_436 : vector<16xi32>
    %swap3A_438 = arith.constant 16 : index
    %swap3A_439 = tpu.vector_load %arg6[%swap3A_438] {strides = array<i32>} : memref<128xi32, #tpu.memory_space<vmem>>, vector<16xi32>,
    %swap3A_440 = vector.shape_cast %swap3A_439 : vector<16xi32> to vector<16xi32>
    %swap3A_441 = vector.shape_cast %add3A_437 : vector<16xi32> to vector<16xi32>
    tpu.vector_store %arg6[%swap3A_438], %swap3A_441 {strides = array<i32>} : memref<128xi32, #tpu.memory_space<vmem>>, vector<16xi32>,
    %add3A_442 = arith.constant 32 : i32
    %add3A_443 = arith.addi %add3A_425, %add3A_442 : i32
    %add3A_444 = vector.broadcast %add3A_443 : i32 to vector<16xi32>
    %add3A_445 = arith.addi %iota3A, %add3A_444 : vector<16xi32>
    %swap3A_446 = arith.constant 32 : index
    %swap3A_447 = tpu.vector_load %arg6[%swap3A_446] {strides = array<i32>} : memref<128xi32, #tpu.memory_space<vmem>>, vector<16xi32>,
    %swap3A_448 = vector.shape_cast %swap3A_447 : vector<16xi32> to vector<16xi32>
    %swap3A_449 = vector.shape_cast %add3A_445 : vector<16xi32> to vector<16xi32>
    tpu.vector_store %arg6[%swap3A_446], %swap3A_449 {strides = array<i32>} : memref<128xi32, #tpu.memory_space<vmem>>, vector<16xi32>,
    %add3A_450 = arith.constant 48 : i32
    %add3A_451 = arith.addi %add3A_425, %add3A_450 : i32
    %add3A_452 = vector.broadcast %add3A_451 : i32 to vector<16xi32>
    %add3A_453 = arith.addi %iota3A, %add3A_452 : vector<16xi32>
    %swap3A_454 = arith.constant 48 : index
    %swap3A_455 = tpu.vector_load %arg6[%swap3A_454] {strides = array<i32>} : memref<128xi32, #tpu.memory_space<vmem>>, vector<16xi32>,
    %swap3A_456 = vector.shape_cast %swap3A_455 : vector<16xi32> to vector<16xi32>
    %swap3A_457 = vector.shape_cast %add3A_453 : vector<16xi32> to vector<16xi32>
    tpu.vector_store %arg6[%swap3A_454], %swap3A_457 {strides = array<i32>} : memref<128xi32, #tpu.memory_space<vmem>>, vector<16xi32>,
    %add3A_458 = arith.constant 64 : i32
    %add3A_459 = arith.addi %add3A_425, %add3A_458 : i32
    %add3A_460 = vector.broadcast %add3A_459 : i32 to vector<16xi32>
    %add3A_461 = arith.addi %iota3A, %add3A_460 : vector<16xi32>
    %swap3A_462 = arith.constant 64 : index
    %swap3A_463 = tpu.vector_load %arg6[%swap3A_462] {strides = array<i32>} : memref<128xi32, #tpu.memory_space<vmem>>, vector<16xi32>,
    %swap3A_464 = vector.shape_cast %swap3A_463 : vector<16xi32> to vector<16xi32>
    %swap3A_465 = vector.shape_cast %add3A_461 : vector<16xi32> to vector<16xi32>
    tpu.vector_store %arg6[%swap3A_462], %swap3A_465 {strides = array<i32>} : memref<128xi32, #tpu.memory_space<vmem>>, vector<16xi32>,
    %add3A_466 = arith.constant 80 : i32
    %add3A_467 = arith.addi %add3A_425, %add3A_466 : i32
    %add3A_468 = vector.broadcast %add3A_467 : i32 to vector<16xi32>
    %add3A_469 = arith.addi %iota3A, %add3A_468 : vector<16xi32>
    %swap3A_470 = arith.constant 80 : index
    %swap3A_471 = tpu.vector_load %arg6[%swap3A_470] {strides = array<i32>} : memref<128xi32, #tpu.memory_space<vmem>>, vector<16xi32>,
    %swap3A_472 = vector.shape_cast %swap3A_471 : vector<16xi32> to vector<16xi32>
    %swap3A_473 = vector.shape_cast %add3A_469 : vector<16xi32> to vector<16xi32>
    tpu.vector_store %arg6[%swap3A_470], %swap3A_473 {strides = array<i32>} : memref<128xi32, #tpu.memory_space<vmem>>, vector<16xi32>,
    %add3A_474 = arith.constant 96 : i32
    %add3A_475 = arith.addi %add3A_425, %add3A_474 : i32
    %add3A_476 = vector.broadcast %add3A_475 : i32 to vector<16xi32>
    %add3A_477 = arith.addi %iota3A, %add3A_476 : vector<16xi32>
    %swap3A_478 = arith.constant 96 : index
    %swap3A_479 = tpu.vector_load %arg6[%swap3A_478] {strides = array<i32>} : memref<128xi32, #tpu.memory_space<vmem>>, vector<16xi32>,
    %swap3A_480 = vector.shape_cast %swap3A_479 : vector<16xi32> to vector<16xi32>
    %swap3A_481 = vector.shape_cast %add3A_477 : vector<16xi32> to vector<16xi32>
    tpu.vector_store %arg6[%swap3A_478], %swap3A_481 {strides = array<i32>} : memref<128xi32, #tpu.memory_space<vmem>>, vector<16xi32>,
    %add3A_482 = arith.constant 112 : i32
    %add3A_483 = arith.addi %add3A_425, %add3A_482 : i32
    %add3A_484 = vector.broadcast %add3A_483 : i32 to vector<16xi32>
    %add3A_485 = arith.addi %iota3A, %add3A_484 : vector<16xi32>
    %swap3A_486 = arith.constant 112 : index
    %swap3A_487 = tpu.vector_load %arg6[%swap3A_486] {strides = array<i32>} : memref<128xi32, #tpu.memory_space<vmem>>, vector<16xi32>,
    %swap3A_488 = vector.shape_cast %swap3A_487 : vector<16xi32> to vector<16xi32>
    %swap3A_489 = vector.shape_cast %add3A_485 : vector<16xi32> to vector<16xi32>
    tpu.vector_store %arg6[%swap3A_486], %swap3A_489 {strides = array<i32>} : memref<128xi32, #tpu.memory_space<vmem>>, vector<16xi32>,
    %dma_start3A_490 = arith.constant 0 : i32
    %dma_start3A_491 = arith.constant 0 : i32
    %dma_start3A_492 = tpu.memref_slice %arg10[%dma_start3A_490, %dma_start3A_491] : memref<10240x128xf32, #tpu.memory_space<vmem_shared>> -> memref<10240x128xf32, #tpu.memory_space<vmem_shared>>
    tpu.enqueue_indirect_dma source(%dma_start3A_492 : memref<10240x128xf32, #tpu.memory_space<vmem_shared>>) target(%arg9 : memref<128x128xf32, #tpu.memory_space<vmem>>) offsets(%arg6 : memref<128xi32, #tpu.memory_space<vmem>>) semaphore(%arg11 : memref<!tpu.dma_semaphore, #tpu.memory_space<semaphore_mem>>)
    %dma_wait3A_493 = arith.constant 0 : i32
    %dma_wait3A_494 = arith.constant 0 : i32
    %dma_wait3A_495 = tpu.memref_slice %arg10[%dma_wait3A_493, %dma_wait3A_494] : memref<10240x128xf32, #tpu.memory_space<vmem_shared>> -> memref<10240x128xf32, #tpu.memory_space<vmem_shared>>
    tpu.wait_indirect_dma semaphore(%arg11 : memref<!tpu.dma_semaphore, #tpu.memory_space<semaphore_mem>>) src(%dma_wait3A_495 : memref<10240x128xf32, #tpu.memory_space<vmem_shared>>) dst(%arg9 : memref<128x128xf32, #tpu.memory_space<vmem>>)
    %mul3A_496 = arith.constant 10240 : i32
    %mul3A_497 = arith.muli %arg0, %mul3A_496 : i32
    %add3A_498 = arith.addi %mul3A_497, %add3A_425 : i32
    "tpu.region"() ({
      %run_scoped3A = tpu.sem_alloc : memref<!tpu.dma_semaphore, #tpu.memory_space<semaphore_mem>>
      %dma_start3A_730 = arith.constant 0 : i32
      %dma_start3A_731 = tpu.memref_slice %arg5[%add3A_498, %dma_start3A_730] : memref<20480x128xf32, #tpu.memory_space<hbm>> -> memref<128x128xf32, #tpu.memory_space<hbm>>
      %dma_start3A_732 = arith.constant 0 : i32
      %dma_start3A_733 = tpu.memref_slice %arg5[%add3A_498, %dma_start3A_732] : memref<20480x128xf32, #tpu.memory_space<hbm>> -> memref<128x128xf32, #tpu.memory_space<hbm>>
      tpu.enqueue_dma source(%arg9 : memref<128x128xf32, #tpu.memory_space<vmem>>) target(%dma_start3A_733 : memref<128x128xf32, #tpu.memory_space<hbm>>) target_semaphore(%run_scoped3A : memref<!tpu.dma_semaphore, #tpu.memory_space<semaphore_mem>>)
      %dma_wait3A_734 = arith.constant 0 : i32
      %dma_wait3A_735 = tpu.memref_slice %arg5[%add3A_498, %dma_wait3A_734] : memref<20480x128xf32, #tpu.memory_space<hbm>> -> memref<128x128xf32, #tpu.memory_space<hbm>>
      %dma_wait3A_736 = arith.constant 0 : i32
      %dma_wait3A_737 = tpu.memref_slice %arg5[%add3A_498, %dma_wait3A_736] : memref<20480x128xf32, #tpu.memory_space<hbm>> -> memref<128x128xf32, #tpu.memory_space<hbm>>
      tpu.wait_dma2 semaphore(%run_scoped3A : memref<!tpu.dma_semaphore, #tpu.memory_space<semaphore_mem>>) src(%arg9 : memref<128x128xf32, #tpu.memory_space<vmem>>) dst(%dma_wait3A_737 : memref<128x128xf32, #tpu.memory_space<hbm>>)
      tpu.yield
    }) : () -> ()
    %mul3A_499 = arith.constant 640 : i32
    %mul3A_500 = arith.muli %arg1, %mul3A_499 : i32
    %add3A_501 = arith.constant 256 : i32
    %add3A_502 = arith.addi %mul3A_500, %add3A_501 : i32
    %add3A_503 = arith.constant 0 : i32
    %add3A_504 = arith.addi %add3A_502, %add3A_503 : i32
    %add3A_505 = vector.broadcast %add3A_504 : i32 to vector<16xi32>
    %add3A_506 = arith.addi %iota3A, %add3A_505 : vector<16xi32>
    %swap3A_507 = arith.constant 0 : index
    %swap3A_508 = tpu.vector_load %arg6[%swap3A_507] {strides = array<i32>} : memref<128xi32, #tpu.memory_space<vmem>>, vector<16xi32>,
    %swap3A_509 = vector.shape_cast %swap3A_508 : vector<16xi32> to vector<16xi32>
    %swap3A_510 = vector.shape_cast %add3A_506 : vector<16xi32> to vector<16xi32>
    tpu.vector_store %arg6[%swap3A_507], %swap3A_510 {strides = array<i32>} : memref<128xi32, #tpu.memory_space<vmem>>, vector<16xi32>,
    %add3A_511 = arith.constant 16 : i32
    %add3A_512 = arith.addi %add3A_502, %add3A_511 : i32
    %add3A_513 = vector.broadcast %add3A_512 : i32 to vector<16xi32>
    %add3A_514 = arith.addi %iota3A, %add3A_513 : vector<16xi32>
    %swap3A_515 = arith.constant 16 : index
    %swap3A_516 = tpu.vector_load %arg6[%swap3A_515] {strides = array<i32>} : memref<128xi32, #tpu.memory_space<vmem>>, vector<16xi32>,
    %swap3A_517 = vector.shape_cast %swap3A_516 : vector<16xi32> to vector<16xi32>
    %swap3A_518 = vector.shape_cast %add3A_514 : vector<16xi32> to vector<16xi32>
    tpu.vector_store %arg6[%swap3A_515], %swap3A_518 {strides = array<i32>} : memref<128xi32, #tpu.memory_space<vmem>>, vector<16xi32>,
    %add3A_519 = arith.constant 32 : i32
    %add3A_520 = arith.addi %add3A_502, %add3A_519 : i32
    %add3A_521 = vector.broadcast %add3A_520 : i32 to vector<16xi32>
    %add3A_522 = arith.addi %iota3A, %add3A_521 : vector<16xi32>
    %swap3A_523 = arith.constant 32 : index
    %swap3A_524 = tpu.vector_load %arg6[%swap3A_523] {strides = array<i32>} : memref<128xi32, #tpu.memory_space<vmem>>, vector<16xi32>,
    %swap3A_525 = vector.shape_cast %swap3A_524 : vector<16xi32> to vector<16xi32>
    %swap3A_526 = vector.shape_cast %add3A_522 : vector<16xi32> to vector<16xi32>
    tpu.vector_store %arg6[%swap3A_523], %swap3A_526 {strides = array<i32>} : memref<128xi32, #tpu.memory_space<vmem>>, vector<16xi32>,
    %add3A_527 = arith.constant 48 : i32
    %add3A_528 = arith.addi %add3A_502, %add3A_527 : i32
    %add3A_529 = vector.broadcast %add3A_528 : i32 to vector<16xi32>
    %add3A_530 = arith.addi %iota3A, %add3A_529 : vector<16xi32>
    %swap3A_531 = arith.constant 48 : index
    %swap3A_532 = tpu.vector_load %arg6[%swap3A_531] {strides = array<i32>} : memref<128xi32, #tpu.memory_space<vmem>>, vector<16xi32>,
    %swap3A_533 = vector.shape_cast %swap3A_532 : vector<16xi32> to vector<16xi32>
    %swap3A_534 = vector.shape_cast %add3A_530 : vector<16xi32> to vector<16xi32>
    tpu.vector_store %arg6[%swap3A_531], %swap3A_534 {strides = array<i32>} : memref<128xi32, #tpu.memory_space<vmem>>, vector<16xi32>,
    %add3A_535 = arith.constant 64 : i32
    %add3A_536 = arith.addi %add3A_502, %add3A_535 : i32
    %add3A_537 = vector.broadcast %add3A_536 : i32 to vector<16xi32>
    %add3A_538 = arith.addi %iota3A, %add3A_537 : vector<16xi32>
    %swap3A_539 = arith.constant 64 : index
    %swap3A_540 = tpu.vector_load %arg6[%swap3A_539] {strides = array<i32>} : memref<128xi32, #tpu.memory_space<vmem>>, vector<16xi32>,
    %swap3A_541 = vector.shape_cast %swap3A_540 : vector<16xi32> to vector<16xi32>
    %swap3A_542 = vector.shape_cast %add3A_538 : vector<16xi32> to vector<16xi32>
    tpu.vector_store %arg6[%swap3A_539], %swap3A_542 {strides = array<i32>} : memref<128xi32, #tpu.memory_space<vmem>>, vector<16xi32>,
    %add3A_543 = arith.constant 80 : i32
    %add3A_544 = arith.addi %add3A_502, %add3A_543 : i32
    %add3A_545 = vector.broadcast %add3A_544 : i32 to vector<16xi32>
    %add3A_546 = arith.addi %iota3A, %add3A_545 : vector<16xi32>
    %swap3A_547 = arith.constant 80 : index
    %swap3A_548 = tpu.vector_load %arg6[%swap3A_547] {strides = array<i32>} : memref<128xi32, #tpu.memory_space<vmem>>, vector<16xi32>,
    %swap3A_549 = vector.shape_cast %swap3A_548 : vector<16xi32> to vector<16xi32>
    %swap3A_550 = vector.shape_cast %add3A_546 : vector<16xi32> to vector<16xi32>
    tpu.vector_store %arg6[%swap3A_547], %swap3A_550 {strides = array<i32>} : memref<128xi32, #tpu.memory_space<vmem>>, vector<16xi32>,
    %add3A_551 = arith.constant 96 : i32
    %add3A_552 = arith.addi %add3A_502, %add3A_551 : i32
    %add3A_553 = vector.broadcast %add3A_552 : i32 to vector<16xi32>
    %add3A_554 = arith.addi %iota3A, %add3A_553 : vector<16xi32>
    %swap3A_555 = arith.constant 96 : index
    %swap3A_556 = tpu.vector_load %arg6[%swap3A_555] {strides = array<i32>} : memref<128xi32, #tpu.memory_space<vmem>>, vector<16xi32>,
    %swap3A_557 = vector.shape_cast %swap3A_556 : vector<16xi32> to vector<16xi32>
    %swap3A_558 = vector.shape_cast %add3A_554 : vector<16xi32> to vector<16xi32>
    tpu.vector_store %arg6[%swap3A_555], %swap3A_558 {strides = array<i32>} : memref<128xi32, #tpu.memory_space<vmem>>, vector<16xi32>,
    %add3A_559 = arith.constant 112 : i32
    %add3A_560 = arith.addi %add3A_502, %add3A_559 : i32
    %add3A_561 = vector.broadcast %add3A_560 : i32 to vector<16xi32>
    %add3A_562 = arith.addi %iota3A, %add3A_561 : vector<16xi32>
    %swap3A_563 = arith.constant 112 : index
    %swap3A_564 = tpu.vector_load %arg6[%swap3A_563] {strides = array<i32>} : memref<128xi32, #tpu.memory_space<vmem>>, vector<16xi32>,
    %swap3A_565 = vector.shape_cast %swap3A_564 : vector<16xi32> to vector<16xi32>
    %swap3A_566 = vector.shape_cast %add3A_562 : vector<16xi32> to vector<16xi32>
    tpu.vector_store %arg6[%swap3A_563], %swap3A_566 {strides = array<i32>} : memref<128xi32, #tpu.memory_space<vmem>>, vector<16xi32>,
    %dma_start3A_567 = arith.constant 0 : i32
    %dma_start3A_568 = arith.constant 0 : i32
    %dma_start3A_569 = tpu.memref_slice %arg10[%dma_start3A_567, %dma_start3A_568] : memref<10240x128xf32, #tpu.memory_space<vmem_shared>> -> memref<10240x128xf32, #tpu.memory_space<vmem_shared>>
    tpu.enqueue_indirect_dma source(%dma_start3A_569 : memref<10240x128xf32, #tpu.memory_space<vmem_shared>>) target(%arg9 : memref<128x128xf32, #tpu.memory_space<vmem>>) offsets(%arg6 : memref<128xi32, #tpu.memory_space<vmem>>) semaphore(%arg11 : memref<!tpu.dma_semaphore, #tpu.memory_space<semaphore_mem>>)
    %dma_wait3A_570 = arith.constant 0 : i32
    %dma_wait3A_571 = arith.constant 0 : i32
    %dma_wait3A_572 = tpu.memref_slice %arg10[%dma_wait3A_570, %dma_wait3A_571] : memref<10240x128xf32, #tpu.memory_space<vmem_shared>> -> memref<10240x128xf32, #tpu.memory_space<vmem_shared>>
    tpu.wait_indirect_dma semaphore(%arg11 : memref<!tpu.dma_semaphore, #tpu.memory_space<semaphore_mem>>) src(%dma_wait3A_572 : memref<10240x128xf32, #tpu.memory_space<vmem_shared>>) dst(%arg9 : memref<128x128xf32, #tpu.memory_space<vmem>>)
    %mul3A_573 = arith.constant 10240 : i32
    %mul3A_574 = arith.muli %arg0, %mul3A_573 : i32
    %add3A_575 = arith.addi %mul3A_574, %add3A_502 : i32
    "tpu.region"() ({
      %run_scoped3A = tpu.sem_alloc : memref<!tpu.dma_semaphore, #tpu.memory_space<semaphore_mem>>
      %dma_start3A_730 = arith.constant 0 : i32
      %dma_start3A_731 = tpu.memref_slice %arg5[%add3A_575, %dma_start3A_730] : memref<20480x128xf32, #tpu.memory_space<hbm>> -> memref<128x128xf32, #tpu.memory_space<hbm>>
      %dma_start3A_732 = arith.constant 0 : i32
      %dma_start3A_733 = tpu.memref_slice %arg5[%add3A_575, %dma_start3A_732] : memref<20480x128xf32, #tpu.memory_space<hbm>> -> memref<128x128xf32, #tpu.memory_space<hbm>>
      tpu.enqueue_dma source(%arg9 : memref<128x128xf32, #tpu.memory_space<vmem>>) target(%dma_start3A_733 : memref<128x128xf32, #tpu.memory_space<hbm>>) target_semaphore(%run_scoped3A : memref<!tpu.dma_semaphore, #tpu.memory_space<semaphore_mem>>)
      %dma_wait3A_734 = arith.constant 0 : i32
      %dma_wait3A_735 = tpu.memref_slice %arg5[%add3A_575, %dma_wait3A_734] : memref<20480x128xf32, #tpu.memory_space<hbm>> -> memref<128x128xf32, #tpu.memory_space<hbm>>
      %dma_wait3A_736 = arith.constant 0 : i32
      %dma_wait3A_737 = tpu.memref_slice %arg5[%add3A_575, %dma_wait3A_736] : memref<20480x128xf32, #tpu.memory_space<hbm>> -> memref<128x128xf32, #tpu.memory_space<hbm>>
      tpu.wait_dma2 semaphore(%run_scoped3A : memref<!tpu.dma_semaphore, #tpu.memory_space<semaphore_mem>>) src(%arg9 : memref<128x128xf32, #tpu.memory_space<vmem>>) dst(%dma_wait3A_737 : memref<128x128xf32, #tpu.memory_space<hbm>>)
      tpu.yield
    }) : () -> ()
    %mul3A_576 = arith.constant 640 : i32
    %mul3A_577 = arith.muli %arg1, %mul3A_576 : i32
    %add3A_578 = arith.constant 384 : i32
    %add3A_579 = arith.addi %mul3A_577, %add3A_578 : i32
    %add3A_580 = arith.constant 0 : i32
    %add3A_581 = arith.addi %add3A_579, %add3A_580 : i32
    %add3A_582 = vector.broadcast %add3A_581 : i32 to vector<16xi32>
    %add3A_583 = arith.addi %iota3A, %add3A_582 : vector<16xi32>
    %swap3A_584 = arith.constant 0 : index
    %swap3A_585 = tpu.vector_load %arg6[%swap3A_584] {strides = array<i32>} : memref<128xi32, #tpu.memory_space<vmem>>, vector<16xi32>,
    %swap3A_586 = vector.shape_cast %swap3A_585 : vector<16xi32> to vector<16xi32>
    %swap3A_587 = vector.shape_cast %add3A_583 : vector<16xi32> to vector<16xi32>
    tpu.vector_store %arg6[%swap3A_584], %swap3A_587 {strides = array<i32>} : memref<128xi32, #tpu.memory_space<vmem>>, vector<16xi32>,
    %add3A_588 = arith.constant 16 : i32
    %add3A_589 = arith.addi %add3A_579, %add3A_588 : i32
    %add3A_590 = vector.broadcast %add3A_589 : i32 to vector<16xi32>
    %add3A_591 = arith.addi %iota3A, %add3A_590 : vector<16xi32>
    %swap3A_592 = arith.constant 16 : index
    %swap3A_593 = tpu.vector_load %arg6[%swap3A_592] {strides = array<i32>} : memref<128xi32, #tpu.memory_space<vmem>>, vector<16xi32>,
    %swap3A_594 = vector.shape_cast %swap3A_593 : vector<16xi32> to vector<16xi32>
    %swap3A_595 = vector.shape_cast %add3A_591 : vector<16xi32> to vector<16xi32>
    tpu.vector_store %arg6[%swap3A_592], %swap3A_595 {strides = array<i32>} : memref<128xi32, #tpu.memory_space<vmem>>, vector<16xi32>,
    %add3A_596 = arith.constant 32 : i32
    %add3A_597 = arith.addi %add3A_579, %add3A_596 : i32
    %add3A_598 = vector.broadcast %add3A_597 : i32 to vector<16xi32>
    %add3A_599 = arith.addi %iota3A, %add3A_598 : vector<16xi32>
    %swap3A_600 = arith.constant 32 : index
    %swap3A_601 = tpu.vector_load %arg6[%swap3A_600] {strides = array<i32>} : memref<128xi32, #tpu.memory_space<vmem>>, vector<16xi32>,
    %swap3A_602 = vector.shape_cast %swap3A_601 : vector<16xi32> to vector<16xi32>
    %swap3A_603 = vector.shape_cast %add3A_599 : vector<16xi32> to vector<16xi32>
    tpu.vector_store %arg6[%swap3A_600], %swap3A_603 {strides = array<i32>} : memref<128xi32, #tpu.memory_space<vmem>>, vector<16xi32>,
    %add3A_604 = arith.constant 48 : i32
    %add3A_605 = arith.addi %add3A_579, %add3A_604 : i32
    %add3A_606 = vector.broadcast %add3A_605 : i32 to vector<16xi32>
    %add3A_607 = arith.addi %iota3A, %add3A_606 : vector<16xi32>
    %swap3A_608 = arith.constant 48 : index
    %swap3A_609 = tpu.vector_load %arg6[%swap3A_608] {strides = array<i32>} : memref<128xi32, #tpu.memory_space<vmem>>, vector<16xi32>,
    %swap3A_610 = vector.shape_cast %swap3A_609 : vector<16xi32> to vector<16xi32>
    %swap3A_611 = vector.shape_cast %add3A_607 : vector<16xi32> to vector<16xi32>
    tpu.vector_store %arg6[%swap3A_608], %swap3A_611 {strides = array<i32>} : memref<128xi32, #tpu.memory_space<vmem>>, vector<16xi32>,
    %add3A_612 = arith.constant 64 : i32
    %add3A_613 = arith.addi %add3A_579, %add3A_612 : i32
    %add3A_614 = vector.broadcast %add3A_613 : i32 to vector<16xi32>
    %add3A_615 = arith.addi %iota3A, %add3A_614 : vector<16xi32>
    %swap3A_616 = arith.constant 64 : index
    %swap3A_617 = tpu.vector_load %arg6[%swap3A_616] {strides = array<i32>} : memref<128xi32, #tpu.memory_space<vmem>>, vector<16xi32>,
    %swap3A_618 = vector.shape_cast %swap3A_617 : vector<16xi32> to vector<16xi32>
    %swap3A_619 = vector.shape_cast %add3A_615 : vector<16xi32> to vector<16xi32>
    tpu.vector_store %arg6[%swap3A_616], %swap3A_619 {strides = array<i32>} : memref<128xi32, #tpu.memory_space<vmem>>, vector<16xi32>,
    %add3A_620 = arith.constant 80 : i32
    %add3A_621 = arith.addi %add3A_579, %add3A_620 : i32
    %add3A_622 = vector.broadcast %add3A_621 : i32 to vector<16xi32>
    %add3A_623 = arith.addi %iota3A, %add3A_622 : vector<16xi32>
    %swap3A_624 = arith.constant 80 : index
    %swap3A_625 = tpu.vector_load %arg6[%swap3A_624] {strides = array<i32>} : memref<128xi32, #tpu.memory_space<vmem>>, vector<16xi32>,
    %swap3A_626 = vector.shape_cast %swap3A_625 : vector<16xi32> to vector<16xi32>
    %swap3A_627 = vector.shape_cast %add3A_623 : vector<16xi32> to vector<16xi32>
    tpu.vector_store %arg6[%swap3A_624], %swap3A_627 {strides = array<i32>} : memref<128xi32, #tpu.memory_space<vmem>>, vector<16xi32>,
    %add3A_628 = arith.constant 96 : i32
    %add3A_629 = arith.addi %add3A_579, %add3A_628 : i32
    %add3A_630 = vector.broadcast %add3A_629 : i32 to vector<16xi32>
    %add3A_631 = arith.addi %iota3A, %add3A_630 : vector<16xi32>
    %swap3A_632 = arith.constant 96 : index
    %swap3A_633 = tpu.vector_load %arg6[%swap3A_632] {strides = array<i32>} : memref<128xi32, #tpu.memory_space<vmem>>, vector<16xi32>,
    %swap3A_634 = vector.shape_cast %swap3A_633 : vector<16xi32> to vector<16xi32>
    %swap3A_635 = vector.shape_cast %add3A_631 : vector<16xi32> to vector<16xi32>
    tpu.vector_store %arg6[%swap3A_632], %swap3A_635 {strides = array<i32>} : memref<128xi32, #tpu.memory_space<vmem>>, vector<16xi32>,
    %add3A_636 = arith.constant 112 : i32
    %add3A_637 = arith.addi %add3A_579, %add3A_636 : i32
    %add3A_638 = vector.broadcast %add3A_637 : i32 to vector<16xi32>
    %add3A_639 = arith.addi %iota3A, %add3A_638 : vector<16xi32>
    %swap3A_640 = arith.constant 112 : index
    %swap3A_641 = tpu.vector_load %arg6[%swap3A_640] {strides = array<i32>} : memref<128xi32, #tpu.memory_space<vmem>>, vector<16xi32>,
    %swap3A_642 = vector.shape_cast %swap3A_641 : vector<16xi32> to vector<16xi32>
    %swap3A_643 = vector.shape_cast %add3A_639 : vector<16xi32> to vector<16xi32>
    tpu.vector_store %arg6[%swap3A_640], %swap3A_643 {strides = array<i32>} : memref<128xi32, #tpu.memory_space<vmem>>, vector<16xi32>,
    %dma_start3A_644 = arith.constant 0 : i32
    %dma_start3A_645 = arith.constant 0 : i32
    %dma_start3A_646 = tpu.memref_slice %arg10[%dma_start3A_644, %dma_start3A_645] : memref<10240x128xf32, #tpu.memory_space<vmem_shared>> -> memref<10240x128xf32, #tpu.memory_space<vmem_shared>>
    tpu.enqueue_indirect_dma source(%dma_start3A_646 : memref<10240x128xf32, #tpu.memory_space<vmem_shared>>) target(%arg9 : memref<128x128xf32, #tpu.memory_space<vmem>>) offsets(%arg6 : memref<128xi32, #tpu.memory_space<vmem>>) semaphore(%arg11 : memref<!tpu.dma_semaphore, #tpu.memory_space<semaphore_mem>>)
    %dma_wait3A_647 = arith.constant 0 : i32
    %dma_wait3A_648 = arith.constant 0 : i32
    %dma_wait3A_649 = tpu.memref_slice %arg10[%dma_wait3A_647, %dma_wait3A_648] : memref<10240x128xf32, #tpu.memory_space<vmem_shared>> -> memref<10240x128xf32, #tpu.memory_space<vmem_shared>>
    tpu.wait_indirect_dma semaphore(%arg11 : memref<!tpu.dma_semaphore, #tpu.memory_space<semaphore_mem>>) src(%dma_wait3A_649 : memref<10240x128xf32, #tpu.memory_space<vmem_shared>>) dst(%arg9 : memref<128x128xf32, #tpu.memory_space<vmem>>)
    %mul3A_650 = arith.constant 10240 : i32
    %mul3A_651 = arith.muli %arg0, %mul3A_650 : i32
    %add3A_652 = arith.addi %mul3A_651, %add3A_579 : i32
    "tpu.region"() ({
      %run_scoped3A = tpu.sem_alloc : memref<!tpu.dma_semaphore, #tpu.memory_space<semaphore_mem>>
      %dma_start3A_730 = arith.constant 0 : i32
      %dma_start3A_731 = tpu.memref_slice %arg5[%add3A_652, %dma_start3A_730] : memref<20480x128xf32, #tpu.memory_space<hbm>> -> memref<128x128xf32, #tpu.memory_space<hbm>>
      %dma_start3A_732 = arith.constant 0 : i32
      %dma_start3A_733 = tpu.memref_slice %arg5[%add3A_652, %dma_start3A_732] : memref<20480x128xf32, #tpu.memory_space<hbm>> -> memref<128x128xf32, #tpu.memory_space<hbm>>
      tpu.enqueue_dma source(%arg9 : memref<128x128xf32, #tpu.memory_space<vmem>>) target(%dma_start3A_733 : memref<128x128xf32, #tpu.memory_space<hbm>>) target_semaphore(%run_scoped3A : memref<!tpu.dma_semaphore, #tpu.memory_space<semaphore_mem>>)
      %dma_wait3A_734 = arith.constant 0 : i32
      %dma_wait3A_735 = tpu.memref_slice %arg5[%add3A_652, %dma_wait3A_734] : memref<20480x128xf32, #tpu.memory_space<hbm>> -> memref<128x128xf32, #tpu.memory_space<hbm>>
      %dma_wait3A_736 = arith.constant 0 : i32
      %dma_wait3A_737 = tpu.memref_slice %arg5[%add3A_652, %dma_wait3A_736] : memref<20480x128xf32, #tpu.memory_space<hbm>> -> memref<128x128xf32, #tpu.memory_space<hbm>>
      tpu.wait_dma2 semaphore(%run_scoped3A : memref<!tpu.dma_semaphore, #tpu.memory_space<semaphore_mem>>) src(%arg9 : memref<128x128xf32, #tpu.memory_space<vmem>>) dst(%dma_wait3A_737 : memref<128x128xf32, #tpu.memory_space<hbm>>)
      tpu.yield
    }) : () -> ()
    %mul3A_653 = arith.constant 640 : i32
    %mul3A_654 = arith.muli %arg1, %mul3A_653 : i32
    %add3A_655 = arith.constant 512 : i32
    %add3A_656 = arith.addi %mul3A_654, %add3A_655 : i32
    %add3A_657 = arith.constant 0 : i32
    %add3A_658 = arith.addi %add3A_656, %add3A_657 : i32
    %add3A_659 = vector.broadcast %add3A_658 : i32 to vector<16xi32>
    %add3A_660 = arith.addi %iota3A, %add3A_659 : vector<16xi32>
    %swap3A_661 = arith.constant 0 : index
    %swap3A_662 = tpu.vector_load %arg6[%swap3A_661] {strides = array<i32>} : memref<128xi32, #tpu.memory_space<vmem>>, vector<16xi32>,
    %swap3A_663 = vector.shape_cast %swap3A_662 : vector<16xi32> to vector<16xi32>
    %swap3A_664 = vector.shape_cast %add3A_660 : vector<16xi32> to vector<16xi32>
    tpu.vector_store %arg6[%swap3A_661], %swap3A_664 {strides = array<i32>} : memref<128xi32, #tpu.memory_space<vmem>>, vector<16xi32>,
    %add3A_665 = arith.constant 16 : i32
    %add3A_666 = arith.addi %add3A_656, %add3A_665 : i32
    %add3A_667 = vector.broadcast %add3A_666 : i32 to vector<16xi32>
    %add3A_668 = arith.addi %iota3A, %add3A_667 : vector<16xi32>
    %swap3A_669 = arith.constant 16 : index
    %swap3A_670 = tpu.vector_load %arg6[%swap3A_669] {strides = array<i32>} : memref<128xi32, #tpu.memory_space<vmem>>, vector<16xi32>,
    %swap3A_671 = vector.shape_cast %swap3A_670 : vector<16xi32> to vector<16xi32>
    %swap3A_672 = vector.shape_cast %add3A_668 : vector<16xi32> to vector<16xi32>
    tpu.vector_store %arg6[%swap3A_669], %swap3A_672 {strides = array<i32>} : memref<128xi32, #tpu.memory_space<vmem>>, vector<16xi32>,
    %add3A_673 = arith.constant 32 : i32
    %add3A_674 = arith.addi %add3A_656, %add3A_673 : i32
    %add3A_675 = vector.broadcast %add3A_674 : i32 to vector<16xi32>
    %add3A_676 = arith.addi %iota3A, %add3A_675 : vector<16xi32>
    %swap3A_677 = arith.constant 32 : index
    %swap3A_678 = tpu.vector_load %arg6[%swap3A_677] {strides = array<i32>} : memref<128xi32, #tpu.memory_space<vmem>>, vector<16xi32>,
    %swap3A_679 = vector.shape_cast %swap3A_678 : vector<16xi32> to vector<16xi32>
    %swap3A_680 = vector.shape_cast %add3A_676 : vector<16xi32> to vector<16xi32>
    tpu.vector_store %arg6[%swap3A_677], %swap3A_680 {strides = array<i32>} : memref<128xi32, #tpu.memory_space<vmem>>, vector<16xi32>,
    %add3A_681 = arith.constant 48 : i32
    %add3A_682 = arith.addi %add3A_656, %add3A_681 : i32
    %add3A_683 = vector.broadcast %add3A_682 : i32 to vector<16xi32>
    %add3A_684 = arith.addi %iota3A, %add3A_683 : vector<16xi32>
    %swap3A_685 = arith.constant 48 : index
    %swap3A_686 = tpu.vector_load %arg6[%swap3A_685] {strides = array<i32>} : memref<128xi32, #tpu.memory_space<vmem>>, vector<16xi32>,
    %swap3A_687 = vector.shape_cast %swap3A_686 : vector<16xi32> to vector<16xi32>
    %swap3A_688 = vector.shape_cast %add3A_684 : vector<16xi32> to vector<16xi32>
    tpu.vector_store %arg6[%swap3A_685], %swap3A_688 {strides = array<i32>} : memref<128xi32, #tpu.memory_space<vmem>>, vector<16xi32>,
    %add3A_689 = arith.constant 64 : i32
    %add3A_690 = arith.addi %add3A_656, %add3A_689 : i32
    %add3A_691 = vector.broadcast %add3A_690 : i32 to vector<16xi32>
    %add3A_692 = arith.addi %iota3A, %add3A_691 : vector<16xi32>
    %swap3A_693 = arith.constant 64 : index
    %swap3A_694 = tpu.vector_load %arg6[%swap3A_693] {strides = array<i32>} : memref<128xi32, #tpu.memory_space<vmem>>, vector<16xi32>,
    %swap3A_695 = vector.shape_cast %swap3A_694 : vector<16xi32> to vector<16xi32>
    %swap3A_696 = vector.shape_cast %add3A_692 : vector<16xi32> to vector<16xi32>
    tpu.vector_store %arg6[%swap3A_693], %swap3A_696 {strides = array<i32>} : memref<128xi32, #tpu.memory_space<vmem>>, vector<16xi32>,
    %add3A_697 = arith.constant 80 : i32
    %add3A_698 = arith.addi %add3A_656, %add3A_697 : i32
    %add3A_699 = vector.broadcast %add3A_698 : i32 to vector<16xi32>
    %add3A_700 = arith.addi %iota3A, %add3A_699 : vector<16xi32>
    %swap3A_701 = arith.constant 80 : index
    %swap3A_702 = tpu.vector_load %arg6[%swap3A_701] {strides = array<i32>} : memref<128xi32, #tpu.memory_space<vmem>>, vector<16xi32>,
    %swap3A_703 = vector.shape_cast %swap3A_702 : vector<16xi32> to vector<16xi32>
    %swap3A_704 = vector.shape_cast %add3A_700 : vector<16xi32> to vector<16xi32>
    tpu.vector_store %arg6[%swap3A_701], %swap3A_704 {strides = array<i32>} : memref<128xi32, #tpu.memory_space<vmem>>, vector<16xi32>,
    %add3A_705 = arith.constant 96 : i32
    %add3A_706 = arith.addi %add3A_656, %add3A_705 : i32
    %add3A_707 = vector.broadcast %add3A_706 : i32 to vector<16xi32>
    %add3A_708 = arith.addi %iota3A, %add3A_707 : vector<16xi32>
    %swap3A_709 = arith.constant 96 : index
    %swap3A_710 = tpu.vector_load %arg6[%swap3A_709] {strides = array<i32>} : memref<128xi32, #tpu.memory_space<vmem>>, vector<16xi32>,
    %swap3A_711 = vector.shape_cast %swap3A_710 : vector<16xi32> to vector<16xi32>
    %swap3A_712 = vector.shape_cast %add3A_708 : vector<16xi32> to vector<16xi32>
    tpu.vector_store %arg6[%swap3A_709], %swap3A_712 {strides = array<i32>} : memref<128xi32, #tpu.memory_space<vmem>>, vector<16xi32>,
    %add3A_713 = arith.constant 112 : i32
    %add3A_714 = arith.addi %add3A_656, %add3A_713 : i32
    %add3A_715 = vector.broadcast %add3A_714 : i32 to vector<16xi32>
    %add3A_716 = arith.addi %iota3A, %add3A_715 : vector<16xi32>
    %swap3A_717 = arith.constant 112 : index
    %swap3A_718 = tpu.vector_load %arg6[%swap3A_717] {strides = array<i32>} : memref<128xi32, #tpu.memory_space<vmem>>, vector<16xi32>,
    %swap3A_719 = vector.shape_cast %swap3A_718 : vector<16xi32> to vector<16xi32>
    %swap3A_720 = vector.shape_cast %add3A_716 : vector<16xi32> to vector<16xi32>
    tpu.vector_store %arg6[%swap3A_717], %swap3A_720 {strides = array<i32>} : memref<128xi32, #tpu.memory_space<vmem>>, vector<16xi32>,
    %dma_start3A_721 = arith.constant 0 : i32
    %dma_start3A_722 = arith.constant 0 : i32
    %dma_start3A_723 = tpu.memref_slice %arg10[%dma_start3A_721, %dma_start3A_722] : memref<10240x128xf32, #tpu.memory_space<vmem_shared>> -> memref<10240x128xf32, #tpu.memory_space<vmem_shared>>
    tpu.enqueue_indirect_dma source(%dma_start3A_723 : memref<10240x128xf32, #tpu.memory_space<vmem_shared>>) target(%arg9 : memref<128x128xf32, #tpu.memory_space<vmem>>) offsets(%arg6 : memref<128xi32, #tpu.memory_space<vmem>>) semaphore(%arg11 : memref<!tpu.dma_semaphore, #tpu.memory_space<semaphore_mem>>)
    %dma_wait3A_724 = arith.constant 0 : i32
    %dma_wait3A_725 = arith.constant 0 : i32
    %dma_wait3A_726 = tpu.memref_slice %arg10[%dma_wait3A_724, %dma_wait3A_725] : memref<10240x128xf32, #tpu.memory_space<vmem_shared>> -> memref<10240x128xf32, #tpu.memory_space<vmem_shared>>
    tpu.wait_indirect_dma semaphore(%arg11 : memref<!tpu.dma_semaphore, #tpu.memory_space<semaphore_mem>>) src(%dma_wait3A_726 : memref<10240x128xf32, #tpu.memory_space<vmem_shared>>) dst(%arg9 : memref<128x128xf32, #tpu.memory_space<vmem>>)
    %mul3A_727 = arith.constant 10240 : i32
    %mul3A_728 = arith.muli %arg0, %mul3A_727 : i32
    %add3A_729 = arith.addi %mul3A_728, %add3A_656 : i32
    "tpu.region"() ({
      %run_scoped3A = tpu.sem_alloc : memref<!tpu.dma_semaphore, #tpu.memory_space<semaphore_mem>>
      %dma_start3A_730 = arith.constant 0 : i32
      %dma_start3A_731 = tpu.memref_slice %arg5[%add3A_729, %dma_start3A_730] : memref<20480x128xf32, #tpu.memory_space<hbm>> -> memref<128x128xf32, #tpu.memory_space<hbm>>
      %dma_start3A_732 = arith.constant 0 : i32
      %dma_start3A_733 = tpu.memref_slice %arg5[%add3A_729, %dma_start3A_732] : memref<20480x128xf32, #tpu.memory_space<hbm>> -> memref<128x128xf32, #tpu.memory_space<hbm>>
      tpu.enqueue_dma source(%arg9 : memref<128x128xf32, #tpu.memory_space<vmem>>) target(%dma_start3A_733 : memref<128x128xf32, #tpu.memory_space<hbm>>) target_semaphore(%run_scoped3A : memref<!tpu.dma_semaphore, #tpu.memory_space<semaphore_mem>>)
      %dma_wait3A_734 = arith.constant 0 : i32
      %dma_wait3A_735 = tpu.memref_slice %arg5[%add3A_729, %dma_wait3A_734] : memref<20480x128xf32, #tpu.memory_space<hbm>> -> memref<128x128xf32, #tpu.memory_space<hbm>>
      %dma_wait3A_736 = arith.constant 0 : i32
      %dma_wait3A_737 = tpu.memref_slice %arg5[%add3A_729, %dma_wait3A_736] : memref<20480x128xf32, #tpu.memory_space<hbm>> -> memref<128x128xf32, #tpu.memory_space<hbm>>
      tpu.wait_dma2 semaphore(%run_scoped3A : memref<!tpu.dma_semaphore, #tpu.memory_space<semaphore_mem>>) src(%arg9 : memref<128x128xf32, #tpu.memory_space<vmem>>) dst(%dma_wait3A_737 : memref<128x128xf32, #tpu.memory_space<hbm>>)
      tpu.yield
    }) : () -> ()
    return
  }
}

module attributes {stable_mosaic.version = 14 : i64} {
  func.func @_hist_body(%arg0: i32, %arg1: memref<6400x1xi32, #tpu.memory_space<vmem>>, %arg2: memref<80x128xf32, #tpu.memory_space<vmem>>) attributes {dimension_semantics = [#tpu.dimension_semantics<arbitrary>], iteration_bounds = array<i64: 50>, scalar_prefetch = 0 : i64, scratch_operands = 0 : i64, tpu.core_type = #tpu.core_type<tc>, window_params = [{transform_indices = @transform_0, window_bounds = array<i64: 6400, 1>}, {pipeline_mode = #tpu.pipeline_mode<synchronous>, transform_indices = @transform_1, window_bounds = array<i64: 80, 128>}]} {
    %eq3A = arith.constant 0 : i32
    %eq3A_0 = arith.cmpi eq, %arg0, %eq3A : i32
    %convert_element_type3A = arith.extui %eq3A_0 : i1 to i32
    %cond3A = arith.constant 0 : i32
    %cond3A_1 = arith.cmpi ne, %convert_element_type3A, %cond3A : i32
    scf.if %cond3A_1 {
      %broadcast_in_dim3A = arith.constant 0.000000e+00 : f32
      %broadcast_in_dim3A_49 = vector.broadcast %broadcast_in_dim3A : f32 to vector<80x128xf32>
      %swap3A_50 = arith.constant 0 : index
      %swap3A_51 = arith.constant 0 : index
      %swap3A_52 = vector.load %arg2[%swap3A_50, %swap3A_51] : memref<80x128xf32, #tpu.memory_space<vmem>>, vector<80x128xf32>
      tpu.vector_store %arg2[%swap3A_50, %swap3A_51], %broadcast_in_dim3A_49 {strides = array<i32>} : memref<80x128xf32, #tpu.memory_space<vmem>>, vector<80x128xf32>,
    } else {
    }
    %get3A = arith.constant 0 : index
    %get3A_2 = arith.constant 0 : index
    %get3A_3 = vector.load %arg1[%get3A, %get3A_2] : memref<6400x1xi32, #tpu.memory_space<vmem>>, vector<6400x1xi32>
    %jit3A = arith.constant 128 : i32
    %div3A = vector.broadcast %jit3A : i32 to vector<6400x1xi32>
    %div3A_4 = arith.divsi %get3A_3, %div3A : vector<6400x1xi32>
    %sign3A = arith.constant 0 : i32
    %sign3A_5 = vector.broadcast %sign3A : i32 to vector<6400x1xi32>
    %sign3A_6 = arith.cmpi sgt, %get3A_3, %sign3A_5 : vector<6400x1xi32>
    %sign3A_7 = arith.extui %sign3A_6 : vector<6400x1xi1> to vector<6400x1xi32>
    %sign3A_8 = arith.constant 0 : i32
    %sign3A_9 = vector.broadcast %sign3A_8 : i32 to vector<6400x1xi32>
    %sign3A_10 = arith.cmpi slt, %get3A_3, %sign3A_9 : vector<6400x1xi32>
    %sign3A_11 = arith.extui %sign3A_10 : vector<6400x1xi1> to vector<6400x1xi32>
    %sign3A_12 = arith.subi %sign3A_7, %sign3A_11 : vector<6400x1xi32>
    %sign3A_13 = arith.constant 0 : i32
    %sign3A_14 = arith.cmpi sgt, %jit3A, %sign3A_13 : i32
    %sign3A_15 = arith.extui %sign3A_14 : i1 to i32
    %sign3A_16 = arith.constant 0 : i32
    %sign3A_17 = arith.cmpi slt, %jit3A, %sign3A_16 : i32
    %sign3A_18 = arith.extui %sign3A_17 : i1 to i32
    %sign3A_19 = arith.subi %sign3A_15, %sign3A_18 : i32
    %ne3A = vector.broadcast %sign3A_19 : i32 to vector<6400x1xi32>
    %ne3A_20 = arith.cmpi ne, %sign3A_12, %ne3A : vector<6400x1xi32>
    %rem3A = vector.broadcast %jit3A : i32 to vector<6400x1xi32>
    %rem3A_21 = arith.remsi %get3A_3, %rem3A : vector<6400x1xi32>
    %ne3A_22 = arith.constant 0 : i32
    %ne3A_23 = vector.broadcast %ne3A_22 : i32 to vector<6400x1xi32>
    %ne3A_24 = arith.cmpi ne, %rem3A_21, %ne3A_23 : vector<6400x1xi32>
    %and3A = arith.andi %ne3A_20, %ne3A_24 : vector<6400x1xi1>
    %sub3A = arith.constant 1 : i32
    %sub3A_25 = vector.broadcast %sub3A : i32 to vector<6400x1xi32>
    %sub3A_26 = arith.subi %div3A_4, %sub3A_25 : vector<6400x1xi32>
    %select_n3A = arith.select %and3A, %sub3A_26, %div3A_4 : vector<6400x1xi1>, vector<6400x1xi32>
    %mul3A = arith.constant 128 : i32
    %mul3A_27 = vector.broadcast %mul3A : i32 to vector<6400x1xi32>
    %mul3A_28 = arith.muli %select_n3A, %mul3A_27 : vector<6400x1xi32>
    %sub3A_29 = arith.subi %get3A_3, %mul3A_28 : vector<6400x1xi32>
    %iota3A = tpu.iota {dimensions = array<i32: 1>} : vector<1x80xi32>
    %eq3A_30 = vector.broadcast %select_n3A : vector<6400x1xi32> to vector<6400x80xi32>
    %eq3A_31 = vector.broadcast %iota3A : vector<1x80xi32> to vector<6400x80xi32>
    %eq3A_32 = arith.cmpi eq, %eq3A_30, %eq3A_31 : vector<6400x80xi32>
    %convert_element_type3A_33 = arith.extui %eq3A_32 : vector<6400x80xi1> to vector<6400x80xi32>
    %convert_element_type3A_34 = arith.sitofp %convert_element_type3A_33 : vector<6400x80xi32> to vector<6400x80xf32>
    %convert_element_type3A_35 = arith.truncf %convert_element_type3A_34 : vector<6400x80xf32> to vector<6400x80xbf16>
    %iota3A_36 = tpu.iota {dimensions = array<i32: 1>} : vector<1x128xi32>
    %eq3A_37 = vector.broadcast %sub3A_29 : vector<6400x1xi32> to vector<6400x128xi32>
    %eq3A_38 = vector.broadcast %iota3A_36 : vector<1x128xi32> to vector<6400x128xi32>
    %eq3A_39 = arith.cmpi eq, %eq3A_37, %eq3A_38 : vector<6400x128xi32>
    %convert_element_type3A_40 = arith.extui %eq3A_39 : vector<6400x128xi1> to vector<6400x128xi32>
    %convert_element_type3A_41 = arith.sitofp %convert_element_type3A_40 : vector<6400x128xi32> to vector<6400x128xf32>
    %convert_element_type3A_42 = arith.truncf %convert_element_type3A_41 : vector<6400x128xf32> to vector<6400x128xbf16>
    %get3A_43 = arith.constant 0 : index
    %get3A_44 = arith.constant 0 : index
    %get3A_45 = vector.load %arg2[%get3A_43, %get3A_44] : memref<80x128xf32, #tpu.memory_space<vmem>>, vector<80x128xf32>
    %dot_general3A = arith.constant dense<0.000000e+00> : vector<80x128xf32>
    %dot_general3A_46 = tpu.matmul %convert_element_type3A_35, %convert_element_type3A_42, %dot_general3A {dimension_numbers = #tpu.dot_dimension_numbers<[0], [0], [1], [1], [0, 1, 1, 1], [], []>, transpose_lhs_hint = false} : vector<6400x80xbf16>, vector<6400x128xbf16>, vector<80x128xf32> -> vector<80x128xf32>
    %add3A = arith.addf %get3A_45, %dot_general3A_46 : vector<80x128xf32>
    %swap3A = arith.constant 0 : index
    %swap3A_47 = arith.constant 0 : index
    %swap3A_48 = vector.load %arg2[%swap3A, %swap3A_47] : memref<80x128xf32, #tpu.memory_space<vmem>>, vector<80x128xf32>
    tpu.vector_store %arg2[%swap3A, %swap3A_47], %add3A {strides = array<i32>} : memref<80x128xf32, #tpu.memory_space<vmem>>, vector<80x128xf32>,
    return
  }
  func.func @transform_0(%arg0: i32) -> (i32, i32) {
    %c0_i32 = arith.constant 0 : i32
    %c0_i32_0 = arith.constant 0 : i32
    return %arg0, %c0_i32 : i32, i32
  }
  func.func @transform_1(%arg0: i32) -> (i32, i32) {
    %c0_i32 = arith.constant 0 : i32
    %c0_i32_0 = arith.constant 0 : i32
    %c0_i32_1 = arith.constant 0 : i32
    return %c0_i32, %c0_i32_0 : i32, i32
  }
}

module attributes {stable_mosaic.version = 14 : i64} {
  func.func @_k2_body(%arg0: i32, %arg1: memref<1024x128xf32, #tpu.memory_space<vmem>>, %arg2: memref<128x128xf32, #tpu.memory_space<vmem>>, %arg3: memref<1024x1xf32, #tpu.memory_space<vmem>>, %arg4: memref<1024x128xf32, #tpu.memory_space<vmem>>, %arg5: memref<1024x1xf32, #tpu.memory_space<vmem>>) attributes {dimension_semantics = [#tpu.dimension_semantics<arbitrary>], iteration_bounds = array<i64: 10>, scalar_prefetch = 0 : i64, scratch_operands = 0 : i64, tpu.core_type = #tpu.core_type<tc>, window_params = [{transform_indices = @transform_0, window_bounds = array<i64: 1024, 128>}, {pipeline_mode = #tpu.pipeline_mode<synchronous>, transform_indices = @transform_1, window_bounds = array<i64: 128, 128>}, {transform_indices = @transform_2, window_bounds = array<i64: 1024, 1>}, {transform_indices = @transform_3, window_bounds = array<i64: 1024, 128>}, {transform_indices = @transform_4, window_bounds = array<i64: 1024, 1>}]} {
    %get3A = arith.constant 0 : index
    %get3A_0 = arith.constant 0 : index
    %get3A_1 = vector.load %arg1[%get3A, %get3A_0] : memref<1024x128xf32, #tpu.memory_space<vmem>>, vector<1024x128xf32>
    %get3A_2 = arith.constant 0 : index
    %get3A_3 = arith.constant 0 : index
    %get3A_4 = vector.load %arg2[%get3A_2, %get3A_3] : memref<128x128xf32, #tpu.memory_space<vmem>>, vector<128x128xf32>
    %dot_general3A = arith.constant dense<0.000000e+00> : vector<1024x128xf32>
    %dot_general3A_5 = tpu.matmul %get3A_1, %get3A_4, %dot_general3A {dimension_numbers = #tpu.dot_dimension_numbers<[1], [0], [0], [1], [0, 0, 1, 1], [], []>, transpose_lhs_hint = false} : vector<1024x128xf32>, vector<128x128xf32>, vector<1024x128xf32> -> vector<1024x128xf32>
    %get3A_6 = arith.constant 0 : index
    %get3A_7 = arith.constant 0 : index
    %get3A_8 = vector.load %arg3[%get3A_6, %get3A_7] : memref<1024x1xf32, #tpu.memory_space<vmem>>, vector<1024x1xf32>
    %add3A = arith.constant 1.000000e+00 : f32
    %add3A_9 = vector.broadcast %add3A : f32 to vector<1024x1xf32>
    %add3A_10 = arith.addf %get3A_8, %add3A_9 : vector<1024x1xf32>
    %rsqrt3A = math.rsqrt %add3A_10 : vector<1024x1xf32>
    %mul3A = vector.broadcast %rsqrt3A : vector<1024x1xf32> to vector<1024x128xf32>
    %mul3A_11 = arith.mulf %dot_general3A_5, %mul3A : vector<1024x128xf32>
    %swap3A = arith.constant 0 : index
    %swap3A_12 = arith.constant 0 : index
    %swap3A_13 = vector.load %arg4[%swap3A, %swap3A_12] : memref<1024x128xf32, #tpu.memory_space<vmem>>, vector<1024x128xf32>
    tpu.vector_store %arg4[%swap3A, %swap3A_12], %mul3A_11 {strides = array<i32>} : memref<1024x128xf32, #tpu.memory_space<vmem>>, vector<1024x128xf32>,
    %swap3A_14 = arith.constant 0 : index
    %swap3A_15 = arith.constant 0 : index
    %swap3A_16 = vector.load %arg5[%swap3A_14, %swap3A_15] : memref<1024x1xf32, #tpu.memory_space<vmem>>, vector<1024x1xf32>
    tpu.vector_store %arg5[%swap3A_14, %swap3A_15], %rsqrt3A {strides = array<i32>} : memref<1024x1xf32, #tpu.memory_space<vmem>>, vector<1024x1xf32>,
    return
  }
  func.func @transform_0(%arg0: i32) -> (i32, i32) {
    %c0_i32 = arith.constant 0 : i32
    %c0_i32_0 = arith.constant 0 : i32
    return %arg0, %c0_i32 : i32, i32
  }
  func.func @transform_1(%arg0: i32) -> (i32, i32) {
    %c0_i32 = arith.constant 0 : i32
    %c0_i32_0 = arith.constant 0 : i32
    %c0_i32_1 = arith.constant 0 : i32
    return %c0_i32, %c0_i32_0 : i32, i32
  }
  func.func @transform_2(%arg0: i32) -> (i32, i32) {
    %c0_i32 = arith.constant 0 : i32
    %c0_i32_0 = arith.constant 0 : i32
    return %arg0, %c0_i32 : i32, i32
  }
  func.func @transform_3(%arg0: i32) -> (i32, i32) {
    %c0_i32 = arith.constant 0 : i32
    %c0_i32_0 = arith.constant 0 : i32
    return %arg0, %c0_i32 : i32, i32
  }
  func.func @transform_4(%arg0: i32) -> (i32, i32) {
    %c0_i32 = arith.constant 0 : i32
    %c0_i32_0 = arith.constant 0 : i32
    return %arg0, %c0_i32 : i32, i32
  }
}

module attributes {stable_mosaic.version = 14 : i64} {
  func.func @_k4_body(%arg0: i32, %arg1: memref<2x1024x128xf32, #tpu.memory_space<vmem>>, %arg2: memref<1024x128xf32, #tpu.memory_space<vmem>>, %arg3: memref<1024x1xf32, #tpu.memory_space<vmem>>, %arg4: memref<1x128xf32, #tpu.memory_space<vmem>>, %arg5: memref<128x128xf32, #tpu.memory_space<vmem>>, %arg6: memref<1024x128xf32, #tpu.memory_space<vmem>>) attributes {dimension_semantics = [#tpu.dimension_semantics<arbitrary>], iteration_bounds = array<i64: 10>, scalar_prefetch = 0 : i64, scratch_operands = 0 : i64, tpu.core_type = #tpu.core_type<tc>, window_params = [{transform_indices = @transform_0, window_bounds = array<i64: 2, 1024, 128>}, {transform_indices = @transform_1, window_bounds = array<i64: 1024, 128>}, {transform_indices = @transform_2, window_bounds = array<i64: 1024, 1>}, {pipeline_mode = #tpu.pipeline_mode<synchronous>, transform_indices = @transform_3, window_bounds = array<i64: 1, 128>}, {pipeline_mode = #tpu.pipeline_mode<synchronous>, transform_indices = @transform_4, window_bounds = array<i64: 128, 128>}, {transform_indices = @transform_5, window_bounds = array<i64: 1024, 128>}]} {
    %get3A = arith.constant 0 : index
    %get3A_0 = arith.constant 0 : index
    %get3A_1 = arith.constant 0 : index
    %get3A_2 = vector.load %arg1[%get3A, %get3A_0, %get3A_1] : memref<2x1024x128xf32, #tpu.memory_space<vmem>>, vector<1x1024x128xf32>
    %get3A_3 = vector.shape_cast %get3A_2 : vector<1x1024x128xf32> to vector<1024x128xf32>
    %get3A_4 = arith.constant 1 : index
    %get3A_5 = arith.constant 0 : index
    %get3A_6 = arith.constant 0 : index
    %get3A_7 = vector.load %arg1[%get3A_4, %get3A_5, %get3A_6] : memref<2x1024x128xf32, #tpu.memory_space<vmem>>, vector<1x1024x128xf32>
    %get3A_8 = vector.shape_cast %get3A_7 : vector<1x1024x128xf32> to vector<1024x128xf32>
    %add3A = arith.addf %get3A_3, %get3A_8 : vector<1024x128xf32>
    %get3A_9 = arith.constant 0 : index
    %get3A_10 = arith.constant 0 : index
    %get3A_11 = vector.load %arg3[%get3A_9, %get3A_10] : memref<1024x1xf32, #tpu.memory_space<vmem>>, vector<1024x1xf32>
    %get3A_12 = arith.constant 0 : index
    %get3A_13 = arith.constant 0 : index
    %get3A_14 = vector.load %arg2[%get3A_12, %get3A_13] : memref<1024x128xf32, #tpu.memory_space<vmem>>, vector<1024x128xf32>
    %sub3A = arith.subf %add3A, %get3A_14 : vector<1024x128xf32>
    %mul3A = vector.broadcast %get3A_11 : vector<1024x1xf32> to vector<1024x128xf32>
    %mul3A_15 = arith.mulf %mul3A, %sub3A : vector<1024x128xf32>
    %get3A_16 = arith.constant 0 : index
    %get3A_17 = arith.constant 0 : index
    %get3A_18 = vector.load %arg4[%get3A_16, %get3A_17] : memref<1x128xf32, #tpu.memory_space<vmem>>, vector<1x128xf32>
    %add3A_19 = vector.broadcast %get3A_18 : vector<1x128xf32> to vector<1024x128xf32>
    %add3A_20 = arith.addf %mul3A_15, %add3A_19 : vector<1024x128xf32>
    %max3A = arith.constant 0.000000e+00 : f32
    %max3A_21 = vector.broadcast %max3A : f32 to vector<1024x128xf32>
    %max3A_22 = arith.maximumf %add3A_20, %max3A_21 : vector<1024x128xf32>
    %get3A_23 = arith.constant 0 : index
    %get3A_24 = arith.constant 0 : index
    %get3A_25 = vector.load %arg5[%get3A_23, %get3A_24] : memref<128x128xf32, #tpu.memory_space<vmem>>, vector<128x128xf32>
    %dot_general3A = arith.constant dense<0.000000e+00> : vector<1024x128xf32>
    %dot_general3A_26 = tpu.matmul %max3A_22, %get3A_25, %dot_general3A {dimension_numbers = #tpu.dot_dimension_numbers<[1], [0], [0], [1], [0, 0, 1, 1], [], []>, transpose_lhs_hint = false} : vector<1024x128xf32>, vector<128x128xf32>, vector<1024x128xf32> -> vector<1024x128xf32>
    %mul3A_27 = vector.broadcast %get3A_11 : vector<1024x1xf32> to vector<1024x128xf32>
    %mul3A_28 = arith.mulf %dot_general3A_26, %mul3A_27 : vector<1024x128xf32>
    %swap3A = arith.constant 0 : index
    %swap3A_29 = arith.constant 0 : index
    %swap3A_30 = vector.load %arg6[%swap3A, %swap3A_29] : memref<1024x128xf32, #tpu.memory_space<vmem>>, vector<1024x128xf32>
    tpu.vector_store %arg6[%swap3A, %swap3A_29], %mul3A_28 {strides = array<i32>} : memref<1024x128xf32, #tpu.memory_space<vmem>>, vector<1024x128xf32>,
    return
  }
  func.func @transform_0(%arg0: i32) -> (i32, i32, i32) {
    %c0_i32 = arith.constant 0 : i32
    %c0_i32_0 = arith.constant 0 : i32
    %c0_i32_1 = arith.constant 0 : i32
    return %c0_i32, %arg0, %c0_i32_0 : i32, i32, i32
  }
  func.func @transform_1(%arg0: i32) -> (i32, i32) {
    %c0_i32 = arith.constant 0 : i32
    %c0_i32_0 = arith.constant 0 : i32
    return %arg0, %c0_i32 : i32, i32
  }
  func.func @transform_2(%arg0: i32) -> (i32, i32) {
    %c0_i32 = arith.constant 0 : i32
    %c0_i32_0 = arith.constant 0 : i32
    return %arg0, %c0_i32 : i32, i32
  }
  func.func @transform_3(%arg0: i32) -> (i32, i32) {
    %c0_i32 = arith.constant 0 : i32
    %c0_i32_0 = arith.constant 0 : i32
    %c0_i32_1 = arith.constant 0 : i32
    return %c0_i32, %c0_i32_0 : i32, i32
  }
  func.func @transform_4(%arg0: i32) -> (i32, i32) {
    %c0_i32 = arith.constant 0 : i32
    %c0_i32_0 = arith.constant 0 : i32
    %c0_i32_1 = arith.constant 0 : i32
    return %c0_i32, %c0_i32_0 : i32, i32
  }
  func.func @transform_5(%arg0: i32) -> (i32, i32) {
    %c0_i32 = arith.constant 0 : i32
    %c0_i32_0 = arith.constant 0 : i32
    return %arg0, %c0_i32 : i32, i32
  }
}

module attributes {stable_mosaic.version = 14 : i64} {
  func.func @_k6_body(%arg0: i32, %arg1: memref<2x1024x128xf32, #tpu.memory_space<vmem>>, %arg2: memref<1024x128xf32, #tpu.memory_space<vmem>>, %arg3: memref<1024x1xf32, #tpu.memory_space<vmem>>, %arg4: memref<1x128xf32, #tpu.memory_space<vmem>>, %arg5: memref<128x8xf32, #tpu.memory_space<vmem>>, %arg6: memref<1x8xf32, #tpu.memory_space<vmem>>, %arg7: memref<1024x1xi32, #tpu.memory_space<vmem>>, %arg8: memref<64x8xf32, #tpu.memory_space<vmem>>, %arg9: memref<64x8xf32, #tpu.memory_space<vmem>>, %arg10: memref<64x1xf32, #tpu.memory_space<vmem>>) attributes {dimension_semantics = [#tpu.dimension_semantics<arbitrary>], iteration_bounds = array<i64: 10>, scalar_prefetch = 0 : i64, scratch_operands = 2 : i64, tpu.core_type = #tpu.core_type<tc>, window_params = [{transform_indices = @transform_0, window_bounds = array<i64: 2, 1024, 128>}, {transform_indices = @transform_1, window_bounds = array<i64: 1024, 128>}, {transform_indices = @transform_2, window_bounds = array<i64: 1024, 1>}, {pipeline_mode = #tpu.pipeline_mode<synchronous>, transform_indices = @transform_3, window_bounds = array<i64: 1, 128>}, {pipeline_mode = #tpu.pipeline_mode<synchronous>, transform_indices = @transform_4, window_bounds = array<i64: 128, 8>}, {pipeline_mode = #tpu.pipeline_mode<synchronous>, transform_indices = @transform_5, window_bounds = array<i64: 1, 8>}, {transform_indices = @transform_6, window_bounds = array<i64: 1024, 1>}, {pipeline_mode = #tpu.pipeline_mode<synchronous>, transform_indices = @transform_7, window_bounds = array<i64: 64, 8>}]} {
    %eq3A = arith.constant 0 : i32
    %eq3A_0 = arith.cmpi eq, %arg0, %eq3A : i32
    %convert_element_type3A = arith.extui %eq3A_0 : i1 to i32
    %cond3A = arith.constant 0 : i32
    %cond3A_1 = arith.cmpi ne, %convert_element_type3A, %cond3A : i32
    scf.if %cond3A_1 {
      %broadcast_in_dim3A_61 = arith.constant 0.000000e+00 : f32
      %broadcast_in_dim3A_62 = vector.broadcast %broadcast_in_dim3A_61 : f32 to vector<64x8xf32>
      %swap3A_63 = arith.constant 0 : index
      %swap3A_64 = arith.constant 0 : index
      %swap3A_65 = vector.load %arg9[%swap3A_63, %swap3A_64] : memref<64x8xf32, #tpu.memory_space<vmem>>, vector<64x8xf32>
      tpu.vector_store %arg9[%swap3A_63, %swap3A_64], %broadcast_in_dim3A_62 {strides = array<i32>} : memref<64x8xf32, #tpu.memory_space<vmem>>, vector<64x8xf32>,
      %broadcast_in_dim3A_66 = arith.constant 0.000000e+00 : f32
      %broadcast_in_dim3A_67 = vector.broadcast %broadcast_in_dim3A_66 : f32 to vector<64x1xf32>
      %swap3A_68 = arith.constant 0 : index
      %swap3A_69 = arith.constant 0 : index
      %swap3A_70 = vector.load %arg10[%swap3A_68, %swap3A_69] : memref<64x1xf32, #tpu.memory_space<vmem>>, vector<64x1xf32>
      tpu.vector_store %arg10[%swap3A_68, %swap3A_69], %broadcast_in_dim3A_67 {strides = array<i32>} : memref<64x1xf32, #tpu.memory_space<vmem>>, vector<64x1xf32>,
    } else {
    }
    %get3A = arith.constant 0 : index
    %get3A_2 = arith.constant 0 : index
    %get3A_3 = arith.constant 0 : index
    %get3A_4 = vector.load %arg1[%get3A, %get3A_2, %get3A_3] : memref<2x1024x128xf32, #tpu.memory_space<vmem>>, vector<1x1024x128xf32>
    %get3A_5 = vector.shape_cast %get3A_4 : vector<1x1024x128xf32> to vector<1024x128xf32>
    %get3A_6 = arith.constant 1 : index
    %get3A_7 = arith.constant 0 : index
    %get3A_8 = arith.constant 0 : index
    %get3A_9 = vector.load %arg1[%get3A_6, %get3A_7, %get3A_8] : memref<2x1024x128xf32, #tpu.memory_space<vmem>>, vector<1x1024x128xf32>
    %get3A_10 = vector.shape_cast %get3A_9 : vector<1x1024x128xf32> to vector<1024x128xf32>
    %add3A = arith.addf %get3A_5, %get3A_10 : vector<1024x128xf32>
    %get3A_11 = arith.constant 0 : index
    %get3A_12 = arith.constant 0 : index
    %get3A_13 = vector.load %arg3[%get3A_11, %get3A_12] : memref<1024x1xf32, #tpu.memory_space<vmem>>, vector<1024x1xf32>
    %get3A_14 = arith.constant 0 : index
    %get3A_15 = arith.constant 0 : index
    %get3A_16 = vector.load %arg2[%get3A_14, %get3A_15] : memref<1024x128xf32, #tpu.memory_space<vmem>>, vector<1024x128xf32>
    %sub3A = arith.subf %add3A, %get3A_16 : vector<1024x128xf32>
    %mul3A = vector.broadcast %get3A_13 : vector<1024x1xf32> to vector<1024x128xf32>
    %mul3A_17 = arith.mulf %mul3A, %sub3A : vector<1024x128xf32>
    %get3A_18 = arith.constant 0 : index
    %get3A_19 = arith.constant 0 : index
    %get3A_20 = vector.load %arg4[%get3A_18, %get3A_19] : memref<1x128xf32, #tpu.memory_space<vmem>>, vector<1x128xf32>
    %add3A_21 = vector.broadcast %get3A_20 : vector<1x128xf32> to vector<1024x128xf32>
    %add3A_22 = arith.addf %mul3A_17, %add3A_21 : vector<1024x128xf32>
    %get3A_23 = arith.constant 0 : index
    %get3A_24 = arith.constant 0 : index
    %get3A_25 = vector.load %arg5[%get3A_23, %get3A_24] : memref<128x8xf32, #tpu.memory_space<vmem>>, vector<128x8xf32>
    %dot_general3A = arith.constant dense<0.000000e+00> : vector<1024x8xf32>
    %dot_general3A_26 = tpu.matmul %add3A_22, %get3A_25, %dot_general3A {dimension_numbers = #tpu.dot_dimension_numbers<[1], [0], [0], [1], [0, 0, 1, 1], [], []>, transpose_lhs_hint = false} : vector<1024x128xf32>, vector<128x8xf32>, vector<1024x8xf32> -> vector<1024x8xf32>
    %get3A_27 = arith.constant 0 : index
    %get3A_28 = arith.constant 0 : index
    %get3A_29 = vector.load %arg6[%get3A_27, %get3A_28] : memref<1x8xf32, #tpu.memory_space<vmem>>, vector<1x8xf32>
    %add3A_30 = vector.broadcast %get3A_29 : vector<1x8xf32> to vector<1024x8xf32>
    %add3A_31 = arith.addf %dot_general3A_26, %add3A_30 : vector<1024x8xf32>
    %iota3A = tpu.iota {dimensions = array<i32: 1>} : vector<1x64xi32>
    %get3A_32 = arith.constant 0 : index
    %get3A_33 = arith.constant 0 : index
    %get3A_34 = vector.load %arg7[%get3A_32, %get3A_33] : memref<1024x1xi32, #tpu.memory_space<vmem>>, vector<1024x1xi32>
    %eq3A_35 = vector.broadcast %get3A_34 : vector<1024x1xi32> to vector<1024x64xi32>
    %eq3A_36 = vector.broadcast %iota3A : vector<1x64xi32> to vector<1024x64xi32>
    %eq3A_37 = arith.cmpi eq, %eq3A_35, %eq3A_36 : vector<1024x64xi32>
    %convert_element_type3A_38 = arith.extui %eq3A_37 : vector<1024x64xi1> to vector<1024x64xi32>
    %convert_element_type3A_39 = arith.sitofp %convert_element_type3A_38 : vector<1024x64xi32> to vector<1024x64xf32>
    %get3A_40 = arith.constant 0 : index
    %get3A_41 = arith.constant 0 : index
    %get3A_42 = vector.load %arg9[%get3A_40, %get3A_41] : memref<64x8xf32, #tpu.memory_space<vmem>>, vector<64x8xf32>
    %dot_general3A_43 = arith.constant dense<0.000000e+00> : vector<64x8xf32>
    %dot_general3A_44 = tpu.matmul %convert_element_type3A_39, %add3A_31, %dot_general3A_43 {dimension_numbers = #tpu.dot_dimension_numbers<[0], [0], [1], [1], [0, 1, 1, 1], [], []>, transpose_lhs_hint = false} : vector<1024x64xf32>, vector<1024x8xf32>, vector<64x8xf32> -> vector<64x8xf32>
    %add3A_45 = arith.addf %get3A_42, %dot_general3A_44 : vector<64x8xf32>
    %swap3A = arith.constant 0 : index
    %swap3A_46 = arith.constant 0 : index
    %swap3A_47 = vector.load %arg9[%swap3A, %swap3A_46] : memref<64x8xf32, #tpu.memory_space<vmem>>, vector<64x8xf32>
    tpu.vector_store %arg9[%swap3A, %swap3A_46], %add3A_45 {strides = array<i32>} : memref<64x8xf32, #tpu.memory_space<vmem>>, vector<64x8xf32>,
    %get3A_48 = arith.constant 0 : index
    %get3A_49 = arith.constant 0 : index
    %get3A_50 = vector.load %arg10[%get3A_48, %get3A_49] : memref<64x1xf32, #tpu.memory_space<vmem>>, vector<64x1xf32>
    %reduce_sum3A = arith.constant dense<0.000000e+00> : vector<64xf32>
    %reduce_sum3A_51 = vector.multi_reduction <add>, %convert_element_type3A_39, %reduce_sum3A [0] : vector<1024x64xf32> to vector<64xf32>
    %broadcast_in_dim3A = vector.shape_cast %reduce_sum3A_51 : vector<64xf32> to vector<64x1xf32>
    %add3A_52 = arith.addf %get3A_50, %broadcast_in_dim3A : vector<64x1xf32>
    %swap3A_53 = arith.constant 0 : index
    %swap3A_54 = arith.constant 0 : index
    %swap3A_55 = vector.load %arg10[%swap3A_53, %swap3A_54] : memref<64x1xf32, #tpu.memory_space<vmem>>, vector<64x1xf32>
    tpu.vector_store %arg10[%swap3A_53, %swap3A_54], %add3A_52 {strides = array<i32>} : memref<64x1xf32, #tpu.memory_space<vmem>>, vector<64x1xf32>,
    %eq3A_56 = arith.constant 9 : i32
    %eq3A_57 = arith.cmpi eq, %arg0, %eq3A_56 : i32
    %convert_element_type3A_58 = arith.extui %eq3A_57 : i1 to i32
    %cond3A_59 = arith.constant 0 : i32
    %cond3A_60 = arith.cmpi ne, %convert_element_type3A_58, %cond3A_59 : i32
    scf.if %cond3A_60 {
      %get3A_61 = arith.constant 0 : index
      %get3A_62 = arith.constant 0 : index
      %get3A_63 = vector.load %arg9[%get3A_61, %get3A_62] : memref<64x8xf32, #tpu.memory_space<vmem>>, vector<64x8xf32>
      %get3A_64 = arith.constant 0 : index
      %get3A_65 = arith.constant 0 : index
      %get3A_66 = vector.load %arg10[%get3A_64, %get3A_65] : memref<64x1xf32, #tpu.memory_space<vmem>>, vector<64x1xf32>
      %max3A = arith.constant 1.000000e+00 : f32
      %max3A_67 = vector.broadcast %max3A : f32 to vector<64x1xf32>
      %max3A_68 = arith.maximumf %get3A_66, %max3A_67 : vector<64x1xf32>
      %div3A = vector.broadcast %max3A_68 : vector<64x1xf32> to vector<64x8xf32>
      %div3A_69 = arith.divf %get3A_63, %div3A : vector<64x8xf32>
      %reduce_max3A = arith.constant dense<0xFF800000> : vector<64xf32>
      %reduce_max3A_70 = vector.multi_reduction <maximumf>, %div3A_69, %reduce_max3A [1] : vector<64x8xf32> to vector<64xf32>
      %broadcast_in_dim3A_71 = vector.shape_cast %reduce_max3A_70 : vector<64xf32> to vector<64x1xf32>
      %sub3A_72 = vector.broadcast %broadcast_in_dim3A_71 : vector<64x1xf32> to vector<64x8xf32>
      %sub3A_73 = arith.subf %div3A_69, %sub3A_72 : vector<64x8xf32>
      %exp3A = math.exp %sub3A_73 : vector<64x8xf32>
      %reduce_sum3A_74 = arith.constant dense<0.000000e+00> : vector<64xf32>
      %reduce_sum3A_75 = vector.multi_reduction <add>, %exp3A, %reduce_sum3A_74 [1] : vector<64x8xf32> to vector<64xf32>
      %broadcast_in_dim3A_76 = vector.shape_cast %reduce_sum3A_75 : vector<64xf32> to vector<64x1xf32>
      %log3A = math.log %broadcast_in_dim3A_76 : vector<64x1xf32>
      %add3A_77 = arith.addf %log3A, %broadcast_in_dim3A_71 : vector<64x1xf32>
      %sub3A_78 = vector.broadcast %add3A_77 : vector<64x1xf32> to vector<64x8xf32>
      %sub3A_79 = arith.subf %div3A_69, %sub3A_78 : vector<64x8xf32>
      %swap3A_80 = arith.constant 0 : index
      %swap3A_81 = arith.constant 0 : index
      %swap3A_82 = vector.load %arg8[%swap3A_80, %swap3A_81] : memref<64x8xf32, #tpu.memory_space<vmem>>, vector<64x8xf32>
      tpu.vector_store %arg8[%swap3A_80, %swap3A_81], %sub3A_79 {strides = array<i32>} : memref<64x8xf32, #tpu.memory_space<vmem>>, vector<64x8xf32>,
    } else {
    }
    return
  }
  func.func @transform_0(%arg0: i32) -> (i32, i32, i32) {
    %c0_i32 = arith.constant 0 : i32
    %c0_i32_0 = arith.constant 0 : i32
    %c0_i32_1 = arith.constant 0 : i32
    return %c0_i32, %arg0, %c0_i32_0 : i32, i32, i32
  }
  func.func @transform_1(%arg0: i32) -> (i32, i32) {
    %c0_i32 = arith.constant 0 : i32
    %c0_i32_0 = arith.constant 0 : i32
    return %arg0, %c0_i32 : i32, i32
  }
  func.func @transform_2(%arg0: i32) -> (i32, i32) {
    %c0_i32 = arith.constant 0 : i32
    %c0_i32_0 = arith.constant 0 : i32
    return %arg0, %c0_i32 : i32, i32
  }
  func.func @transform_3(%arg0: i32) -> (i32, i32) {
    %c0_i32 = arith.constant 0 : i32
    %c0_i32_0 = arith.constant 0 : i32
    %c0_i32_1 = arith.constant 0 : i32
    return %c0_i32, %c0_i32_0 : i32, i32
  }
  func.func @transform_4(%arg0: i32) -> (i32, i32) {
    %c0_i32 = arith.constant 0 : i32
    %c0_i32_0 = arith.constant 0 : i32
    %c0_i32_1 = arith.constant 0 : i32
    return %c0_i32, %c0_i32_0 : i32, i32
  }
  func.func @transform_5(%arg0: i32) -> (i32, i32) {
    %c0_i32 = arith.constant 0 : i32
    %c0_i32_0 = arith.constant 0 : i32
    %c0_i32_1 = arith.constant 0 : i32
    return %c0_i32, %c0_i32_0 : i32, i32
  }
  func.func @transform_6(%arg0: i32) -> (i32, i32) {
    %c0_i32 = arith.constant 0 : i32
    %c0_i32_0 = arith.constant 0 : i32
    return %arg0, %c0_i32 : i32, i32
  }
  func.func @transform_7(%arg0: i32) -> (i32, i32) {
    %c0_i32 = arith.constant 0 : i32
    %c0_i32_0 = arith.constant 0 : i32
    %c0_i32_1 = arith.constant 0 : i32
    return %c0_i32, %c0_i32_0 : i32, i32
  }
}

</mosaic_0001>

<sc_bundles>
// kernel: kernel.11.cloned.1.call-start
scs
__scs_entry_jumppad:
0x0: {  	(pc) =	sbr.rel $0x88, $3  }
0x1: {  	(tag) =	ssettag $0x0;
	lr =	simm.s32 $0x1  }
0x2: {  	[smem:$0x3F98] =	sst lr;
	_ =	strace $0xD0000000  }
0x3: {  	_ = 	snop  }
0x4: {  	_ = 	snop  }
0x5: {  	_ = 	snop  }
0x6: {  	_ = 	snop  }
0x7: {  	_ = 	snop  }
__scs_overlays_trampoline_lowered:
0x8: {  	[smem:$0x3FA7] =	sst s0  }
0x9: {  	[smem:$0x3FA8] =	sst s1  }
0xa: {  	[smem:$0x3FA9] =	sst s2  }
0xb: {  	[smem:$0x3FAA] =	sst s3  }
0xc: {  	[smem:$0x3FAB] =	sst s4  }
0xd: {  	[smem:$0x3FAC] =	sst s5  }
0xe: {  	[smem:$0x3FAD] =	sst s6  }
0xf: {  	[smem:$0x3FAE] =	sst s7  }
0x10: {  	[smem:$0x3FAF] =	sst s8  }
0x11: {  	[smem:$0x3FB0] =	sst s9;
	s0 =	simm.s32 @!p0 $0x0  }
0x12: {  	s1 =	sld [smem:$0x3F96];
	s0 =	simm.s32 @p0 $0x1  }
0x13: {  	[smem:$0x3FB1] =	sst s0;
	s0 =	simm.s32 @!p1 $0x0  }
0x14: {  	s2 =	sld [smem:$0x3F95];
	s0 =	simm.s32 @p1 $0x1  }
0x15: {  	[smem:$0x3FB2] =	sst s0;
	s0 =	simm.s32 @!p2 $0x0  }
0x16: {  	s3 =	sld [smem:$0x3FDB];
	s0 =	simm.s32 @p2 $0x1  }
0x17: {  	s4 =	simm.s32 $0x1BF5;
	[smem:$0x3FB4] =	sst s0  }
0x18: {  	s0 =	sld [smem:$0x3F97];
	_ =	swait.ge [sflag:s4], $0x0  }
0x19: {  	s7 =	sld [smem:$0x3F98]  }
0x1a: {  	s8 =	sadd.s32 $0xFFFFE003, lr  }
0x1b: {  	s9 =	sadd.s32 $0xFFFFFEF7, lr;
	s5 =	simm.s32 $0xFFFFFFFF;
	p2 =	slt.u32 s8, $0xFFFFF086  }
0x1c: {  	p1 =	slt.u32 s9, $0xF7A;
	s5 =	simm.s32 @!p2 $0x0  }
0x1d: {  	s5 =	simm.s32 @p1 $0x1;
	p0 =	seq.s32 s7, s2  }
0x1e: {  	s7 =	smul.u32 @!p0 $0xF7A, s2;
	p2 =	seq.s32 @!p0 s5, $0x0  }
0x1f: {  	s9 =	smul.u32 $0xF7A, s1;
	s8 =	simm.s32 @!p0 $0x1BF5;
	p2 =	por !p2, p0  }
0x20: {  	[sflag:s8] =	ssyncset.s32 @!p0 $0xFFFFF086;
	s6 =	sadd.s32 @!p0 s3, s7;
	s7 =	simm.s32 @!p0 $0x108  }
0x21: {  	s3 =	sadd.s32 s3, s9;
	s6 =	sadd.s32 @!p0 $0x88, s6;
	s7 =	simm.s32 @p2 $0x1082  }
0x22: {  	[simem:s7], [sflag:s8] =	dma.local @!p0 [hbm:s6], $0xF7A  }
0x23: {  	s9 =	sor.u32 $0xD0000000, s2;
	s6 =	simm.s32 $0x108;
	_ =	swait.ge @!p0 [sflag:s8], $0x0  }
0x24: {  	s3 =	sadd.s32 $0x88, s3;
	s6 =	simm.s32 @!p1 $0x1082;
	[sflag:s4] =	ssyncset.s32 $0xFFFFF086  }
0x25: {  	[simem:s6], [sflag:s4] =	dma.local [hbm:s3], $0xF7A  }
0x26: {  	[smem:$0x3F98] =	sst s1;
	(tag) =	ssettag s2;
	_ =	strace s9  }
0x27: {  	s1 =	sld [smem:$0x3FA8]  }
0x28: {  	s2 =	sld [smem:$0x3FA9]  }
0x29: {  	s4 =	sld [smem:$0x3FAB]  }
0x2a: {  	p0 =	seq.s32 s5, $0x0;
	s5 =	sld [smem:$0x3FAC]  }
0x2b: {  	s6 =	sld [smem:$0x3FAD]  }
0x2c: {  	s7 =	sld [smem:$0x3FAE]  }
0x2d: {  	s3 =	simm.s32 $0x108;
	s8 =	sld [smem:$0x3FAF]  }
0x2e: {  	s3 =	simm.s32 @!p0 $0x1082;
	s9 =	sld [smem:$0x3FB0]  }
0x2f: {  	lr =	sadd.s32 s0, s3;
	s0 =	sld [smem:$0x3FA7]  }
0x30: {  	s3 =	sld [smem:$0x3FAA]  }
0x31: {  	[smem:$0x3FB3] =	sst s10  }
0x32: {  	s10 =	sld [smem:$0x3FB1];
	_ =	sdelay $0x3  }
0x33: {  	p0 =	seq.s32 s10, $0x1;
	s10 =	sld [smem:$0x3FB3];
	_ =	sdelay $0x3  }
0x34: {  	[smem:$0x3FB3] =	sst s10  }
0x35: {  	s10 =	sld [smem:$0x3FB2];
	_ =	sdelay $0x3  }
0x36: {  	p1 =	seq.s32 s10, $0x1;
	s10 =	sld [smem:$0x3FB3];
	_ =	sdelay $0x3  }
0x37: {  	[smem:$0x3FB3] =	sst s10  }
0x38: {  	s10 =	sld [smem:$0x3FB4]  }
0x39: {  	_ = 	snop;
	(pc) =	sbr.ind lr, $3  }
0x3a: {  	_ = 	snop  }
0x3b: {  	_ = 	snop  }
0x3c: {  	p2 =	seq.s32 s10, $0x1;
	s10 =	sld [smem:$0x3FB3]  }
0x3d: {  	_ =	shalt  }
0x3e: {  	_ =	shalt  }
0x3f: {  	_ =	shalt  }
0x40: {  	_ =	shalt  }
0x41: {  	_ =	shalt  }
0x42: {  	_ =	shalt  }
0x43: {  	_ =	shalt  }
0x44: {  	_ =	shalt  }
0x45: {  	_ =	shalt  }
0x46: {  	_ =	shalt  }
0x47: {  	_ =	shalt  }
0x48: {  	_ =	shalt  }
0x49: {  	_ =	shalt  }
0x4a: {  	_ =	shalt  }
0x4b: {  	_ =	shalt  }
0x4c: {  	_ =	shalt  }
0x4d: {  	_ =	shalt  }
0x4e: {  	_ =	shalt  }
0x4f: {  	_ =	shalt  }
0x50: {  	_ =	shalt  }
0x51: {  	_ =	shalt  }
0x52: {  	_ =	shalt  }
0x53: {  	_ =	shalt  }
0x54: {  	_ =	shalt  }
0x55: {  	_ =	shalt  }
0x56: {  	_ =	shalt  }
0x57: {  	_ =	shalt  }
0x58: {  	_ =	shalt  }
0x59: {  	_ =	shalt  }
0x5a: {  	_ =	shalt  }
0x5b: {  	_ =	shalt  }
0x5c: {  	_ =	shalt  }
0x5d: {  	_ =	shalt  }
0x5e: {  	_ =	shalt  }
0x5f: {  	_ =	shalt  }
0x60: {  	_ =	shalt  }
0x61: {  	_ =	shalt  }
0x62: {  	_ =	shalt  }
0x63: {  	_ =	shalt  }
0x64: {  	_ =	shalt  }
0x65: {  	_ =	shalt  }
0x66: {  	_ =	shalt  }
0x67: {  	_ =	shalt  }
0x68: {  	_ =	shalt  }
0x69: {  	_ =	shalt  }
0x6a: {  	_ =	shalt  }
0x6b: {  	_ =	shalt  }
0x6c: {  	_ =	shalt  }
0x6d: {  	_ =	shalt  }
0x6e: {  	_ =	shalt  }
0x6f: {  	_ =	shalt  }
0x70: {  	_ =	shalt  }
0x71: {  	_ =	shalt  }
0x72: {  	_ =	shalt  }
0x73: {  	_ =	shalt  }
0x74: {  	_ =	shalt  }
0x75: {  	_ =	shalt  }
0x76: {  	_ =	shalt  }
0x77: {  	_ =	shalt  }
0x78: {  	_ =	shalt  }
0x79: {  	_ =	shalt  }
0x7a: {  	_ =	shalt  }
0x7b: {  	_ =	shalt  }
0x7c: {  	_ =	shalt  }
0x7d: {  	_ =	shalt  }
0x7e: {  	_ =	shalt  }
0x7f: {  	_ =	shalt  }
0x80: {  	_ =	shalt  }
0x81: {  	_ =	shalt  }
0x82: {  	_ =	shalt  }
0x83: {  	_ =	shalt  }
0x84: {  	_ =	shalt  }
0x85: {  	_ =	shalt  }
0x86: {  	_ =	shalt  }
0x87: {  	_ =	shalt  }
.Lfunc_end0:
.L_simem_size_0:
called_computation.1_lowered:
.L_overlay_start_0:
0x88: {  	s2 =	sld [smem:$0x3FD9]  }
0x89: {  	s3 =	sld [smem:$0x3FFE];
	_ =	sdelay $0x1  }
0x8a: {  	s1 =	srdreg.scid  }
0x8b: {  	s0 =	sand.u32 $0x1, s1  }
0x8c: {  	s16 =	sshll.u32 s0, $0xA;
	s2 =	sadd.s32 s3, s2  }
0x8d: {  	s2 =	sadd.s32 s2, s16  }
0x8e: {  	[smem:$0x3FBF] =	sst s2  }
0x8f: {  	_ = 	snop  }
0x90: {  	(tm) =	ssettm $0x1  }
0x91: {  	s17 =	sld [smem:$0x3FFB];
	_ =	sdelay $0x3  }
0x92: {  	_ =	strace s17  }
0x93: {  	s2 =	sld [smem:$0x3FFC];
	_ =	sdelay $0x3  }
0x94: {  	_ =	strace s2  }
0x95: {  	s2 =	sld [smem:$0x3FFD];
	_ =	sdelay $0x3  }
0x96: {  	_ =	strace s2  }
0x97: {  	_ =	strace $0x8FFFFFFF  }
0x98: {  	s18 =	sld [smem:$0x3FDB];
	_ =	sdelay $0x1  }
0x99: {  	s19 =	simm.s32 $_scs_section_size  }
0x9a: {  	s4 =	simm.s32 $_size__tile_overlayer_lowered;
	s5 =	simm.s32 $_tile_overlayer_lowered  }
0x9b: {  	s22 =	simm.s32 $0x1BFF;
	s21 =	sshll.u32 s5, $0x1;
	s2 =	sadd.s32 s19, s18  }
0x9c: {  	s6 =	simm.s32 $0x0;
	s20 =	sshll.u32 s4, $0x1;
	s4 =	sadd.s32 s21, s2  }
0x9d: {  	[timem:s6], [sflag:s22] =	dma.local [hbm:s4], s20  }
0x9e: {  	_ =	swait.ge [sflag:s22], s20  }
0x9f: {  	s3 =	ssub.s32 $0x0, s20;
	[sflag:s22] =	ssyncset.done $0x0  }
0xa0: {  	[sflag:s22] =	ssyncadd.s32 s3;
	_ =	sdelay $0x1  }
0xa1: {  	s23 =	simm.s32 $0x1B8B  }
0xa2: {  	_ =	swait.ge [sflag:s23], $0x1  }
0xa3: {  	[sflag:s23] =	ssyncset.done $0x0  }
0xa4: {  	s25 =	simm.s32 $0x1B8E;
	s24 =	sld [smem:$0x3FFE];
	[sflag:s23] =	ssyncadd.s32 $0xFFFFFFFF  }
0xa5: {  	s26 =	simm.s32 $execute0_lowered;
	[smem:$0x3FD2] =	sst s25  }
0xa6: {  	s4 =	sshll.u32 s26, $0x1;
	_ =	strace $0x80000049;
	[dreg:$0x1] =	wrdreg $0xFFFFFFFF  }
0xa7: {  	s28 =	simm.s32 $_size_execute0_lowered;
	s2 =	sadd.s32 s2, s4;
	[dreg:$0x0] =	wrdreg $0x0  }
0xa8: {  	s4 =	sshll.u32 s28, $0x1;
	[dreg:$0x2] =	wrdreg s2  }
0xa9: {  	[dreg:$0x3] =	wrdreg s4  }
0xaa: {  	[dreg:$0x4] =	wrdreg $0xC0  }
0xab: {  	_ =	task [dreg:s6], $0x5FFFF  }
0xac: {  	[dreg:$0x1] =	wrdreg $0xFFFFFFFF  }
0xad: {  	[dreg:$0x0] =	wrdreg $0x60  }
0xae: {  	[dreg:$0x2] =	wrdreg s24  }
0xaf: {  	[dreg:$0x3] =	wrdreg $0x90800  }
0xb0: {  	[dreg:$0x4] =	wrdreg $0x9  }
0xb1: {  	_ =	task.clear_ibuf [dreg:s6], $0x5FFFF;
	_ =	strace $0x90000049  }
0xb2: {  	s29 =	simm.s32 $0x9;
	_ =	strace $0x8000004B  }
0xb3: {  	_ =	swait.ge [sflag:s29], $0x1  }
0xb4: {  	[sflag:s29] =	ssyncadd.s32 $0xFFFFFFFF  }
0xb5: {  	_ =	strace $0x9000004B  }
0xb6: {  	_ =	sfence  }
0xb7: {  	s30 =	sld [smem:$0x0];
	_ =	sdelay $0x2  }
0xb8: {  	s31 =	sshll.u32 s1, $0xD;
	s1 =	sshrl.u32 s1, $0x2  }
0xb9: {  	s3 =	sand.u32 $0x4000, s31;
	s1 =	sadd.s32 s1, s30  }
0xba: {  	s0 =	sor.u32 s3, s0;
	s1 =	sshll.u32 s1, $0x11  }
0xbb: {  	s0 =	sor.u32 s1, s0  }
0xbc: {  	s0 =	sadd.s32 $0x8F2B, s0  }
0xbd: {  	[sflag:s0] =	ssyncadd.remote.s32 $0x1  }
0xbe: {  	_ =	sfence.sel $0xFFFF  }
0xbf: {  	[dreg:$0x0] =	wrdreg $0xFFFFFFFF;
	(pc) =	sbr.abs _section_cstart, $3  }
0xc0: {  	[dreg:$0x1] =	wrdreg $0xFFFFFFFF  }
0xc1: {  	_ =	task.clear_ibuf [dreg:s6], $0x2FFFF;
	_ =	strace $0x9FFFFFFF  }
0xc2: {  	(tm) =	ssettm $0x7FFFFFFF  }
0xc3: {  	_ =	shalt  }
tec
execute0_lowered:
.L_overlay_start_1:
0x0: {  	(tag) =	ssettag $0x1  }
0x1: {  	s5 =	rddreg [dreg:$0x0]  }
0x2: {  	s2 =	rddreg [dreg:$0x1]  }
0x3: {  	s0 =	rddreg [dreg:$0x2]  }
0x4: {  	s4 =	srdreg.scid;
	s1 =	stileid.u32;
	s3 =	simm.s32 $0x0  }
0x5: {  	s6 =	sand.u32 $0x1, s4;
	s24 =	sshll.u32 s1, $0x1;
	s14 =	smul.u32 $0x280, s1  }
0x6: {  	[smem:$0x7FF] =	sst s3;
	s13 =	sadd.s32 $0x3EE00, s5;
	s26 =	smul.u32 $0x2800, s1  }
0x7: {  	s4 =	sor.u32 s6, s24;
	_ =	strace $0x8000004A;
	s12 =	smul.u32 $0x2800, s6  }
0x8: {  	s8 =	ssub.s32 $0x2, s6;
	s7 =	smul.u32 $0x500, s4;
	s4 =	sadd.s32 $0x16E00, s5  }
0x9: {  	s25 =	sshrl.u32 s8, $0x1;
	s19 =	sor.u32 $0x10, s14;
	s20 =	sor.u32 $0x20, s14  }
0xa: {  	s21 =	sor.u32 $0x30, s14;
	s22 =	sadd.s32 $0x80, s14;
	s23 =	sor.u32 $0x40, s14  }
0xb: {  	s24 =	sadd.s32 $0x100, s14;
	s18 =	sadd.s32 $0x180, s14;
	s15 =	sadd.s32 $0x200, s14  }
0xc: {  	s31 =	sor.u32 $0x60, s14;
	s17 =	ssub.s32 s8, s25;
	s28 =	sshll.u32 s22, $0x4  }
0xd: {  	s29 =	sshll.u32 s24, $0x4;
	s30 =	sshll.u32 s18, $0x4;
	s9 =	sadd.s32 s14, s12  }
0xe: {  	v39 =	vlaneseq.u32;
	s10 =	sadd.s32 s12, s22;
	s11 =	sadd.s32 s12, s24;
	s25 =	sadd.s32 s12, s18  }
0xf: {  	v2 =	vor.u32 s21, v39;
	v3 =	vor.u32 s23, v39;
	s21 =	sadd.s32 $0xB0, s14;
	s23 =	sadd.s32 $0xC0, s14;
	v5 =	vor.u32 s31, v39;
	s31 =	sadd.s32 $0xD0, s14  }
0x10: {  	v1 =	vor.u32 s20, v39;
	v7 =	vor.u32 s22, v39;
	s20 =	sadd.s32 $0x110, s14;
	s22 =	sadd.s32 $0x120, s14;
	v15 =	vor.u32 s24, v39;
	s24 =	sadd.s32 $0x170, s14  }
0x11: {  	v0 =	vor.u32 s19, v39;
	v23 =	vor.u32 s18, v39;
	s18 =	sadd.s32 $0x220, s14;
	s19 =	simm.s32 $0x2;
	s16 =	sadd.s32 s7, s5  }
0x12: {  	s5 =	sadd.s32 s4, s26;
	s6 =	sadd.s32 s4, s28;
	s7 =	sadd.s32 s4, s29  }
0x13: {  	s8 =	sadd.s32 s4, s30;
	s9 =	sshll.u32 s9, $0x4;
	s10 =	sshll.u32 s10, $0x4  }
0x14: {  	s11 =	sshll.u32 s11, $0x4;
	s25 =	sshll.u32 s25, $0x4;
	s26 =	sadd.s32 s12, s15  }
0x15: {  	s28 =	sor.u32 $0x70, s14;
	s29 =	sadd.s32 $0x90, s14;
	s30 =	sadd.s32 $0xA0, s14  }
0x16: {  	v10 =	vor.u32 s21, v39;
	v11 =	vor.u32 s23, v39;
	v12 =	vor.u32 s31, v39;
	s21 =	sadd.s32 $0x140, s14;
	s23 =	sadd.s32 $0x150, s14;
	s31 =	sadd.s32 $0x160, s14  }
0x17: {  	v16 =	vor.u32 s20, v39;
	v17 =	vor.u32 s22, v39;
	s20 =	sadd.s32 $0x1B0, s14;
	s22 =	sadd.s32 $0x1C0, s14;
	v22 =	vor.u32 s24, v39;
	s24 =	sadd.s32 $0x230, s14  }
0x18: {  	s17 =	smax.u32 s17, $0x1;
	v34 =	vor.u32 s18, v39;
	s18 =	simm.s32 $0x5080;
	s9 =	sadd.s32 s13, s9  }
0x19: {  	v29 =	vor.u32 s14, v39;
	s10 =	sadd.s32 s13, s10;
	s11 =	sadd.s32 s13, s11;
	s12 =	sadd.s32 s13, s25  }
0x1a: {  	v32 =	vor.u32 s15, v39;
	s25 =	sshll.u32 s26, $0x4;
	s26 =	sor.u32 $0x50, s14;
	v6 =	vor.u32 s28, v39;
	s28 =	sadd.s32 $0xF0, s14;
	v8 =	vor.u32 s29, v39  }
0x1b: {  	v9 =	vor.u32 s30, v39;
	s30 =	sadd.s32 $0x130, s14;
	v19 =	vor.u32 s21, v39;
	v21 =	vor.u32 s31, v39;
	s31 =	sadd.s32 $0x1E0, s14;
	s21 =	sadd.s32 $0x1F0, s14  }
0x1c: {  	v20 =	vor.u32 s23, v39;
	s23 =	sadd.s32 $0x210, s14;
	v26 =	vor.u32 s20, v39;
	v27 =	vor.u32 s22, v39;
	s22 =	sadd.s32 $0x250, s14;
	s20 =	simm.s32 $0x80  }
0x1d: {  	v4 =	vor.u32 s26, v39;
	s26 =	sadd.s32 $0xE0, s14;
	v14 =	vor.u32 s28, v39;
	s28 =	sadd.s32 $0x1A0, s14;
	v18 =	vor.u32 s30, v39;
	s30 =	sadd.s32 $0x1D0, s14  }
0x1e: {  	v35 =	vor.u32 s24, v39;
	s13 =	sadd.s32 s13, s25;
	s25 =	sshll.u32 s15, $0x4;
	v30 =	vor.u32 s31, v39;
	s31 =	sadd.s32 $0x270, s14;
	v31 =	vor.u32 s21, v39  }
0x1f: {  	v33 =	vor.u32 s23, v39;
	s15 =	sadd.s32 $0x2E00, s16;
	s16 =	sadd.s32 $0xCE00, s16;
	v37 =	vor.u32 s22, v39;
	v13 =	vor.u32 s26, v39;
	s26 =	sadd.s32 $0x190, s14  }
0x20: {  	s21 =	simm.s32 $0x2880;
	v25 =	vor.u32 s28, v39;
	v28 =	vor.u32 s30, v39;
	s30 =	sadd.s32 $0x260, s14;
	v24 =	vor.u32 s26, v39;
	s26 =	sadd.s32 $0x240, s14  }
0x21: {  	s22 =	simm.s32 $0x1;
	s23 =	simm.s32 $0x0;
	s14 =	sadd.s32 s4, s25;
	v38 =	vor.u32 s30, v39;
	v36 =	vor.u32 s26, v39;
	v39 =	vor.u32 s31, v39  }
.LBB2_1:
0x22: {  	[tilespmem:$0x0] =	vst v29  }
0x23: {  	[tilespmem:$0x10] =	vst v0  }
0x24: {  	[tilespmem:$0x20] =	vst v1  }
0x25: {  	[tilespmem:$0x30] =	vst v2  }
0x26: {  	[tilespmem:$0x40] =	vst v3  }
0x27: {  	[tilespmem:$0x50] =	vst v4  }
0x28: {  	[tilespmem:$0x60] =	vst v5  }
0x29: {  	[tilespmem:$0x70] =	vst v6  }
0x2a: {  	[tilespmem:s18], [sflag:$0x2] =	stream.linear.gather [hbm4b:s5+s3], $0x4000, $0x38;
	[tilespmem:$0x1D080] =	vst v63  }
0x2b: {  	_ =	swait.ge [sflag:s19], $0x4000  }
0x2c: {  	[sflag:s19] =	ssyncset.done $0x0  }
0x2d: {  	[sflag:s19] =	ssyncadd.s32 $0xFFFFC000  }
0x2e: {  	[spmem:s2] =	stream.indirect.scatter [tilespmem:s18], [sflag:$0x2], $0x80, s3, s20, $0xb8;
	[tilespmem:$0x1D080] =	vst v63  }
0x2f: {  	_ =	swait.ge [sflag:s19], $0x4000  }
0x30: {  	[sflag:s19] =	ssyncset.done $0x0  }
0x31: {  	[sflag:s19] =	ssyncadd.s32 $0xFFFFC000  }
0x32: {  	[tilespmem:$0x0] =	vst v7  }
0x33: {  	[tilespmem:$0x10] =	vst v8  }
0x34: {  	[tilespmem:$0x20] =	vst v9  }
0x35: {  	[tilespmem:$0x30] =	vst v10  }
0x36: {  	[tilespmem:$0x40] =	vst v11  }
0x37: {  	[tilespmem:$0x50] =	vst v12  }
0x38: {  	[tilespmem:$0x60] =	vst v13  }
0x39: {  	[tilespmem:$0x70] =	vst v14  }
0x3a: {  	[tilespmem:s18], [sflag:$0x2] =	stream.linear.gather [hbm4b:s6+s3], $0x4000, $0x38;
	[tilespmem:$0x1D080] =	vst v63  }
0x3b: {  	_ =	swait.ge [sflag:s19], $0x4000  }
0x3c: {  	[sflag:s19] =	ssyncset.done $0x0  }
0x3d: {  	[sflag:s19] =	ssyncadd.s32 $0xFFFFC000  }
0x3e: {  	[spmem:s2] =	stream.indirect.scatter [tilespmem:s18], [sflag:$0x2], $0x80, s3, s20, $0xb8;
	[tilespmem:$0x1D080] =	vst v63  }
0x3f: {  	_ =	swait.ge [sflag:s19], $0x4000  }
0x40: {  	[sflag:s19] =	ssyncset.done $0x0  }
0x41: {  	[sflag:s19] =	ssyncadd.s32 $0xFFFFC000  }
0x42: {  	[tilespmem:$0x0] =	vst v15  }
0x43: {  	[tilespmem:$0x10] =	vst v16  }
0x44: {  	[tilespmem:$0x20] =	vst v17  }
0x45: {  	[tilespmem:$0x30] =	vst v18  }
0x46: {  	[tilespmem:$0x40] =	vst v19  }
0x47: {  	[tilespmem:$0x50] =	vst v20  }
0x48: {  	[tilespmem:$0x60] =	vst v21  }
0x49: {  	[tilespmem:$0x70] =	vst v22  }
0x4a: {  	[tilespmem:s18], [sflag:$0x2] =	stream.linear.gather [hbm4b:s7+s3], $0x4000, $0x38;
	[tilespmem:$0x1D080] =	vst v63  }
0x4b: {  	_ =	swait.ge [sflag:s19], $0x4000  }
0x4c: {  	[sflag:s19] =	ssyncset.done $0x0  }
0x4d: {  	[sflag:s19] =	ssyncadd.s32 $0xFFFFC000  }
0x4e: {  	[spmem:s2] =	stream.indirect.scatter [tilespmem:s18], [sflag:$0x2], $0x80, s3, s20, $0xb8;
	[tilespmem:$0x1D080] =	vst v63  }
0x4f: {  	_ =	swait.ge [sflag:s19], $0x4000  }
0x50: {  	[sflag:s19] =	ssyncset.done $0x0  }
0x51: {  	[sflag:s19] =	ssyncadd.s32 $0xFFFFC000  }
0x52: {  	[tilespmem:$0x0] =	vst v23  }
0x53: {  	[tilespmem:$0x10] =	vst v24  }
0x54: {  	[tilespmem:$0x20] =	vst v25  }
0x55: {  	[tilespmem:$0x30] =	vst v26  }
0x56: {  	[tilespmem:$0x40] =	vst v27  }
0x57: {  	[tilespmem:$0x50] =	vst v28  }
0x58: {  	[tilespmem:$0x60] =	vst v30  }
0x59: {  	[tilespmem:$0x70] =	vst v31  }
0x5a: {  	[tilespmem:s18], [sflag:$0x2] =	stream.linear.gather [hbm4b:s8+s3], $0x4000, $0x38;
	[tilespmem:$0x1D080] =	vst v63  }
0x5b: {  	_ =	swait.ge [sflag:s19], $0x4000  }
0x5c: {  	[sflag:s19] =	ssyncset.done $0x0  }
0x5d: {  	[sflag:s19] =	ssyncadd.s32 $0xFFFFC000  }
0x5e: {  	[spmem:s2] =	stream.indirect.scatter [tilespmem:s18], [sflag:$0x2], $0x80, s3, s20, $0xb8;
	[tilespmem:$0x1D080] =	vst v63  }
0x5f: {  	_ =	swait.ge [sflag:s19], $0x4000  }
0x60: {  	[sflag:s19] =	ssyncset.done $0x0  }
0x61: {  	[sflag:s19] =	ssyncadd.s32 $0xFFFFC000  }
0x62: {  	[tilespmem:$0x0] =	vst v32  }
0x63: {  	[tilespmem:$0x10] =	vst v33  }
0x64: {  	[tilespmem:$0x20] =	vst v34  }
0x65: {  	[tilespmem:$0x30] =	vst v35  }
0x66: {  	[tilespmem:$0x40] =	vst v36  }
0x67: {  	[tilespmem:$0x50] =	vst v37  }
0x68: {  	[tilespmem:$0x60] =	vst v38  }
0x69: {  	[tilespmem:$0x70] =	vst v39  }
0x6a: {  	[tilespmem:s18], [sflag:$0x2] =	stream.linear.gather [hbm4b:s14+s3], $0x4000, $0x38;
	[tilespmem:$0x1D080] =	vst v63  }
0x6b: {  	_ =	swait.ge [sflag:s19], $0x4000  }
0x6c: {  	[sflag:s19] =	ssyncset.done $0x0  }
0x6d: {  	[sflag:s19] =	ssyncadd.s32 $0xFFFFC000  }
0x6e: {  	[spmem:s2] =	stream.indirect.scatter [tilespmem:s18], [sflag:$0x2], $0x80, s3, s20, $0xb8;
	[tilespmem:$0x1D080] =	vst v63  }
0x6f: {  	_ =	swait.ge [sflag:s19], $0x4000  }
0x70: {  	[sflag:s19] =	ssyncset.done $0x0  }
0x71: {  	[sflag:s19] =	ssyncadd.s32 $0xFFFFC000  }
0x72: {  	[tilespmem:s20], [sflag:$0x2] =	stream.linear.gather [hbm4b:s15+s3], $0x2780, $0x38;
	[tilespmem:$0x1D080] =	vst v63  }
0x73: {  	_ =	swait.ge [sflag:s19], $0x2780  }
0x74: {  	[sflag:s19] =	ssyncset.done $0x0  }
0x75: {  	[sflag:s19] =	ssyncadd.s32 $0xFFFFD880  }
0x76: {  	[tilespmem:s21], [sflag:$0x2] =	stream.linear.gather [hbm4b:s16+s3], $0x2780, $0x38;
	[tilespmem:$0x1D080] =	vst v63  }
0x77: {  	_ =	swait.ge [sflag:s19], $0x2780  }
0x78: {  	[sflag:s19] =	ssyncset.done $0x0  }
0x79: {  	[sflag:s19] =	ssyncadd.s32 $0xFFFFD880  }
0x7a: {  	s24 =	simm.s32 $0x80;
	[bflag:$0x0] =	sbarrier.arrive $0xFFFF  }
0x7b: {  	[tilespmem:s18], [sflag:$0x1] =	stream.indirect.gather [hbm4b:s4+s20], $0x80, s24, s20, $0xb8;
	[tilespmem:$0x1D080] =	vst v63  }
0x7c: {  	_ =	swait.ge [sflag:s22], $0x4000  }
0x7d: {  	[sflag:s22] =	ssyncset.done $0x0  }
0x7e: {  	s31 =	simm.s32 $0x2880;
	[sflag:s22] =	ssyncadd.s32 $0xFFFFC000  }
0x7f: {  	[spmem:s2] =	stream.indirect.scatter.add.f32 [tilespmem:s18], [sflag:$0x2], $0x80, s31, s20, $0xb8;
	[tilespmem:$0x1D080] =	vst v63  }
0x80: {  	_ =	swait.ge [sflag:s19], $0x4000  }
0x81: {  	s25 =	simm.s32 $0x400;
	s24 =	simm.s32 $0x80;
	[sflag:s19] =	ssyncset.done $0x0  }
.LBB2_2:
0x82: {  	s26 =	sadd.s32 $0x80, s24  }
0x83: {  	[sflag:s19] =	ssyncadd.s32 $0xFFFFC000;
	s28 =	smov.u32 s25;
	s29 =	sadd.s32 $0x200, s25  }
0x84: {  	[tilespmem:s18], [sflag:$0x1] =	stream.indirect.gather [hbm4b:s4+s20], $0x80, s26, s20, $0xb8;
	[tilespmem:$0x1D080] =	vst v63  }
0x85: {  	p0 =	sne.s32 s25, $0x9C00;
	_ =	swait.ge [sflag:s22], $0x4000  }
.Ltmp0:
0x86: {  	[sflag:s22] =	ssyncset.done $0x0;
	(pc) =	sbr.rel @p0 .LBB2_2-.Ltmp0, $4  }
0x87: {  	s24 =	sadd.s32 $0x2880, s24;
	[sflag:s22] =	ssyncadd.s32 $0xFFFFC000  }
0x88: {  	[spmem:s2] =	stream.indirect.scatter.add.f32 [tilespmem:s18], [sflag:$0x2], $0x80, s24, s20, $0xb8;
	[tilespmem:$0x1D080] =	vst v63  }
0x89: {  	_ =	swait.ge [sflag:s19], $0x4000  }
0x8a: {  	s25 =	smov.u32 s29;
	s24 =	sshra.s32 s28, $0x2;
	[sflag:s19] =	ssyncset.done $0x0  }
0x8b: {  	s25 =	sadd.s32 $0x80, s24;
	[sflag:s19] =	ssyncadd.s32 $0xFFFFC000  }
0x8c: {  	[tilespmem:s18], [sflag:$0x1] =	stream.indirect.gather [hbm4b:s4+s20], $0x80, s25, s20, $0xb8;
	[tilespmem:$0x1D080] =	vst v63  }
0x8d: {  	_ =	swait.ge [sflag:s22], $0x4000  }
0x8e: {  	[sflag:s22] =	ssyncset.done $0x0  }
0x8f: {  	s31 =	sadd.s32 $0x2880, s24;
	[sflag:s22] =	ssyncadd.s32 $0xFFFFC000  }
0x90: {  	[spmem:s2] =	stream.indirect.scatter.add.f32 [tilespmem:s18], [sflag:$0x2], $0x80, s31, s20, $0xb8;
	[tilespmem:$0x1D080] =	vst v63  }
0x91: {  	_ =	swait.ge [sflag:s19], $0x4000  }
0x92: {  	[sflag:s19] =	ssyncset.done $0x0  }
0x93: {  	[sflag:s19] =	ssyncadd.s32 $0xFFFFC000  }
0x94: {  	[bflag:$0x0] =	sbarrier.arrive $0xFFFF  }
0x95: {  	[tilespmem:$0x0] =	vst v29  }
0x96: {  	[tilespmem:$0x10] =	vst v0  }
0x97: {  	[tilespmem:$0x20] =	vst v1  }
0x98: {  	[tilespmem:$0x30] =	vst v2  }
0x99: {  	[tilespmem:$0x40] =	vst v3  }
0x9a: {  	[tilespmem:$0x50] =	vst v4  }
0x9b: {  	[tilespmem:$0x60] =	vst v5  }
0x9c: {  	[tilespmem:$0x70] =	vst v6  }
0x9d: {  	[tilespmem:s18], [sflag:$0x1] =	stream.indirect.gather [spmem:s2], $0x80, s3, s20, $0xb8;
	[tilespmem:$0x1D080] =	vst v63  }
0x9e: {  	_ =	swait.ge [sflag:s22], $0x4000  }
0x9f: {  	[sflag:s22] =	ssyncset.done $0x0  }
0xa0: {  	[sflag:s22] =	ssyncadd.s32 $0xFFFFC000  }
0xa1: {  	[hbm4b:s9+s3] =	stream.linear.scatter [tilespmem:s18], [sflag:$0x2], $0x4000, $0x38;
	[tilespmem:$0x1D080] =	vst v63  }
0xa2: {  	_ =	swait.ge [sflag:s19], $0x4000  }
0xa3: {  	[sflag:s19] =	ssyncset.done $0x0  }
0xa4: {  	[sflag:s19] =	ssyncadd.s32 $0xFFFFC000  }
0xa5: {  	[tilespmem:$0x0] =	vst v7  }
0xa6: {  	[tilespmem:$0x10] =	vst v8  }
0xa7: {  	[tilespmem:$0x20] =	vst v9  }
0xa8: {  	[tilespmem:$0x30] =	vst v10  }
0xa9: {  	[tilespmem:$0x40] =	vst v11  }
0xaa: {  	[tilespmem:$0x50] =	vst v12  }
0xab: {  	[tilespmem:$0x60] =	vst v13  }
0xac: {  	[tilespmem:$0x70] =	vst v14  }
0xad: {  	[tilespmem:s18], [sflag:$0x1] =	stream.indirect.gather [spmem:s2], $0x80, s3, s20, $0xb8;
	[tilespmem:$0x1D080] =	vst v63  }
0xae: {  	_ =	swait.ge [sflag:s22], $0x4000  }
0xaf: {  	[sflag:s22] =	ssyncset.done $0x0  }
0xb0: {  	[sflag:s22] =	ssyncadd.s32 $0xFFFFC000  }
0xb1: {  	[hbm4b:s10+s3] =	stream.linear.scatter [tilespmem:s18], [sflag:$0x2], $0x4000, $0x38;
	[tilespmem:$0x1D080] =	vst v63  }
0xb2: {  	_ =	swait.ge [sflag:s19], $0x4000  }
0xb3: {  	[sflag:s19] =	ssyncset.done $0x0  }
0xb4: {  	[sflag:s19] =	ssyncadd.s32 $0xFFFFC000  }
0xb5: {  	[tilespmem:$0x0] =	vst v15  }
0xb6: {  	[tilespmem:$0x10] =	vst v16  }
0xb7: {  	[tilespmem:$0x20] =	vst v17  }
0xb8: {  	[tilespmem:$0x30] =	vst v18  }
0xb9: {  	[tilespmem:$0x40] =	vst v19  }
0xba: {  	[tilespmem:$0x50] =	vst v20  }
0xbb: {  	[tilespmem:$0x60] =	vst v21  }
0xbc: {  	[tilespmem:$0x70] =	vst v22  }
0xbd: {  	[tilespmem:s18], [sflag:$0x1] =	stream.indirect.gather [spmem:s2], $0x80, s3, s20, $0xb8;
	[tilespmem:$0x1D080] =	vst v63  }
0xbe: {  	_ =	swait.ge [sflag:s22], $0x4000  }
0xbf: {  	[sflag:s22] =	ssyncset.done $0x0  }
0xc0: {  	[sflag:s22] =	ssyncadd.s32 $0xFFFFC000  }
0xc1: {  	[hbm4b:s11+s3] =	stream.linear.scatter [tilespmem:s18], [sflag:$0x2], $0x4000, $0x38;
	[tilespmem:$0x1D080] =	vst v63  }
0xc2: {  	_ =	swait.ge [sflag:s19], $0x4000  }
0xc3: {  	[sflag:s19] =	ssyncset.done $0x0  }
0xc4: {  	[sflag:s19] =	ssyncadd.s32 $0xFFFFC000  }
0xc5: {  	[tilespmem:$0x0] =	vst v23  }
0xc6: {  	[tilespmem:$0x10] =	vst v24  }
0xc7: {  	[tilespmem:$0x20] =	vst v25  }
0xc8: {  	[tilespmem:$0x30] =	vst v26  }
0xc9: {  	[tilespmem:$0x40] =	vst v27  }
0xca: {  	[tilespmem:$0x50] =	vst v28  }
0xcb: {  	[tilespmem:$0x60] =	vst v30  }
0xcc: {  	[tilespmem:$0x70] =	vst v31  }
0xcd: {  	[tilespmem:s18], [sflag:$0x1] =	stream.indirect.gather [spmem:s2], $0x80, s3, s20, $0xb8;
	[tilespmem:$0x1D080] =	vst v63  }
0xce: {  	_ =	swait.ge [sflag:s22], $0x4000  }
0xcf: {  	[sflag:s22] =	ssyncset.done $0x0  }
0xd0: {  	[sflag:s22] =	ssyncadd.s32 $0xFFFFC000  }
0xd1: {  	[hbm4b:s12+s3] =	stream.linear.scatter [tilespmem:s18], [sflag:$0x2], $0x4000, $0x38;
	[tilespmem:$0x1D080] =	vst v63  }
0xd2: {  	_ =	swait.ge [sflag:s19], $0x4000  }
0xd3: {  	[sflag:s19] =	ssyncset.done $0x0  }
0xd4: {  	[sflag:s19] =	ssyncadd.s32 $0xFFFFC000  }
0xd5: {  	[tilespmem:$0x0] =	vst v32  }
0xd6: {  	[tilespmem:$0x10] =	vst v33  }
0xd7: {  	[tilespmem:$0x20] =	vst v34  }
0xd8: {  	[tilespmem:$0x30] =	vst v35  }
0xd9: {  	[tilespmem:$0x40] =	vst v36  }
0xda: {  	[tilespmem:$0x50] =	vst v37  }
0xdb: {  	[tilespmem:$0x60] =	vst v38  }
0xdc: {  	[tilespmem:$0x70] =	vst v39  }
0xdd: {  	[tilespmem:s18], [sflag:$0x1] =	stream.indirect.gather [spmem:s2], $0x80, s3, s20, $0xb8;
	[tilespmem:$0x1D080] =	vst v63  }
0xde: {  	s23 =	sadd.s32 $0x1, s23;
	_ =	swait.ge [sflag:s22], $0x4000  }
0xdf: {  	p0 =	sne.s32 s23, s17;
	[sflag:s22] =	ssyncset.done $0x0  }
.Ltmp1:
0xe0: {  	[sflag:s22] =	ssyncadd.s32 $0xFFFFC000;
	(pc) =	sbr.rel @p0 .LBB2_1-.Ltmp1, $4  }
0xe1: {  	[hbm4b:s13+s3] =	stream.linear.scatter [tilespmem:s18], [sflag:$0x2], $0x4000, $0x38;
	[tilespmem:$0x1D080] =	vst v63  }
0xe2: {  	_ =	swait.ge [sflag:s19], $0x4000  }
0xe3: {  	[sflag:s19] =	ssyncset.done $0x0  }
0xe4: {  	[sflag:s19] =	ssyncadd.s32 $0xFFFFC000  }
0xe5: {  	_ =	sfence.sel $0x180000  }
0xe6: {  	[bflag:$0x0] =	sbarrier.arrive $0xFFFF  }
0xe7: {  	p0 =	sne.s32 s1, $0x0;
	_ =	strace $0x9000004A  }
0xe8: {  	s0 =	sadd.s32 @!p0 $0x100000, s0;
	[bflag:$0x2] =	sbarrier.arrive $0xFFFF  }
0xe9: {  	[sflag:s0] =	ssyncadd.tile.s32 @!p0 $0x1;
	_ =	shalt  }
.Lfunc_end2:
_tile_overlayer_lowered:
.L_overlay_start_2:
0xea: {  	(tag) =	ssettag $0x2  }
0xeb: {  	s0 =	rddreg [dreg:$0x0];
	s2 =	stileid.u32  }
0xec: {  	s1 =	rddreg [dreg:$0x1];
	p0 =	sne.s32 s2, $0x0  }
0xed: {  	s3 =	rddreg [dreg:$0x2];
	[bflag:$0x3] =	sbarrier.arrive $0xFFFF;
	s2 =	simm.s32 @!p0 $0x1C02  }
0xee: {  	[timem:s3], [sflag:s2] =	dma.local @!p0 [hbm:s0], s1  }
0xef: {  	s0 =	simm.s32 @!p0 $0x2  }
0xf0: {  	_ =	swait.ge @!p0 [sflag:s0], s1  }
0xf1: {  	s1 =	ssub.s32 @!p0 $0x0, s1;
	[sflag:s0] =	ssyncset.done @!p0 $0x0  }
0xf2: {  	[sflag:s0] =	ssyncadd.s32 @!p0 s1  }
0xf3: {  	[bflag:$0x3] =	sbarrier.arrive $0xFFFF  }
0xf4: {  	_ =	shalt  }

// kernel: kernel.8.cloned.1.call-start
scs
__scs_entry_jumppad:
0x0: {  	(pc) =	sbr.rel $0x88, $3  }
0x1: {  	(tag) =	ssettag $0x0;
	lr =	simm.s32 $0x1  }
0x2: {  	[smem:$0x3F98] =	sst lr;
	_ =	strace $0xD0000000  }
0x3: {  	_ = 	snop  }
0x4: {  	_ = 	snop  }
0x5: {  	_ = 	snop  }
0x6: {  	_ = 	snop  }
0x7: {  	_ = 	snop  }
__scs_overlays_trampoline_lowered:
0x8: {  	[smem:$0x3FA7] =	sst s0  }
0x9: {  	[smem:$0x3FA8] =	sst s1  }
0xa: {  	[smem:$0x3FA9] =	sst s2  }
0xb: {  	[smem:$0x3FAA] =	sst s3  }
0xc: {  	[smem:$0x3FAB] =	sst s4  }
0xd: {  	[smem:$0x3FAC] =	sst s5  }
0xe: {  	[smem:$0x3FAD] =	sst s6  }
0xf: {  	[smem:$0x3FAE] =	sst s7  }
0x10: {  	[smem:$0x3FAF] =	sst s8  }
0x11: {  	[smem:$0x3FB0] =	sst s9;
	s0 =	simm.s32 @!p0 $0x0  }
0x12: {  	s1 =	sld [smem:$0x3F96];
	s0 =	simm.s32 @p0 $0x1  }
0x13: {  	[smem:$0x3FB1] =	sst s0;
	s0 =	simm.s32 @!p1 $0x0  }
0x14: {  	s2 =	sld [smem:$0x3F95];
	s0 =	simm.s32 @p1 $0x1  }
0x15: {  	[smem:$0x3FB2] =	sst s0;
	s0 =	simm.s32 @!p2 $0x0  }
0x16: {  	s3 =	sld [smem:$0x3FDB];
	s0 =	simm.s32 @p2 $0x1  }
0x17: {  	s4 =	simm.s32 $0x1BF5;
	[smem:$0x3FB4] =	sst s0  }
0x18: {  	s0 =	sld [smem:$0x3F97];
	_ =	swait.ge [sflag:s4], $0x0  }
0x19: {  	s7 =	sld [smem:$0x3F98]  }
0x1a: {  	s8 =	sadd.s32 $0xFFFFE003, lr  }
0x1b: {  	s9 =	sadd.s32 $0xFFFFFEF7, lr;
	s5 =	simm.s32 $0xFFFFFFFF;
	p2 =	slt.u32 s8, $0xFFFFF086  }
0x1c: {  	p1 =	slt.u32 s9, $0xF7A;
	s5 =	simm.s32 @!p2 $0x0  }
0x1d: {  	s5 =	simm.s32 @p1 $0x1;
	p0 =	seq.s32 s7, s2  }
0x1e: {  	s7 =	smul.u32 @!p0 $0xF7A, s2;
	p2 =	seq.s32 @!p0 s5, $0x0  }
0x1f: {  	s9 =	smul.u32 $0xF7A, s1;
	s8 =	simm.s32 @!p0 $0x1BF5;
	p2 =	por !p2, p0  }
0x20: {  	[sflag:s8] =	ssyncset.s32 @!p0 $0xFFFFF086;
	s6 =	sadd.s32 @!p0 s3, s7;
	s7 =	simm.s32 @!p0 $0x108  }
0x21: {  	s3 =	sadd.s32 s3, s9;
	s6 =	sadd.s32 @!p0 $0x88, s6;
	s7 =	simm.s32 @p2 $0x1082  }
0x22: {  	[simem:s7], [sflag:s8] =	dma.local @!p0 [hbm:s6], $0xF7A  }
0x23: {  	s9 =	sor.u32 $0xD0000000, s2;
	s6 =	simm.s32 $0x108;
	_ =	swait.ge @!p0 [sflag:s8], $0x0  }
0x24: {  	s3 =	sadd.s32 $0x88, s3;
	s6 =	simm.s32 @!p1 $0x1082;
	[sflag:s4] =	ssyncset.s32 $0xFFFFF086  }
0x25: {  	[simem:s6], [sflag:s4] =	dma.local [hbm:s3], $0xF7A  }
0x26: {  	[smem:$0x3F98] =	sst s1;
	(tag) =	ssettag s2;
	_ =	strace s9  }
0x27: {  	s1 =	sld [smem:$0x3FA8]  }
0x28: {  	s2 =	sld [smem:$0x3FA9]  }
0x29: {  	s4 =	sld [smem:$0x3FAB]  }
0x2a: {  	p0 =	seq.s32 s5, $0x0;
	s5 =	sld [smem:$0x3FAC]  }
0x2b: {  	s6 =	sld [smem:$0x3FAD]  }
0x2c: {  	s7 =	sld [smem:$0x3FAE]  }
0x2d: {  	s3 =	simm.s32 $0x108;
	s8 =	sld [smem:$0x3FAF]  }
0x2e: {  	s3 =	simm.s32 @!p0 $0x1082;
	s9 =	sld [smem:$0x3FB0]  }
0x2f: {  	lr =	sadd.s32 s0, s3;
	s0 =	sld [smem:$0x3FA7]  }
0x30: {  	s3 =	sld [smem:$0x3FAA]  }
0x31: {  	[smem:$0x3FB3] =	sst s10  }
0x32: {  	s10 =	sld [smem:$0x3FB1];
	_ =	sdelay $0x3  }
0x33: {  	p0 =	seq.s32 s10, $0x1;
	s10 =	sld [smem:$0x3FB3];
	_ =	sdelay $0x3  }
0x34: {  	[smem:$0x3FB3] =	sst s10  }
0x35: {  	s10 =	sld [smem:$0x3FB2];
	_ =	sdelay $0x3  }
0x36: {  	p1 =	seq.s32 s10, $0x1;
	s10 =	sld [smem:$0x3FB3];
	_ =	sdelay $0x3  }
0x37: {  	[smem:$0x3FB3] =	sst s10  }
0x38: {  	s10 =	sld [smem:$0x3FB4]  }
0x39: {  	_ = 	snop;
	(pc) =	sbr.ind lr, $3  }
0x3a: {  	_ = 	snop  }
0x3b: {  	_ = 	snop  }
0x3c: {  	p2 =	seq.s32 s10, $0x1;
	s10 =	sld [smem:$0x3FB3]  }
0x3d: {  	_ =	shalt  }
0x3e: {  	_ =	shalt  }
0x3f: {  	_ =	shalt  }
0x40: {  	_ =	shalt  }
0x41: {  	_ =	shalt  }
0x42: {  	_ =	shalt  }
0x43: {  	_ =	shalt  }
0x44: {  	_ =	shalt  }
0x45: {  	_ =	shalt  }
0x46: {  	_ =	shalt  }
0x47: {  	_ =	shalt  }
0x48: {  	_ =	shalt  }
0x49: {  	_ =	shalt  }
0x4a: {  	_ =	shalt  }
0x4b: {  	_ =	shalt  }
0x4c: {  	_ =	shalt  }
0x4d: {  	_ =	shalt  }
0x4e: {  	_ =	shalt  }
0x4f: {  	_ =	shalt  }
0x50: {  	_ =	shalt  }
0x51: {  	_ =	shalt  }
0x52: {  	_ =	shalt  }
0x53: {  	_ =	shalt  }
0x54: {  	_ =	shalt  }
0x55: {  	_ =	shalt  }
0x56: {  	_ =	shalt  }
0x57: {  	_ =	shalt  }
0x58: {  	_ =	shalt  }
0x59: {  	_ =	shalt  }
0x5a: {  	_ =	shalt  }
0x5b: {  	_ =	shalt  }
0x5c: {  	_ =	shalt  }
0x5d: {  	_ =	shalt  }
0x5e: {  	_ =	shalt  }
0x5f: {  	_ =	shalt  }
0x60: {  	_ =	shalt  }
0x61: {  	_ =	shalt  }
0x62: {  	_ =	shalt  }
0x63: {  	_ =	shalt  }
0x64: {  	_ =	shalt  }
0x65: {  	_ =	shalt  }
0x66: {  	_ =	shalt  }
0x67: {  	_ =	shalt  }
0x68: {  	_ =	shalt  }
0x69: {  	_ =	shalt  }
0x6a: {  	_ =	shalt  }
0x6b: {  	_ =	shalt  }
0x6c: {  	_ =	shalt  }
0x6d: {  	_ =	shalt  }
0x6e: {  	_ =	shalt  }
0x6f: {  	_ =	shalt  }
0x70: {  	_ =	shalt  }
0x71: {  	_ =	shalt  }
0x72: {  	_ =	shalt  }
0x73: {  	_ =	shalt  }
0x74: {  	_ =	shalt  }
0x75: {  	_ =	shalt  }
0x76: {  	_ =	shalt  }
0x77: {  	_ =	shalt  }
0x78: {  	_ =	shalt  }
0x79: {  	_ =	shalt  }
0x7a: {  	_ =	shalt  }
0x7b: {  	_ =	shalt  }
0x7c: {  	_ =	shalt  }
0x7d: {  	_ =	shalt  }
0x7e: {  	_ =	shalt  }
0x7f: {  	_ =	shalt  }
0x80: {  	_ =	shalt  }
0x81: {  	_ =	shalt  }
0x82: {  	_ =	shalt  }
0x83: {  	_ =	shalt  }
0x84: {  	_ =	shalt  }
0x85: {  	_ =	shalt  }
0x86: {  	_ =	shalt  }
0x87: {  	_ =	shalt  }
.Lfunc_end0:
.L_simem_size_0:
called_computation_lowered:
.L_overlay_start_0:
0x88: {  	s2 =	sld [smem:$0x3FD9]  }
0x89: {  	s3 =	sld [smem:$0x3FFE];
	_ =	sdelay $0x1  }
0x8a: {  	s1 =	srdreg.scid  }
0x8b: {  	s0 =	sand.u32 $0x1, s1  }
0x8c: {  	s16 =	sshll.u32 s0, $0xA;
	s2 =	sadd.s32 s3, s2  }
0x8d: {  	s2 =	sadd.s32 s2, s16  }
0x8e: {  	[smem:$0x3FBF] =	sst s2  }
0x8f: {  	_ = 	snop  }
0x90: {  	(tm) =	ssettm $0x1  }
0x91: {  	s17 =	sld [smem:$0x3FFB];
	_ =	sdelay $0x3  }
0x92: {  	_ =	strace s17  }
0x93: {  	s2 =	sld [smem:$0x3FFC];
	_ =	sdelay $0x3  }
0x94: {  	_ =	strace s2  }
0x95: {  	s2 =	sld [smem:$0x3FFD];
	_ =	sdelay $0x3  }
0x96: {  	_ =	strace s2  }
0x97: {  	_ =	strace $0x8FFFFFFF  }
0x98: {  	s18 =	sld [smem:$0x3FDB];
	_ =	sdelay $0x1  }
0x99: {  	s19 =	simm.s32 $_scs_section_size  }
0x9a: {  	s4 =	simm.s32 $_size__tile_overlayer_lowered;
	s5 =	simm.s32 $_tile_overlayer_lowered  }
0x9b: {  	s22 =	simm.s32 $0x1BFF;
	s21 =	sshll.u32 s5, $0x1;
	s2 =	sadd.s32 s19, s18  }
0x9c: {  	s6 =	simm.s32 $0x0;
	s20 =	sshll.u32 s4, $0x1;
	s4 =	sadd.s32 s21, s2  }
0x9d: {  	[timem:s6], [sflag:s22] =	dma.local [hbm:s4], s20  }
0x9e: {  	_ =	swait.ge [sflag:s22], s20  }
0x9f: {  	s3 =	ssub.s32 $0x0, s20;
	[sflag:s22] =	ssyncset.done $0x0  }
0xa0: {  	[sflag:s22] =	ssyncadd.s32 s3;
	_ =	sdelay $0x1  }
0xa1: {  	s23 =	simm.s32 $0x1B8B  }
0xa2: {  	_ =	swait.ge [sflag:s23], $0x1  }
0xa3: {  	[sflag:s23] =	ssyncset.done $0x0  }
0xa4: {  	s25 =	simm.s32 $0x1B8E;
	s24 =	sld [smem:$0x3FFE];
	[sflag:s23] =	ssyncadd.s32 $0xFFFFFFFF  }
0xa5: {  	s26 =	simm.s32 $execute0_lowered;
	[smem:$0x3FD2] =	sst s25  }
0xa6: {  	s4 =	sshll.u32 s26, $0x1;
	_ =	strace $0x80000046;
	[dreg:$0x1] =	wrdreg $0xFFFFFFFF  }
0xa7: {  	s28 =	simm.s32 $_size_execute0_lowered;
	s2 =	sadd.s32 s2, s4;
	[dreg:$0x0] =	wrdreg $0x0  }
0xa8: {  	s4 =	sshll.u32 s28, $0x1;
	[dreg:$0x2] =	wrdreg s2  }
0xa9: {  	[dreg:$0x3] =	wrdreg s4  }
0xaa: {  	[dreg:$0x4] =	wrdreg $0xC0  }
0xab: {  	_ =	task [dreg:s6], $0x5FFFF  }
0xac: {  	[dreg:$0x1] =	wrdreg $0xFFFFFFFF  }
0xad: {  	[dreg:$0x0] =	wrdreg $0x60  }
0xae: {  	[dreg:$0x2] =	wrdreg s24  }
0xaf: {  	[dreg:$0x3] =	wrdreg $0x90800  }
0xb0: {  	[dreg:$0x4] =	wrdreg $0x9  }
0xb1: {  	_ =	task.clear_ibuf [dreg:s6], $0x5FFFF;
	_ =	strace $0x90000046  }
0xb2: {  	s29 =	simm.s32 $0x9;
	_ =	strace $0x80000048  }
0xb3: {  	_ =	swait.ge [sflag:s29], $0x1  }
0xb4: {  	[sflag:s29] =	ssyncadd.s32 $0xFFFFFFFF  }
0xb5: {  	_ =	strace $0x90000048  }
0xb6: {  	_ =	sfence  }
0xb7: {  	s30 =	sld [smem:$0x0];
	_ =	sdelay $0x2  }
0xb8: {  	s31 =	sshll.u32 s1, $0xD;
	s1 =	sshrl.u32 s1, $0x2  }
0xb9: {  	s3 =	sand.u32 $0x4000, s31;
	s1 =	sadd.s32 s1, s30  }
0xba: {  	s0 =	sor.u32 s3, s0;
	s1 =	sshll.u32 s1, $0x11  }
0xbb: {  	s0 =	sor.u32 s1, s0  }
0xbc: {  	s0 =	sadd.s32 $0x8F2B, s0  }
0xbd: {  	[sflag:s0] =	ssyncadd.remote.s32 $0x1  }
0xbe: {  	_ =	sfence.sel $0xFFFF  }
0xbf: {  	[dreg:$0x0] =	wrdreg $0xFFFFFFFF;
	(pc) =	sbr.abs _section_cstart, $3  }
0xc0: {  	[dreg:$0x1] =	wrdreg $0xFFFFFFFF  }
0xc1: {  	_ =	task.clear_ibuf [dreg:s6], $0x2FFFF;
	_ =	strace $0x9FFFFFFF  }
0xc2: {  	(tm) =	ssettm $0x7FFFFFFF  }
0xc3: {  	_ =	shalt  }
tec
execute0_lowered:
.L_overlay_start_1:
0x0: {  	(tag) =	ssettag $0x1  }
0x1: {  	s5 =	rddreg [dreg:$0x0]  }
0x2: {  	s2 =	rddreg [dreg:$0x1]  }
0x3: {  	s0 =	rddreg [dreg:$0x2]  }
0x4: {  	s4 =	srdreg.scid;
	s1 =	stileid.u32;
	s3 =	simm.s32 $0x0  }
0x5: {  	s6 =	sand.u32 $0x1, s4;
	s24 =	sshll.u32 s1, $0x1;
	s14 =	smul.u32 $0x280, s1  }
0x6: {  	[smem:$0x7FF] =	sst s3;
	s13 =	sadd.s32 $0x3EE00, s5;
	s26 =	smul.u32 $0x2800, s1  }
0x7: {  	s4 =	sor.u32 s6, s24;
	_ =	strace $0x80000047;
	s12 =	smul.u32 $0x2800, s6  }
0x8: {  	s8 =	ssub.s32 $0x2, s6;
	s7 =	smul.u32 $0x500, s4;
	s4 =	sadd.s32 $0x16E00, s5  }
0x9: {  	s25 =	sshrl.u32 s8, $0x1;
	s19 =	sor.u32 $0x10, s14;
	s20 =	sor.u32 $0x20, s14  }
0xa: {  	s21 =	sor.u32 $0x30, s14;
	s22 =	sadd.s32 $0x80, s14;
	s23 =	sor.u32 $0x40, s14  }
0xb: {  	s24 =	sadd.s32 $0x100, s14;
	s18 =	sadd.s32 $0x180, s14;
	s15 =	sadd.s32 $0x200, s14  }
0xc: {  	s31 =	sor.u32 $0x60, s14;
	s17 =	ssub.s32 s8, s25;
	s28 =	sshll.u32 s22, $0x4  }
0xd: {  	s29 =	sshll.u32 s24, $0x4;
	s30 =	sshll.u32 s18, $0x4;
	s9 =	sadd.s32 s14, s12  }
0xe: {  	v39 =	vlaneseq.u32;
	s10 =	sadd.s32 s12, s22;
	s11 =	sadd.s32 s12, s24;
	s25 =	sadd.s32 s12, s18  }
0xf: {  	v2 =	vor.u32 s21, v39;
	v3 =	vor.u32 s23, v39;
	s21 =	sadd.s32 $0xB0, s14;
	s23 =	sadd.s32 $0xC0, s14;
	v5 =	vor.u32 s31, v39;
	s31 =	sadd.s32 $0xD0, s14  }
0x10: {  	v1 =	vor.u32 s20, v39;
	v7 =	vor.u32 s22, v39;
	s20 =	sadd.s32 $0x110, s14;
	s22 =	sadd.s32 $0x120, s14;
	v15 =	vor.u32 s24, v39;
	s24 =	sadd.s32 $0x170, s14  }
0x11: {  	v0 =	vor.u32 s19, v39;
	v23 =	vor.u32 s18, v39;
	s18 =	sadd.s32 $0x220, s14;
	s19 =	simm.s32 $0x2;
	s16 =	sadd.s32 s7, s5  }
0x12: {  	s5 =	sadd.s32 s4, s26;
	s6 =	sadd.s32 s4, s28;
	s7 =	sadd.s32 s4, s29  }
0x13: {  	s8 =	sadd.s32 s4, s30;
	s9 =	sshll.u32 s9, $0x4;
	s10 =	sshll.u32 s10, $0x4  }
0x14: {  	s11 =	sshll.u32 s11, $0x4;
	s25 =	sshll.u32 s25, $0x4;
	s26 =	sadd.s32 s12, s15  }
0x15: {  	s28 =	sor.u32 $0x70, s14;
	s29 =	sadd.s32 $0x90, s14;
	s30 =	sadd.s32 $0xA0, s14  }
0x16: {  	v10 =	vor.u32 s21, v39;
	v11 =	vor.u32 s23, v39;
	v12 =	vor.u32 s31, v39;
	s21 =	sadd.s32 $0x140, s14;
	s23 =	sadd.s32 $0x150, s14;
	s31 =	sadd.s32 $0x160, s14  }
0x17: {  	v16 =	vor.u32 s20, v39;
	v17 =	vor.u32 s22, v39;
	s20 =	sadd.s32 $0x1B0, s14;
	s22 =	sadd.s32 $0x1C0, s14;
	v22 =	vor.u32 s24, v39;
	s24 =	sadd.s32 $0x230, s14  }
0x18: {  	s17 =	smax.u32 s17, $0x1;
	v34 =	vor.u32 s18, v39;
	s18 =	simm.s32 $0x5080;
	s9 =	sadd.s32 s13, s9  }
0x19: {  	v29 =	vor.u32 s14, v39;
	s10 =	sadd.s32 s13, s10;
	s11 =	sadd.s32 s13, s11;
	s12 =	sadd.s32 s13, s25  }
0x1a: {  	v32 =	vor.u32 s15, v39;
	s25 =	sshll.u32 s26, $0x4;
	s26 =	sor.u32 $0x50, s14;
	v6 =	vor.u32 s28, v39;
	s28 =	sadd.s32 $0xF0, s14;
	v8 =	vor.u32 s29, v39  }
0x1b: {  	v9 =	vor.u32 s30, v39;
	s30 =	sadd.s32 $0x130, s14;
	v19 =	vor.u32 s21, v39;
	v21 =	vor.u32 s31, v39;
	s31 =	sadd.s32 $0x1E0, s14;
	s21 =	sadd.s32 $0x1F0, s14  }
0x1c: {  	v20 =	vor.u32 s23, v39;
	s23 =	sadd.s32 $0x210, s14;
	v26 =	vor.u32 s20, v39;
	v27 =	vor.u32 s22, v39;
	s22 =	sadd.s32 $0x250, s14;
	s20 =	simm.s32 $0x80  }
0x1d: {  	v4 =	vor.u32 s26, v39;
	s26 =	sadd.s32 $0xE0, s14;
	v14 =	vor.u32 s28, v39;
	s28 =	sadd.s32 $0x1A0, s14;
	v18 =	vor.u32 s30, v39;
	s30 =	sadd.s32 $0x1D0, s14  }
0x1e: {  	v35 =	vor.u32 s24, v39;
	s13 =	sadd.s32 s13, s25;
	s25 =	sshll.u32 s15, $0x4;
	v30 =	vor.u32 s31, v39;
	s31 =	sadd.s32 $0x270, s14;
	v31 =	vor.u32 s21, v39  }
0x1f: {  	v33 =	vor.u32 s23, v39;
	s15 =	sadd.s32 $0x2E00, s16;
	s16 =	sadd.s32 $0xCE00, s16;
	v37 =	vor.u32 s22, v39;
	v13 =	vor.u32 s26, v39;
	s26 =	sadd.s32 $0x190, s14  }
0x20: {  	s21 =	simm.s32 $0x2880;
	v25 =	vor.u32 s28, v39;
	v28 =	vor.u32 s30, v39;
	s30 =	sadd.s32 $0x260, s14;
	v24 =	vor.u32 s26, v39;
	s26 =	sadd.s32 $0x240, s14  }
0x21: {  	s22 =	simm.s32 $0x1;
	s23 =	simm.s32 $0x0;
	s14 =	sadd.s32 s4, s25;
	v38 =	vor.u32 s30, v39;
	v36 =	vor.u32 s26, v39;
	v39 =	vor.u32 s31, v39  }
.LBB2_1:
0x22: {  	[tilespmem:$0x0] =	vst v29  }
0x23: {  	[tilespmem:$0x10] =	vst v0  }
0x24: {  	[tilespmem:$0x20] =	vst v1  }
0x25: {  	[tilespmem:$0x30] =	vst v2  }
0x26: {  	[tilespmem:$0x40] =	vst v3  }
0x27: {  	[tilespmem:$0x50] =	vst v4  }
0x28: {  	[tilespmem:$0x60] =	vst v5  }
0x29: {  	[tilespmem:$0x70] =	vst v6  }
0x2a: {  	[tilespmem:s18], [sflag:$0x2] =	stream.linear.gather [hbm4b:s5+s3], $0x4000, $0x38;
	[tilespmem:$0x1D080] =	vst v63  }
0x2b: {  	_ =	swait.ge [sflag:s19], $0x4000  }
0x2c: {  	[sflag:s19] =	ssyncset.done $0x0  }
0x2d: {  	[sflag:s19] =	ssyncadd.s32 $0xFFFFC000  }
0x2e: {  	[spmem:s2] =	stream.indirect.scatter [tilespmem:s18], [sflag:$0x2], $0x80, s3, s20, $0xb8;
	[tilespmem:$0x1D080] =	vst v63  }
0x2f: {  	_ =	swait.ge [sflag:s19], $0x4000  }
0x30: {  	[sflag:s19] =	ssyncset.done $0x0  }
0x31: {  	[sflag:s19] =	ssyncadd.s32 $0xFFFFC000  }
0x32: {  	[tilespmem:$0x0] =	vst v7  }
0x33: {  	[tilespmem:$0x10] =	vst v8  }
0x34: {  	[tilespmem:$0x20] =	vst v9  }
0x35: {  	[tilespmem:$0x30] =	vst v10  }
0x36: {  	[tilespmem:$0x40] =	vst v11  }
0x37: {  	[tilespmem:$0x50] =	vst v12  }
0x38: {  	[tilespmem:$0x60] =	vst v13  }
0x39: {  	[tilespmem:$0x70] =	vst v14  }
0x3a: {  	[tilespmem:s18], [sflag:$0x2] =	stream.linear.gather [hbm4b:s6+s3], $0x4000, $0x38;
	[tilespmem:$0x1D080] =	vst v63  }
0x3b: {  	_ =	swait.ge [sflag:s19], $0x4000  }
0x3c: {  	[sflag:s19] =	ssyncset.done $0x0  }
0x3d: {  	[sflag:s19] =	ssyncadd.s32 $0xFFFFC000  }
0x3e: {  	[spmem:s2] =	stream.indirect.scatter [tilespmem:s18], [sflag:$0x2], $0x80, s3, s20, $0xb8;
	[tilespmem:$0x1D080] =	vst v63  }
0x3f: {  	_ =	swait.ge [sflag:s19], $0x4000  }
0x40: {  	[sflag:s19] =	ssyncset.done $0x0  }
0x41: {  	[sflag:s19] =	ssyncadd.s32 $0xFFFFC000  }
0x42: {  	[tilespmem:$0x0] =	vst v15  }
0x43: {  	[tilespmem:$0x10] =	vst v16  }
0x44: {  	[tilespmem:$0x20] =	vst v17  }
0x45: {  	[tilespmem:$0x30] =	vst v18  }
0x46: {  	[tilespmem:$0x40] =	vst v19  }
0x47: {  	[tilespmem:$0x50] =	vst v20  }
0x48: {  	[tilespmem:$0x60] =	vst v21  }
0x49: {  	[tilespmem:$0x70] =	vst v22  }
0x4a: {  	[tilespmem:s18], [sflag:$0x2] =	stream.linear.gather [hbm4b:s7+s3], $0x4000, $0x38;
	[tilespmem:$0x1D080] =	vst v63  }
0x4b: {  	_ =	swait.ge [sflag:s19], $0x4000  }
0x4c: {  	[sflag:s19] =	ssyncset.done $0x0  }
0x4d: {  	[sflag:s19] =	ssyncadd.s32 $0xFFFFC000  }
0x4e: {  	[spmem:s2] =	stream.indirect.scatter [tilespmem:s18], [sflag:$0x2], $0x80, s3, s20, $0xb8;
	[tilespmem:$0x1D080] =	vst v63  }
0x4f: {  	_ =	swait.ge [sflag:s19], $0x4000  }
0x50: {  	[sflag:s19] =	ssyncset.done $0x0  }
0x51: {  	[sflag:s19] =	ssyncadd.s32 $0xFFFFC000  }
0x52: {  	[tilespmem:$0x0] =	vst v23  }
0x53: {  	[tilespmem:$0x10] =	vst v24  }
0x54: {  	[tilespmem:$0x20] =	vst v25  }
0x55: {  	[tilespmem:$0x30] =	vst v26  }
0x56: {  	[tilespmem:$0x40] =	vst v27  }
0x57: {  	[tilespmem:$0x50] =	vst v28  }
0x58: {  	[tilespmem:$0x60] =	vst v30  }
0x59: {  	[tilespmem:$0x70] =	vst v31  }
0x5a: {  	[tilespmem:s18], [sflag:$0x2] =	stream.linear.gather [hbm4b:s8+s3], $0x4000, $0x38;
	[tilespmem:$0x1D080] =	vst v63  }
0x5b: {  	_ =	swait.ge [sflag:s19], $0x4000  }
0x5c: {  	[sflag:s19] =	ssyncset.done $0x0  }
0x5d: {  	[sflag:s19] =	ssyncadd.s32 $0xFFFFC000  }
0x5e: {  	[spmem:s2] =	stream.indirect.scatter [tilespmem:s18], [sflag:$0x2], $0x80, s3, s20, $0xb8;
	[tilespmem:$0x1D080] =	vst v63  }
0x5f: {  	_ =	swait.ge [sflag:s19], $0x4000  }
0x60: {  	[sflag:s19] =	ssyncset.done $0x0  }
0x61: {  	[sflag:s19] =	ssyncadd.s32 $0xFFFFC000  }
0x62: {  	[tilespmem:$0x0] =	vst v32  }
0x63: {  	[tilespmem:$0x10] =	vst v33  }
0x64: {  	[tilespmem:$0x20] =	vst v34  }
0x65: {  	[tilespmem:$0x30] =	vst v35  }
0x66: {  	[tilespmem:$0x40] =	vst v36  }
0x67: {  	[tilespmem:$0x50] =	vst v37  }
0x68: {  	[tilespmem:$0x60] =	vst v38  }
0x69: {  	[tilespmem:$0x70] =	vst v39  }
0x6a: {  	[tilespmem:s18], [sflag:$0x2] =	stream.linear.gather [hbm4b:s14+s3], $0x4000, $0x38;
	[tilespmem:$0x1D080] =	vst v63  }
0x6b: {  	_ =	swait.ge [sflag:s19], $0x4000  }
0x6c: {  	[sflag:s19] =	ssyncset.done $0x0  }
0x6d: {  	[sflag:s19] =	ssyncadd.s32 $0xFFFFC000  }
0x6e: {  	[spmem:s2] =	stream.indirect.scatter [tilespmem:s18], [sflag:$0x2], $0x80, s3, s20, $0xb8;
	[tilespmem:$0x1D080] =	vst v63  }
0x6f: {  	_ =	swait.ge [sflag:s19], $0x4000  }
0x70: {  	[sflag:s19] =	ssyncset.done $0x0  }
0x71: {  	[sflag:s19] =	ssyncadd.s32 $0xFFFFC000  }
0x72: {  	[tilespmem:s20], [sflag:$0x2] =	stream.linear.gather [hbm4b:s15+s3], $0x2780, $0x38;
	[tilespmem:$0x1D080] =	vst v63  }
0x73: {  	_ =	swait.ge [sflag:s19], $0x2780  }
0x74: {  	[sflag:s19] =	ssyncset.done $0x0  }
0x75: {  	[sflag:s19] =	ssyncadd.s32 $0xFFFFD880  }
0x76: {  	[tilespmem:s21], [sflag:$0x2] =	stream.linear.gather [hbm4b:s16+s3], $0x2780, $0x38;
	[tilespmem:$0x1D080] =	vst v63  }
0x77: {  	_ =	swait.ge [sflag:s19], $0x2780  }
0x78: {  	[sflag:s19] =	ssyncset.done $0x0  }
0x79: {  	[sflag:s19] =	ssyncadd.s32 $0xFFFFD880  }
0x7a: {  	s24 =	simm.s32 $0x80;
	[bflag:$0x0] =	sbarrier.arrive $0xFFFF  }
0x7b: {  	[tilespmem:s18], [sflag:$0x1] =	stream.indirect.gather [hbm4b:s4+s20], $0x80, s24, s20, $0xb8;
	[tilespmem:$0x1D080] =	vst v63  }
0x7c: {  	_ =	swait.ge [sflag:s22], $0x4000  }
0x7d: {  	[sflag:s22] =	ssyncset.done $0x0  }
0x7e: {  	s31 =	simm.s32 $0x2880;
	[sflag:s22] =	ssyncadd.s32 $0xFFFFC000  }
0x7f: {  	[spmem:s2] =	stream.indirect.scatter.add.f32 [tilespmem:s18], [sflag:$0x2], $0x80, s31, s20, $0xb8;
	[tilespmem:$0x1D080] =	vst v63  }
0x80: {  	_ =	swait.ge [sflag:s19], $0x4000  }
0x81: {  	s25 =	simm.s32 $0x400;
	s24 =	simm.s32 $0x80;
	[sflag:s19] =	ssyncset.done $0x0  }
.LBB2_2:
0x82: {  	s26 =	sadd.s32 $0x80, s24  }
0x83: {  	[sflag:s19] =	ssyncadd.s32 $0xFFFFC000;
	s28 =	smov.u32 s25;
	s29 =	sadd.s32 $0x200, s25  }
0x84: {  	[tilespmem:s18], [sflag:$0x1] =	stream.indirect.gather [hbm4b:s4+s20], $0x80, s26, s20, $0xb8;
	[tilespmem:$0x1D080] =	vst v63  }
0x85: {  	p0 =	sne.s32 s25, $0x9C00;
	_ =	swait.ge [sflag:s22], $0x4000  }
.Ltmp0:
0x86: {  	[sflag:s22] =	ssyncset.done $0x0;
	(pc) =	sbr.rel @p0 .LBB2_2-.Ltmp0, $4  }
0x87: {  	s24 =	sadd.s32 $0x2880, s24;
	[sflag:s22] =	ssyncadd.s32 $0xFFFFC000  }
0x88: {  	[spmem:s2] =	stream.indirect.scatter.add.f32 [tilespmem:s18], [sflag:$0x2], $0x80, s24, s20, $0xb8;
	[tilespmem:$0x1D080] =	vst v63  }
0x89: {  	_ =	swait.ge [sflag:s19], $0x4000  }
0x8a: {  	s25 =	smov.u32 s29;
	s24 =	sshra.s32 s28, $0x2;
	[sflag:s19] =	ssyncset.done $0x0  }
0x8b: {  	s25 =	sadd.s32 $0x80, s24;
	[sflag:s19] =	ssyncadd.s32 $0xFFFFC000  }
0x8c: {  	[tilespmem:s18], [sflag:$0x1] =	stream.indirect.gather [hbm4b:s4+s20], $0x80, s25, s20, $0xb8;
	[tilespmem:$0x1D080] =	vst v63  }
0x8d: {  	_ =	swait.ge [sflag:s22], $0x4000  }
0x8e: {  	[sflag:s22] =	ssyncset.done $0x0  }
0x8f: {  	s31 =	sadd.s32 $0x2880, s24;
	[sflag:s22] =	ssyncadd.s32 $0xFFFFC000  }
0x90: {  	[spmem:s2] =	stream.indirect.scatter.add.f32 [tilespmem:s18], [sflag:$0x2], $0x80, s31, s20, $0xb8;
	[tilespmem:$0x1D080] =	vst v63  }
0x91: {  	_ =	swait.ge [sflag:s19], $0x4000  }
0x92: {  	[sflag:s19] =	ssyncset.done $0x0  }
0x93: {  	[sflag:s19] =	ssyncadd.s32 $0xFFFFC000  }
0x94: {  	[bflag:$0x0] =	sbarrier.arrive $0xFFFF  }
0x95: {  	[tilespmem:$0x0] =	vst v29  }
0x96: {  	[tilespmem:$0x10] =	vst v0  }
0x97: {  	[tilespmem:$0x20] =	vst v1  }
0x98: {  	[tilespmem:$0x30] =	vst v2  }
0x99: {  	[tilespmem:$0x40] =	vst v3  }
0x9a: {  	[tilespmem:$0x50] =	vst v4  }
0x9b: {  	[tilespmem:$0x60] =	vst v5  }
0x9c: {  	[tilespmem:$0x70] =	vst v6  }
0x9d: {  	[tilespmem:s18], [sflag:$0x1] =	stream.indirect.gather [spmem:s2], $0x80, s3, s20, $0xb8;
	[tilespmem:$0x1D080] =	vst v63  }
0x9e: {  	_ =	swait.ge [sflag:s22], $0x4000  }
0x9f: {  	[sflag:s22] =	ssyncset.done $0x0  }
0xa0: {  	[sflag:s22] =	ssyncadd.s32 $0xFFFFC000  }
0xa1: {  	[hbm4b:s9+s3] =	stream.linear.scatter [tilespmem:s18], [sflag:$0x2], $0x4000, $0x38;
	[tilespmem:$0x1D080] =	vst v63  }
0xa2: {  	_ =	swait.ge [sflag:s19], $0x4000  }
0xa3: {  	[sflag:s19] =	ssyncset.done $0x0  }
0xa4: {  	[sflag:s19] =	ssyncadd.s32 $0xFFFFC000  }
0xa5: {  	[tilespmem:$0x0] =	vst v7  }
0xa6: {  	[tilespmem:$0x10] =	vst v8  }
0xa7: {  	[tilespmem:$0x20] =	vst v9  }
0xa8: {  	[tilespmem:$0x30] =	vst v10  }
0xa9: {  	[tilespmem:$0x40] =	vst v11  }
0xaa: {  	[tilespmem:$0x50] =	vst v12  }
0xab: {  	[tilespmem:$0x60] =	vst v13  }
0xac: {  	[tilespmem:$0x70] =	vst v14  }
0xad: {  	[tilespmem:s18], [sflag:$0x1] =	stream.indirect.gather [spmem:s2], $0x80, s3, s20, $0xb8;
	[tilespmem:$0x1D080] =	vst v63  }
0xae: {  	_ =	swait.ge [sflag:s22], $0x4000  }
0xaf: {  	[sflag:s22] =	ssyncset.done $0x0  }
0xb0: {  	[sflag:s22] =	ssyncadd.s32 $0xFFFFC000  }
0xb1: {  	[hbm4b:s10+s3] =	stream.linear.scatter [tilespmem:s18], [sflag:$0x2], $0x4000, $0x38;
	[tilespmem:$0x1D080] =	vst v63  }
0xb2: {  	_ =	swait.ge [sflag:s19], $0x4000  }
0xb3: {  	[sflag:s19] =	ssyncset.done $0x0  }
0xb4: {  	[sflag:s19] =	ssyncadd.s32 $0xFFFFC000  }
0xb5: {  	[tilespmem:$0x0] =	vst v15  }
0xb6: {  	[tilespmem:$0x10] =	vst v16  }
0xb7: {  	[tilespmem:$0x20] =	vst v17  }
0xb8: {  	[tilespmem:$0x30] =	vst v18  }
0xb9: {  	[tilespmem:$0x40] =	vst v19  }
0xba: {  	[tilespmem:$0x50] =	vst v20  }
0xbb: {  	[tilespmem:$0x60] =	vst v21  }
0xbc: {  	[tilespmem:$0x70] =	vst v22  }
0xbd: {  	[tilespmem:s18], [sflag:$0x1] =	stream.indirect.gather [spmem:s2], $0x80, s3, s20, $0xb8;
	[tilespmem:$0x1D080] =	vst v63  }
0xbe: {  	_ =	swait.ge [sflag:s22], $0x4000  }
0xbf: {  	[sflag:s22] =	ssyncset.done $0x0  }
0xc0: {  	[sflag:s22] =	ssyncadd.s32 $0xFFFFC000  }
0xc1: {  	[hbm4b:s11+s3] =	stream.linear.scatter [tilespmem:s18], [sflag:$0x2], $0x4000, $0x38;
	[tilespmem:$0x1D080] =	vst v63  }
0xc2: {  	_ =	swait.ge [sflag:s19], $0x4000  }
0xc3: {  	[sflag:s19] =	ssyncset.done $0x0  }
0xc4: {  	[sflag:s19] =	ssyncadd.s32 $0xFFFFC000  }
0xc5: {  	[tilespmem:$0x0] =	vst v23  }
0xc6: {  	[tilespmem:$0x10] =	vst v24  }
0xc7: {  	[tilespmem:$0x20] =	vst v25  }
0xc8: {  	[tilespmem:$0x30] =	vst v26  }
0xc9: {  	[tilespmem:$0x40] =	vst v27  }
0xca: {  	[tilespmem:$0x50] =	vst v28  }
0xcb: {  	[tilespmem:$0x60] =	vst v30  }
0xcc: {  	[tilespmem:$0x70] =	vst v31  }
0xcd: {  	[tilespmem:s18], [sflag:$0x1] =	stream.indirect.gather [spmem:s2], $0x80, s3, s20, $0xb8;
	[tilespmem:$0x1D080] =	vst v63  }
0xce: {  	_ =	swait.ge [sflag:s22], $0x4000  }
0xcf: {  	[sflag:s22] =	ssyncset.done $0x0  }
0xd0: {  	[sflag:s22] =	ssyncadd.s32 $0xFFFFC000  }
0xd1: {  	[hbm4b:s12+s3] =	stream.linear.scatter [tilespmem:s18], [sflag:$0x2], $0x4000, $0x38;
	[tilespmem:$0x1D080] =	vst v63  }
0xd2: {  	_ =	swait.ge [sflag:s19], $0x4000  }
0xd3: {  	[sflag:s19] =	ssyncset.done $0x0  }
0xd4: {  	[sflag:s19] =	ssyncadd.s32 $0xFFFFC000  }
0xd5: {  	[tilespmem:$0x0] =	vst v32  }
0xd6: {  	[tilespmem:$0x10] =	vst v33  }
0xd7: {  	[tilespmem:$0x20] =	vst v34  }
0xd8: {  	[tilespmem:$0x30] =	vst v35  }
0xd9: {  	[tilespmem:$0x40] =	vst v36  }
0xda: {  	[tilespmem:$0x50] =	vst v37  }
0xdb: {  	[tilespmem:$0x60] =	vst v38  }
0xdc: {  	[tilespmem:$0x70] =	vst v39  }
0xdd: {  	[tilespmem:s18], [sflag:$0x1] =	stream.indirect.gather [spmem:s2], $0x80, s3, s20, $0xb8;
	[tilespmem:$0x1D080] =	vst v63  }
0xde: {  	s23 =	sadd.s32 $0x1, s23;
	_ =	swait.ge [sflag:s22], $0x4000  }
0xdf: {  	p0 =	sne.s32 s23, s17;
	[sflag:s22] =	ssyncset.done $0x0  }
.Ltmp1:
0xe0: {  	[sflag:s22] =	ssyncadd.s32 $0xFFFFC000;
	(pc) =	sbr.rel @p0 .LBB2_1-.Ltmp1, $4  }
0xe1: {  	[hbm4b:s13+s3] =	stream.linear.scatter [tilespmem:s18], [sflag:$0x2], $0x4000, $0x38;
	[tilespmem:$0x1D080] =	vst v63  }
0xe2: {  	_ =	swait.ge [sflag:s19], $0x4000  }
0xe3: {  	[sflag:s19] =	ssyncset.done $0x0  }
0xe4: {  	[sflag:s19] =	ssyncadd.s32 $0xFFFFC000  }
0xe5: {  	_ =	sfence.sel $0x180000  }
0xe6: {  	[bflag:$0x0] =	sbarrier.arrive $0xFFFF  }
0xe7: {  	p0 =	sne.s32 s1, $0x0;
	_ =	strace $0x90000047  }
0xe8: {  	s0 =	sadd.s32 @!p0 $0x100000, s0;
	[bflag:$0x2] =	sbarrier.arrive $0xFFFF  }
0xe9: {  	[sflag:s0] =	ssyncadd.tile.s32 @!p0 $0x1;
	_ =	shalt  }
.Lfunc_end2:
_tile_overlayer_lowered:
.L_overlay_start_2:
0xea: {  	(tag) =	ssettag $0x2  }
0xeb: {  	s0 =	rddreg [dreg:$0x0];
	s2 =	stileid.u32  }
0xec: {  	s1 =	rddreg [dreg:$0x1];
	p0 =	sne.s32 s2, $0x0  }
0xed: {  	s3 =	rddreg [dreg:$0x2];
	[bflag:$0x3] =	sbarrier.arrive $0xFFFF;
	s2 =	simm.s32 @!p0 $0x1C02  }
0xee: {  	[timem:s3], [sflag:s2] =	dma.local @!p0 [hbm:s0], s1  }
0xef: {  	s0 =	simm.s32 @!p0 $0x2  }
0xf0: {  	_ =	swait.ge @!p0 [sflag:s0], s1  }
0xf1: {  	s1 =	ssub.s32 @!p0 $0x0, s1;
	[sflag:s0] =	ssyncset.done @!p0 $0x0  }
0xf2: {  	[sflag:s0] =	ssyncadd.s32 @!p0 s1  }
0xf3: {  	[bflag:$0x3] =	sbarrier.arrive $0xFFFF  }
0xf4: {  	_ =	shalt  }

</sc_bundles>
